<compile_context>
chip_gen: v7x
topology: tpu7x:2x2x1
jax: 0.10.2.dev20260603
libtpu: 0.0.44.dev20260713+nightly
codegen_flags: <defaults>
</compile_context>

<pallas_src>
import functools

import jax
import jax.numpy as jnp
from jax import lax
from jax.experimental import pallas as pl
from jax.experimental.pallas import tpu as pltpu
from jax.experimental.pallas import tpu_sc as plsc

N_NODES = 10000
D = 128
N_EDGES = 320000

NC = 2
NS = 16
NW = NC * NS

E_CHUNK = 128
CHUNKS_PER_W = 80
E_PER_W = E_CHUNK * CHUNKS_PER_W
E_PAD = E_PER_W * NW

ACC_ROWS = 10112
ROWS_PER_TILE = ACC_ROWS // NS


def _mesh():
    return plsc.VectorSubcoreMesh(core_axis_name="c", subcore_axis_name="s")


def _deg_body(dst_hbm, out_hbm, dst_v, deg_v):
    c = lax.axis_index("c")
    s = lax.axis_index("s")
    w = s * NC + c
    zeros16 = jnp.zeros((16,), jnp.float32)
    ones16 = jnp.ones((16,), jnp.float32)

    def zero_body(i, _):
        deg_v[pl.ds(i * 16, 16)] = zeros16
        return 0

    lax.fori_loop(0, ACC_ROWS // 16, zero_body, 0)
    pltpu.sync_copy(dst_hbm.at[w], dst_v)

    def cnt_body(i, _):
        idx = dst_v[pl.ds(i * 16, 16)]
        plsc.addupdate_scatter(deg_v, [idx], ones16)
        return 0

    lax.fori_loop(0, E_PER_W // 16, cnt_body, 0)
    pltpu.sync_copy(deg_v, out_hbm.at[w])


_deg_kernel = functools.partial(
    pl.kernel,
    out_type=jax.ShapeDtypeStruct((NW, ACC_ROWS), jnp.float32),
    mesh=_mesh(),
    scratch_types=[
        pltpu.VMEM((E_PER_W,), jnp.int32),
        pltpu.VMEM((ACC_ROWS,), jnp.float32),
    ],
    compiler_params=pltpu.CompilerParams(needs_layout_passes=False),
)(_deg_body)


NBUF = 2
SD = 4


def _agg_body(hs_hbm, idx_hbm, zeros_hbm, out_hbm,
              idx_ring, rows_v, acc_sh, gsems, ssems, isems):
    c = lax.axis_index("c")
    s = lax.axis_index("s")
    w = s * NC + c

    pltpu.sync_copy(zeros_hbm, acc_sh.at[pl.ds(s * ROWS_PER_TILE, ROWS_PER_TILE)])
    plsc.subcore_barrier()

    def fetch_idx(chunk, slot):
        pltpu.make_async_copy(idx_hbm.at[w, chunk], idx_ring.at[slot],
                              isems.at[slot]).start()

    def wait_idx(chunk, slot):
        pltpu.make_async_copy(idx_hbm.at[w, chunk], idx_ring.at[slot],
                              isems.at[slot]).wait()

    def start_gather(chunk, b, slot):
        pltpu.make_async_copy(hs_hbm.at[idx_ring.at[slot, 0]], rows_v.at[b],
                              gsems.at[b]).start()

    def wait_gather(b, slot):
        pltpu.make_async_copy(hs_hbm.at[idx_ring.at[slot, 0]], rows_v.at[b],
                              gsems.at[b]).wait()

    def start_scatter(b, slot):
        pltpu.make_async_copy(rows_v.at[b], acc_sh.at[idx_ring.at[slot, 1]],
                              ssems.at[b]).start(add=True)

    def wait_scatter(b, slot):
        pltpu.make_async_copy(rows_v.at[b], acc_sh.at[idx_ring.at[slot, 1]],
                              ssems.at[b]).wait()

    for k in range(SD):
        fetch_idx(k, k)
    wait_idx(0, 0)
    start_gather(0, 0, 0)

    def body(cc, _):
        for r in range(SD):
            chunk = cc * SD + r
            b = r % NBUF
            slot = r

            wait_gather(b, slot)
            start_scatter(b, slot)

            @pl.when(chunk >= 1)
            def _():
                wait_scatter((b + 1) % NBUF, (slot + SD - 1) % SD)

            @pl.when(jnp.logical_and(chunk >= 1, chunk + 3 < CHUNKS_PER_W))
            def _():
                fetch_idx(chunk + 3, (slot + 3) % SD)

            @pl.when(chunk + 1 < CHUNKS_PER_W)
            def _():
                wait_idx(chunk + 1, (slot + 1) % SD)
                start_gather(chunk + 1, (b + 1) % NBUF, (slot + 1) % SD)
        return 0

    lax.fori_loop(0, CHUNKS_PER_W // SD, body, 0, unroll=False)
    wait_scatter((CHUNKS_PER_W - 1) % NBUF, (CHUNKS_PER_W - 1) % SD)
    plsc.subcore_barrier()
    pltpu.sync_copy(acc_sh.at[pl.ds(s * ROWS_PER_TILE, ROWS_PER_TILE)],
                    out_hbm.at[c, pl.ds(s * ROWS_PER_TILE, ROWS_PER_TILE)])


_agg_kernel = functools.partial(
    pl.kernel,
    out_type=jax.ShapeDtypeStruct((NC, ACC_ROWS, D), jnp.float32),
    mesh=_mesh(),
    scratch_types=[
        pltpu.VMEM((SD, 2, E_CHUNK), jnp.int32),
        pltpu.VMEM((NBUF, E_CHUNK, D), jnp.float32),
        pltpu.VMEM_SHARED((ACC_ROWS, D), jnp.float32),
        pltpu.SemaphoreType.DMA((NBUF,)),
        pltpu.SemaphoreType.DMA((NBUF,)),
        pltpu.SemaphoreType.DMA((SD,)),
    ],
)(_agg_body)


BLK = 200


def _dis(degp_blk):
    deg = jnp.sum(degp_blk, axis=0) + 1.0
    return lax.rsqrt(deg)


def _mm_scale_body(x_ref, w_ref, degp_ref, o_ref):
    h = jax.lax.dot_general(x_ref[...], w_ref[...],
                            (((1,), (0,)), ((), ())),
                            preferred_element_type=jnp.float32)
    o_ref[...] = h * _dis(degp_ref[...])


def _mm_scale(x, w, degp):
    return pl.pallas_call(
        _mm_scale_body,
        grid=(N_NODES // BLK,),
        in_specs=[
            pl.BlockSpec((BLK, D), lambda i: (i, 0)),
            pl.BlockSpec((D, D), lambda i: (0, 0)),
            pl.BlockSpec((NW, BLK, 1), lambda i: (0, i, 0)),
        ],
        out_specs=pl.BlockSpec((BLK, D), lambda i: (i, 0)),
        out_shape=jax.ShapeDtypeStruct((N_NODES, D), jnp.float32),
    )(x, w, degp)


def _mid_body(p0_ref, p1_ref, hs_ref, degp_ref, b_ref, w_ref, o_ref):
    dis = _dis(degp_ref[...])
    t = (p0_ref[...] + p1_ref[...] + hs_ref[...]) * dis + b_ref[...]
    t = jnp.maximum(t, 0.0)
    h = jax.lax.dot_general(t, w_ref[...], (((1,), (0,)), ((), ())),
                            preferred_element_type=jnp.float32)
    o_ref[...] = h * dis


def _mid(p0, p1, hs, degp, b, w):
    return pl.pallas_call(
        _mid_body,
        grid=(N_NODES // BLK,),
        in_specs=[
            pl.BlockSpec((BLK, D), lambda i: (i, 0)),
            pl.BlockSpec((BLK, D), lambda i: (i, 0)),
            pl.BlockSpec((BLK, D), lambda i: (i, 0)),
            pl.BlockSpec((NW, BLK, 1), lambda i: (0, i, 0)),
            pl.BlockSpec((1, D), lambda i: (0, 0)),
            pl.BlockSpec((D, D), lambda i: (0, 0)),
        ],
        out_specs=pl.BlockSpec((BLK, D), lambda i: (i, 0)),
        out_shape=jax.ShapeDtypeStruct((N_NODES, D), jnp.float32),
    )(p0, p1, hs, degp, b, w)


def _final_body(p0_ref, p1_ref, hs_ref, degp_ref, b_ref, o_ref):
    dis = _dis(degp_ref[...])
    o_ref[...] = (p0_ref[...] + p1_ref[...] + hs_ref[...]) * dis + b_ref[...]


def _final(p0, p1, hs, degp, b):
    return pl.pallas_call(
        _final_body,
        grid=(N_NODES // BLK,),
        in_specs=[
            pl.BlockSpec((BLK, D), lambda i: (i, 0)),
            pl.BlockSpec((BLK, D), lambda i: (i, 0)),
            pl.BlockSpec((BLK, D), lambda i: (i, 0)),
            pl.BlockSpec((NW, BLK, 1), lambda i: (0, i, 0)),
            pl.BlockSpec((1, D), lambda i: (0, 0)),
        ],
        out_specs=pl.BlockSpec((BLK, D), lambda i: (i, 0)),
        out_shape=jax.ShapeDtypeStruct((N_NODES, D), jnp.float32),
    )(p0, p1, hs, degp, b)


def kernel(x, edge_index, W1, b1, W2, b2):
    src = edge_index[0].astype(jnp.int32)
    dst = edge_index[1].astype(jnp.int32)
    pad = E_PAD - N_EDGES
    pad_ar = jnp.arange(pad, dtype=jnp.int32)
    srcp = jnp.concatenate([src, pad_ar % N_NODES])
    dstp = jnp.concatenate([dst, N_NODES + pad_ar % (ACC_ROWS - N_NODES)])
    src3 = srcp.reshape(NW, CHUNKS_PER_W, E_CHUNK)
    dst3 = dstp.reshape(NW, CHUNKS_PER_W, E_CHUNK)
    idx4 = jnp.stack([src3, dst3], axis=2)
    dst2 = dstp.reshape(NW, E_PER_W)
    zeros = jnp.zeros((ROWS_PER_TILE, D), jnp.float32)

    degp = _deg_kernel(dst2)
    degp = degp.reshape(NW, ACC_ROWS, 1)[:, :N_NODES, :]

    hs1 = _mm_scale(x, W1, degp)
    p = _agg_kernel(hs1, idx4, zeros)
    hs2 = _mid(p[0, :N_NODES], p[1, :N_NODES], hs1, degp,
               b1.reshape(1, D), W2)
    q = _agg_kernel(hs2, idx4, zeros)
    out = _final(q[0, :N_NODES], q[1, :N_NODES], hs2, degp,
                 b2.reshape(1, D))
    return out

# --- scband reference (transcript-rebuilt; emitter-appended) ---
"""Pipeline reference for scband-tsguard-88596585382702 (READ-ONLY COPY).

The authoritative reference and input builder live on the scoring server;
editing this copy changes nothing except your own understanding.
"""

import jax, jax.numpy as jnp
import numpy as np

NUM_NODES = 10000
D_IN = 128
D_HID = 128
D_OUT = 128
N_EDGES = 320000


def glorot(key, shape):
    limit = jnp.sqrt(6.0 / (shape[0] + shape[1]))
    return jax.random.uniform(key, shape, minval=-limit, maxval=limit, dtype=jnp.float32)


def setup_inputs(seed: int = 0) -> dict:
    key = jax.random.key(seed)
    k_x, k_e, k_w1, k_w2 = jax.random.split(key, 4)
    x = jax.random.normal(k_x, (NUM_NODES, D_IN), dtype=jnp.float32)
    edge_index = jax.random.randint(k_e, (2, N_EDGES), 0, NUM_NODES, dtype=jnp.int64 if jax.config.read('jax_enable_x64') else jnp.int32)
    W1 = glorot(k_w1, (D_IN, D_HID))
    b1 = jnp.zeros((D_HID,), dtype=jnp.float32)
    W2 = glorot(k_w2, (D_HID, D_OUT))
    b2 = jnp.zeros((D_OUT,), dtype=jnp.float32)
    return {"x": x, "edge_index": edge_index, "W1": W1, "b1": b1, "W2": W2, "b2": b2}


def gcn_conv(x, edge_index, W, b, num_nodes):
    # GCNConv: x' = D^{-1/2} (A + I) D^{-1/2} X W + b  (symmetric normalization, self-loops)
    src = edge_index[0]
    dst = edge_index[1]
    loop = jnp.arange(num_nodes, dtype=src.dtype)
    src = jnp.concatenate([src, loop])
    dst = jnp.concatenate([dst, loop])
    deg = jnp.zeros((num_nodes,), dtype=jnp.float32).at[dst].add(1.0)
    deg_inv_sqrt = jnp.where(deg > 0, deg ** -0.5, 0.0)
    norm = deg_inv_sqrt[src] * deg_inv_sqrt[dst]
    h = x @ W
    msg = h[src] * norm[:, None]
    out = jnp.zeros((num_nodes, W.shape[1]), dtype=jnp.float32).at[dst].add(msg)
    return out + b


def reference(x, edge_index, W1, b1, W2, b2):
    h = gcn_conv(x, edge_index, W1, b1, NUM_NODES)
    h = jax.nn.relu(h)
    out = gcn_conv(h, edge_index, W2, b2, NUM_NODES)
    return out

if __name__ == "__main__":
    import jax
    _d = setup_inputs()
    print(jax.jit(kernel)(*tuple(_d.values())))

</pallas_src>

<mosaic_0001>
#map = affine_map<(d0, d1) -> (0, 0)>
#map1 = affine_map<(d0, d1) -> (0, 0, 0, 0)>
#map2 = affine_map<(d0, d1) -> (0, 0, 0)>
module attributes {stable_mosaic.version = 14 : i64} {
  func.func @_agg_body(%arg0: i32, %arg1: i32, %arg2: memref<10000x128xf32, #tpu.memory_space<hbm>>, %arg3: memref<32x80x2x128xi32, #tpu.memory_space<hbm>>, %arg4: memref<632x128xf32, #tpu.memory_space<hbm>>, %arg5: memref<2x10112x128xf32, #tpu.memory_space<hbm>>, %arg6: memref<4x2x128xi32, #tpu.memory_space<vmem>>, %arg7: memref<2x128x128xf32, #tpu.memory_space<vmem>>, %arg8: memref<10112x128xf32, #tpu.memory_space<vmem_shared>>, %arg9: memref<2x!tpu.dma_semaphore, #tpu.memory_space<semaphore_mem>>, %arg10: memref<2x!tpu.dma_semaphore, #tpu.memory_space<semaphore_mem>>, %arg11: memref<4x!tpu.dma_semaphore, #tpu.memory_space<semaphore_mem>>) attributes {dimension_semantics = [#tpu.dimension_semantics<core_parallel>, #tpu.dimension_semantics<subcore_parallel>], iteration_bounds = array<i64: 2, 16>, scalar_prefetch = 0 : i64, scratch_operands = 6 : i64, tpu.core_type = #tpu.core_type<sc_vector_subcore>, window_params = [{transform_indices = #map}, {transform_indices = #map1}, {transform_indices = #map}, {transform_indices = #map2}]} {
    %mul3A = arith.constant 2 : i32
    %mul3A_0 = arith.muli %arg1, %mul3A : i32
    %add3A = arith.addi %mul3A_0, %arg0 : i32
    %mul3A_1 = arith.constant 632 : i32
    %mul3A_2 = arith.muli %arg1, %mul3A_1 : i32
    "tpu.region"() ({
      %run_scoped3A = tpu.sem_alloc : memref<!tpu.dma_semaphore, #tpu.memory_space<semaphore_mem>>
      %dma_start3A_149 = arith.constant 0 : i32
      %dma_start3A_150 = tpu.memref_slice %arg8[%mul3A_2, %dma_start3A_149] : memref<10112x128xf32, #tpu.memory_space<vmem_shared>> -> memref<632x128xf32, #tpu.memory_space<vmem_shared>>
      tpu.enqueue_dma source(%arg4 : memref<632x128xf32, #tpu.memory_space<hbm>>) target(%dma_start3A_150 : memref<632x128xf32, #tpu.memory_space<vmem_shared>>) target_semaphore(%run_scoped3A : memref<!tpu.dma_semaphore, #tpu.memory_space<semaphore_mem>>)
      %dma_wait3A_151 = arith.constant 0 : i32
      %dma_wait3A_152 = tpu.memref_slice %arg8[%mul3A_2, %dma_wait3A_151] : memref<10112x128xf32, #tpu.memory_space<vmem_shared>> -> memref<632x128xf32, #tpu.memory_space<vmem_shared>>
      tpu.wait_dma2 semaphore(%run_scoped3A : memref<!tpu.dma_semaphore, #tpu.memory_space<semaphore_mem>>) src(%arg4 : memref<632x128xf32, #tpu.memory_space<hbm>>) dst(%dma_wait3A_152 : memref<632x128xf32, #tpu.memory_space<vmem_shared>>)
      tpu.yield
    }) : () -> ()
    %barrier3A = arith.constant 0 : index
    tpu.barrier barrier_id(%barrier3A)
    %dma_start3A = arith.constant 0 : i32
    %dma_start3A_3 = arith.constant 0 : i32
    %dma_start3A_4 = arith.constant 0 : i32
    %dma_start3A_5 = arith.constant 0 : i32
    %dma_start3A_6 = arith.constant 0 : i32
    %dma_start3A_7 = tpu.memref_slice %arg6[%dma_start3A_3, %dma_start3A_5, %dma_start3A_6] : memref<4x2x128xi32, #tpu.memory_space<vmem>> -> memref<1x2x128xi32, #tpu.memory_space<vmem>>
    %dma_start3A_8 = tpu.memref_squeeze %dma_start3A_7 : memref<1x2x128xi32, #tpu.memory_space<vmem>> -> memref<2x128xi32, #tpu.memory_space<vmem>>
    %dma_start3A_9 = arith.constant 0 : i32
    %dma_start3A_10 = arith.constant 0 : i32
    %dma_start3A_11 = tpu.memref_slice %arg3[%add3A, %dma_start3A, %dma_start3A_9, %dma_start3A_10] : memref<32x80x2x128xi32, #tpu.memory_space<hbm>> -> memref<1x1x2x128xi32, #tpu.memory_space<hbm>>
    %dma_start3A_12 = tpu.memref_squeeze %dma_start3A_11 : memref<1x1x2x128xi32, #tpu.memory_space<hbm>> -> memref<2x128xi32, #tpu.memory_space<hbm>>
    %dma_start3A_13 = tpu.memref_slice %arg11[%dma_start3A_4] : memref<4x!tpu.dma_semaphore, #tpu.memory_space<semaphore_mem>> -> memref<1x!tpu.dma_semaphore, #tpu.memory_space<semaphore_mem>>
    %dma_start3A_14 = tpu.memref_squeeze %dma_start3A_13 : memref<1x!tpu.dma_semaphore, #tpu.memory_space<semaphore_mem>> -> memref<!tpu.dma_semaphore, #tpu.memory_space<semaphore_mem>>
    %dma_start3A_15 = arith.constant 0 : i32
    %dma_start3A_16 = arith.constant 0 : i32
    %dma_start3A_17 = tpu.memref_slice %arg6[%dma_start3A_3, %dma_start3A_15, %dma_start3A_16] : memref<4x2x128xi32, #tpu.memory_space<vmem>> -> memref<1x2x128xi32, #tpu.memory_space<vmem>>
    %dma_start3A_18 = tpu.memref_squeeze %dma_start3A_17 : memref<1x2x128xi32, #tpu.memory_space<vmem>> -> memref<2x128xi32, #tpu.memory_space<vmem>>
    %dma_start3A_19 = arith.constant 0 : i32
    %dma_start3A_20 = arith.constant 0 : i32
    %dma_start3A_21 = tpu.memref_slice %arg3[%add3A, %dma_start3A, %dma_start3A_19, %dma_start3A_20] : memref<32x80x2x128xi32, #tpu.memory_space<hbm>> -> memref<1x1x2x128xi32, #tpu.memory_space<hbm>>
    %dma_start3A_22 = tpu.memref_squeeze %dma_start3A_21 : memref<1x1x2x128xi32, #tpu.memory_space<hbm>> -> memref<2x128xi32, #tpu.memory_space<hbm>>
    tpu.enqueue_dma source(%dma_start3A_22 : memref<2x128xi32, #tpu.memory_space<hbm>>) target(%dma_start3A_18 : memref<2x128xi32, #tpu.memory_space<vmem>>) target_semaphore(%dma_start3A_14 : memref<!tpu.dma_semaphore, #tpu.memory_space<semaphore_mem>>)
    %dma_start3A_23 = arith.constant 1 : i32
    %dma_start3A_24 = arith.constant 1 : i32
    %dma_start3A_25 = arith.constant 1 : i32
    %dma_start3A_26 = arith.constant 0 : i32
    %dma_start3A_27 = arith.constant 0 : i32
    %dma_start3A_28 = tpu.memref_slice %arg6[%dma_start3A_24, %dma_start3A_26, %dma_start3A_27] : memref<4x2x128xi32, #tpu.memory_space<vmem>> -> memref<1x2x128xi32, #tpu.memory_space<vmem>>
    %dma_start3A_29 = tpu.memref_squeeze %dma_start3A_28 : memref<1x2x128xi32, #tpu.memory_space<vmem>> -> memref<2x128xi32, #tpu.memory_space<vmem>>
    %dma_start3A_30 = arith.constant 0 : i32
    %dma_start3A_31 = arith.constant 0 : i32
    %dma_start3A_32 = tpu.memref_slice %arg3[%add3A, %dma_start3A_23, %dma_start3A_30, %dma_start3A_31] : memref<32x80x2x128xi32, #tpu.memory_space<hbm>> -> memref<1x1x2x128xi32, #tpu.memory_space<hbm>>
    %dma_start3A_33 = tpu.memref_squeeze %dma_start3A_32 : memref<1x1x2x128xi32, #tpu.memory_space<hbm>> -> memref<2x128xi32, #tpu.memory_space<hbm>>
    %dma_start3A_34 = tpu.memref_slice %arg11[%dma_start3A_25] : memref<4x!tpu.dma_semaphore, #tpu.memory_space<semaphore_mem>> -> memref<1x!tpu.dma_semaphore, #tpu.memory_space<semaphore_mem>>
    %dma_start3A_35 = tpu.memref_squeeze %dma_start3A_34 : memref<1x!tpu.dma_semaphore, #tpu.memory_space<semaphore_mem>> -> memref<!tpu.dma_semaphore, #tpu.memory_space<semaphore_mem>>
    %dma_start3A_36 = arith.constant 0 : i32
    %dma_start3A_37 = arith.constant 0 : i32
    %dma_start3A_38 = tpu.memref_slice %arg6[%dma_start3A_24, %dma_start3A_36, %dma_start3A_37] : memref<4x2x128xi32, #tpu.memory_space<vmem>> -> memref<1x2x128xi32, #tpu.memory_space<vmem>>
    %dma_start3A_39 = tpu.memref_squeeze %dma_start3A_38 : memref<1x2x128xi32, #tpu.memory_space<vmem>> -> memref<2x128xi32, #tpu.memory_space<vmem>>
    %dma_start3A_40 = arith.constant 0 : i32
    %dma_start3A_41 = arith.constant 0 : i32
    %dma_start3A_42 = tpu.memref_slice %arg3[%add3A, %dma_start3A_23, %dma_start3A_40, %dma_start3A_41] : memref<32x80x2x128xi32, #tpu.memory_space<hbm>> -> memref<1x1x2x128xi32, #tpu.memory_space<hbm>>
    %dma_start3A_43 = tpu.memref_squeeze %dma_start3A_42 : memref<1x1x2x128xi32, #tpu.memory_space<hbm>> -> memref<2x128xi32, #tpu.memory_space<hbm>>
    tpu.enqueue_dma source(%dma_start3A_43 : memref<2x128xi32, #tpu.memory_space<hbm>>) target(%dma_start3A_39 : memref<2x128xi32, #tpu.memory_space<vmem>>) target_semaphore(%dma_start3A_35 : memref<!tpu.dma_semaphore, #tpu.memory_space<semaphore_mem>>)
    %dma_start3A_44 = arith.constant 2 : i32
    %dma_start3A_45 = arith.constant 2 : i32
    %dma_start3A_46 = arith.constant 2 : i32
    %dma_start3A_47 = arith.constant 0 : i32
    %dma_start3A_48 = arith.constant 0 : i32
    %dma_start3A_49 = tpu.memref_slice %arg6[%dma_start3A_45, %dma_start3A_47, %dma_start3A_48] : memref<4x2x128xi32, #tpu.memory_space<vmem>> -> memref<1x2x128xi32, #tpu.memory_space<vmem>>
    %dma_start3A_50 = tpu.memref_squeeze %dma_start3A_49 : memref<1x2x128xi32, #tpu.memory_space<vmem>> -> memref<2x128xi32, #tpu.memory_space<vmem>>
    %dma_start3A_51 = arith.constant 0 : i32
    %dma_start3A_52 = arith.constant 0 : i32
    %dma_start3A_53 = tpu.memref_slice %arg3[%add3A, %dma_start3A_44, %dma_start3A_51, %dma_start3A_52] : memref<32x80x2x128xi32, #tpu.memory_space<hbm>> -> memref<1x1x2x128xi32, #tpu.memory_space<hbm>>
    %dma_start3A_54 = tpu.memref_squeeze %dma_start3A_53 : memref<1x1x2x128xi32, #tpu.memory_space<hbm>> -> memref<2x128xi32, #tpu.memory_space<hbm>>
    %dma_start3A_55 = tpu.memref_slice %arg11[%dma_start3A_46] : memref<4x!tpu.dma_semaphore, #tpu.memory_space<semaphore_mem>> -> memref<1x!tpu.dma_semaphore, #tpu.memory_space<semaphore_mem>>
    %dma_start3A_56 = tpu.memref_squeeze %dma_start3A_55 : memref<1x!tpu.dma_semaphore, #tpu.memory_space<semaphore_mem>> -> memref<!tpu.dma_semaphore, #tpu.memory_space<semaphore_mem>>
    %dma_start3A_57 = arith.constant 0 : i32
    %dma_start3A_58 = arith.constant 0 : i32
    %dma_start3A_59 = tpu.memref_slice %arg6[%dma_start3A_45, %dma_start3A_57, %dma_start3A_58] : memref<4x2x128xi32, #tpu.memory_space<vmem>> -> memref<1x2x128xi32, #tpu.memory_space<vmem>>
    %dma_start3A_60 = tpu.memref_squeeze %dma_start3A_59 : memref<1x2x128xi32, #tpu.memory_space<vmem>> -> memref<2x128xi32, #tpu.memory_space<vmem>>
    %dma_start3A_61 = arith.constant 0 : i32
    %dma_start3A_62 = arith.constant 0 : i32
    %dma_start3A_63 = tpu.memref_slice %arg3[%add3A, %dma_start3A_44, %dma_start3A_61, %dma_start3A_62] : memref<32x80x2x128xi32, #tpu.memory_space<hbm>> -> memref<1x1x2x128xi32, #tpu.memory_space<hbm>>
    %dma_start3A_64 = tpu.memref_squeeze %dma_start3A_63 : memref<1x1x2x128xi32, #tpu.memory_space<hbm>> -> memref<2x128xi32, #tpu.memory_space<hbm>>
    tpu.enqueue_dma source(%dma_start3A_64 : memref<2x128xi32, #tpu.memory_space<hbm>>) target(%dma_start3A_60 : memref<2x128xi32, #tpu.memory_space<vmem>>) target_semaphore(%dma_start3A_56 : memref<!tpu.dma_semaphore, #tpu.memory_space<semaphore_mem>>)
    %dma_start3A_65 = arith.constant 3 : i32
    %dma_start3A_66 = arith.constant 3 : i32
    %dma_start3A_67 = arith.constant 3 : i32
    %dma_start3A_68 = arith.constant 0 : i32
    %dma_start3A_69 = arith.constant 0 : i32
    %dma_start3A_70 = tpu.memref_slice %arg6[%dma_start3A_66, %dma_start3A_68, %dma_start3A_69] : memref<4x2x128xi32, #tpu.memory_space<vmem>> -> memref<1x2x128xi32, #tpu.memory_space<vmem>>
    %dma_start3A_71 = tpu.memref_squeeze %dma_start3A_70 : memref<1x2x128xi32, #tpu.memory_space<vmem>> -> memref<2x128xi32, #tpu.memory_space<vmem>>
    %dma_start3A_72 = arith.constant 0 : i32
    %dma_start3A_73 = arith.constant 0 : i32
    %dma_start3A_74 = tpu.memref_slice %arg3[%add3A, %dma_start3A_65, %dma_start3A_72, %dma_start3A_73] : memref<32x80x2x128xi32, #tpu.memory_space<hbm>> -> memref<1x1x2x128xi32, #tpu.memory_space<hbm>>
    %dma_start3A_75 = tpu.memref_squeeze %dma_start3A_74 : memref<1x1x2x128xi32, #tpu.memory_space<hbm>> -> memref<2x128xi32, #tpu.memory_space<hbm>>
    %dma_start3A_76 = tpu.memref_slice %arg11[%dma_start3A_67] : memref<4x!tpu.dma_semaphore, #tpu.memory_space<semaphore_mem>> -> memref<1x!tpu.dma_semaphore, #tpu.memory_space<semaphore_mem>>
    %dma_start3A_77 = tpu.memref_squeeze %dma_start3A_76 : memref<1x!tpu.dma_semaphore, #tpu.memory_space<semaphore_mem>> -> memref<!tpu.dma_semaphore, #tpu.memory_space<semaphore_mem>>
    %dma_start3A_78 = arith.constant 0 : i32
    %dma_start3A_79 = arith.constant 0 : i32
    %dma_start3A_80 = tpu.memref_slice %arg6[%dma_start3A_66, %dma_start3A_78, %dma_start3A_79] : memref<4x2x128xi32, #tpu.memory_space<vmem>> -> memref<1x2x128xi32, #tpu.memory_space<vmem>>
    %dma_start3A_81 = tpu.memref_squeeze %dma_start3A_80 : memref<1x2x128xi32, #tpu.memory_space<vmem>> -> memref<2x128xi32, #tpu.memory_space<vmem>>
    %dma_start3A_82 = arith.constant 0 : i32
    %dma_start3A_83 = arith.constant 0 : i32
    %dma_start3A_84 = tpu.memref_slice %arg3[%add3A, %dma_start3A_65, %dma_start3A_82, %dma_start3A_83] : memref<32x80x2x128xi32, #tpu.memory_space<hbm>> -> memref<1x1x2x128xi32, #tpu.memory_space<hbm>>
    %dma_start3A_85 = tpu.memref_squeeze %dma_start3A_84 : memref<1x1x2x128xi32, #tpu.memory_space<hbm>> -> memref<2x128xi32, #tpu.memory_space<hbm>>
    tpu.enqueue_dma source(%dma_start3A_85 : memref<2x128xi32, #tpu.memory_space<hbm>>) target(%dma_start3A_81 : memref<2x128xi32, #tpu.memory_space<vmem>>) target_semaphore(%dma_start3A_77 : memref<!tpu.dma_semaphore, #tpu.memory_space<semaphore_mem>>)
    %dma_wait3A = arith.constant 0 : i32
    %dma_wait3A_86 = arith.constant 0 : i32
    %dma_wait3A_87 = arith.constant 0 : i32
    %dma_wait3A_88 = arith.constant 0 : i32
    %dma_wait3A_89 = arith.constant 0 : i32
    %dma_wait3A_90 = tpu.memref_slice %arg6[%dma_wait3A_86, %dma_wait3A_88, %dma_wait3A_89] : memref<4x2x128xi32, #tpu.memory_space<vmem>> -> memref<1x2x128xi32, #tpu.memory_space<vmem>>
    %dma_wait3A_91 = tpu.memref_squeeze %dma_wait3A_90 : memref<1x2x128xi32, #tpu.memory_space<vmem>> -> memref<2x128xi32, #tpu.memory_space<vmem>>
    %dma_wait3A_92 = arith.constant 0 : i32
    %dma_wait3A_93 = arith.constant 0 : i32
    %dma_wait3A_94 = tpu.memref_slice %arg3[%add3A, %dma_wait3A, %dma_wait3A_92, %dma_wait3A_93] : memref<32x80x2x128xi32, #tpu.memory_space<hbm>> -> memref<1x1x2x128xi32, #tpu.memory_space<hbm>>
    %dma_wait3A_95 = tpu.memref_squeeze %dma_wait3A_94 : memref<1x1x2x128xi32, #tpu.memory_space<hbm>> -> memref<2x128xi32, #tpu.memory_space<hbm>>
    %dma_wait3A_96 = tpu.memref_slice %arg11[%dma_wait3A_87] : memref<4x!tpu.dma_semaphore, #tpu.memory_space<semaphore_mem>> -> memref<1x!tpu.dma_semaphore, #tpu.memory_space<semaphore_mem>>
    %dma_wait3A_97 = tpu.memref_squeeze %dma_wait3A_96 : memref<1x!tpu.dma_semaphore, #tpu.memory_space<semaphore_mem>> -> memref<!tpu.dma_semaphore, #tpu.memory_space<semaphore_mem>>
    %dma_wait3A_98 = arith.constant 0 : i32
    %dma_wait3A_99 = arith.constant 0 : i32
    %dma_wait3A_100 = tpu.memref_slice %arg6[%dma_wait3A_86, %dma_wait3A_98, %dma_wait3A_99] : memref<4x2x128xi32, #tpu.memory_space<vmem>> -> memref<1x2x128xi32, #tpu.memory_space<vmem>>
    %dma_wait3A_101 = tpu.memref_squeeze %dma_wait3A_100 : memref<1x2x128xi32, #tpu.memory_space<vmem>> -> memref<2x128xi32, #tpu.memory_space<vmem>>
    %dma_wait3A_102 = arith.constant 0 : i32
    %dma_wait3A_103 = arith.constant 0 : i32
    %dma_wait3A_104 = tpu.memref_slice %arg3[%add3A, %dma_wait3A, %dma_wait3A_102, %dma_wait3A_103] : memref<32x80x2x128xi32, #tpu.memory_space<hbm>> -> memref<1x1x2x128xi32, #tpu.memory_space<hbm>>
    %dma_wait3A_105 = tpu.memref_squeeze %dma_wait3A_104 : memref<1x1x2x128xi32, #tpu.memory_space<hbm>> -> memref<2x128xi32, #tpu.memory_space<hbm>>
    tpu.wait_dma2 semaphore(%dma_wait3A_97 : memref<!tpu.dma_semaphore, #tpu.memory_space<semaphore_mem>>) src(%dma_wait3A_105 : memref<2x128xi32, #tpu.memory_space<hbm>>) dst(%dma_wait3A_101 : memref<2x128xi32, #tpu.memory_space<vmem>>)
    %dma_start3A_106 = arith.constant 0 : i32
    %dma_start3A_107 = arith.constant 0 : i32
    %dma_start3A_108 = arith.constant 0 : i32
    %dma_start3A_109 = arith.constant 0 : i32
    %dma_start3A_110 = arith.constant 0 : i32
    %dma_start3A_111 = arith.constant 0 : i32
    %dma_start3A_112 = tpu.memref_slice %arg7[%dma_start3A_108, %dma_start3A_110, %dma_start3A_111] : memref<2x128x128xf32, #tpu.memory_space<vmem>> -> memref<1x128x128xf32, #tpu.memory_space<vmem>>
    %dma_start3A_113 = tpu.memref_squeeze %dma_start3A_112 : memref<1x128x128xf32, #tpu.memory_space<vmem>> -> memref<128x128xf32, #tpu.memory_space<vmem>>
    %dma_start3A_114 = arith.constant 0 : i32
    %dma_start3A_115 = tpu.memref_slice %arg6[%dma_start3A_106, %dma_start3A_107, %dma_start3A_114] : memref<4x2x128xi32, #tpu.memory_space<vmem>> -> memref<1x1x128xi32, #tpu.memory_space<vmem>>
    %dma_start3A_116 = tpu.memref_squeeze %dma_start3A_115 : memref<1x1x128xi32, #tpu.memory_space<vmem>> -> memref<128xi32, #tpu.memory_space<vmem>>
    %dma_start3A_117 = arith.constant 0 : i32
    %dma_start3A_118 = arith.constant 0 : i32
    %dma_start3A_119 = tpu.memref_slice %arg2[%dma_start3A_117, %dma_start3A_118] : memref<10000x128xf32, #tpu.memory_space<hbm>> -> memref<10000x128xf32, #tpu.memory_space<hbm>>
    %dma_start3A_120 = tpu.memref_slice %arg9[%dma_start3A_109] : memref<2x!tpu.dma_semaphore, #tpu.memory_space<semaphore_mem>> -> memref<1x!tpu.dma_semaphore, #tpu.memory_space<semaphore_mem>>
    %dma_start3A_121 = tpu.memref_squeeze %dma_start3A_120 : memref<1x!tpu.dma_semaphore, #tpu.memory_space<semaphore_mem>> -> memref<!tpu.dma_semaphore, #tpu.memory_space<semaphore_mem>>
    tpu.enqueue_indirect_dma source(%dma_start3A_119 : memref<10000x128xf32, #tpu.memory_space<hbm>>) target(%dma_start3A_113 : memref<128x128xf32, #tpu.memory_space<vmem>>) offsets(%dma_start3A_116 : memref<128xi32, #tpu.memory_space<vmem>>) semaphore(%dma_start3A_121 : memref<!tpu.dma_semaphore, #tpu.memory_space<semaphore_mem>>)
    %scan3A = arith.constant 0 : i32
    %scan3A_122 = arith.constant 0 : i32
    %scan3A_123 = arith.constant 20 : i32
    %scan3A_124 = arith.addi %scan3A_122, %scan3A_123 : i32
    %scan3A_125 = arith.constant 1 : i32
    %scan3A_126 = scf.for %scan3A_149 = %scan3A_122 to %scan3A_124 step %scan3A_125 iter_args(%scan3A_150 = %scan3A) -> (i32)  : i32 {
      %mul3A_151 = arith.constant 4 : i32
      %mul3A_152 = arith.muli %scan3A_149, %mul3A_151 : i32
      %add3A_153 = arith.constant 0 : i32
      %add3A_154 = arith.addi %mul3A_152, %add3A_153 : i32
      %dma_wait3A_155 = arith.constant 0 : i32
      %dma_wait3A_156 = arith.constant 0 : i32
      %dma_wait3A_157 = arith.constant 0 : i32
      %dma_wait3A_158 = arith.constant 0 : i32
      %dma_wait3A_159 = arith.constant 0 : i32
      %dma_wait3A_160 = arith.constant 0 : i32
      %dma_wait3A_161 = tpu.memref_slice %arg7[%dma_wait3A_157, %dma_wait3A_159, %dma_wait3A_160] : memref<2x128x128xf32, #tpu.memory_space<vmem>> -> memref<1x128x128xf32, #tpu.memory_space<vmem>>
      %dma_wait3A_162 = tpu.memref_squeeze %dma_wait3A_161 : memref<1x128x128xf32, #tpu.memory_space<vmem>> -> memref<128x128xf32, #tpu.memory_space<vmem>>
      %dma_wait3A_163 = arith.constant 0 : i32
      %dma_wait3A_164 = tpu.memref_slice %arg6[%dma_wait3A_155, %dma_wait3A_156, %dma_wait3A_163] : memref<4x2x128xi32, #tpu.memory_space<vmem>> -> memref<1x1x128xi32, #tpu.memory_space<vmem>>
      %dma_wait3A_165 = tpu.memref_squeeze %dma_wait3A_164 : memref<1x1x128xi32, #tpu.memory_space<vmem>> -> memref<128xi32, #tpu.memory_space<vmem>>
      %dma_wait3A_166 = arith.constant 0 : i32
      %dma_wait3A_167 = arith.constant 0 : i32
      %dma_wait3A_168 = tpu.memref_slice %arg2[%dma_wait3A_166, %dma_wait3A_167] : memref<10000x128xf32, #tpu.memory_space<hbm>> -> memref<10000x128xf32, #tpu.memory_space<hbm>>
      %dma_wait3A_169 = tpu.memref_slice %arg9[%dma_wait3A_158] : memref<2x!tpu.dma_semaphore, #tpu.memory_space<semaphore_mem>> -> memref<1x!tpu.dma_semaphore, #tpu.memory_space<semaphore_mem>>
      %dma_wait3A_170 = tpu.memref_squeeze %dma_wait3A_169 : memref<1x!tpu.dma_semaphore, #tpu.memory_space<semaphore_mem>> -> memref<!tpu.dma_semaphore, #tpu.memory_space<semaphore_mem>>
      tpu.wait_indirect_dma semaphore(%dma_wait3A_170 : memref<!tpu.dma_semaphore, #tpu.memory_space<semaphore_mem>>) src(%dma_wait3A_168 : memref<10000x128xf32, #tpu.memory_space<hbm>>) dst(%dma_wait3A_162 : memref<128x128xf32, #tpu.memory_space<vmem>>)
      %dma_start3A_171 = arith.constant 0 : i32
      %dma_start3A_172 = arith.constant 0 : i32
      %dma_start3A_173 = arith.constant 1 : i32
      %dma_start3A_174 = arith.constant 0 : i32
      %dma_start3A_175 = arith.constant 0 : i32
      %dma_start3A_176 = arith.constant 0 : i32
      %dma_start3A_177 = tpu.memref_slice %arg7[%dma_start3A_171, %dma_start3A_175, %dma_start3A_176] : memref<2x128x128xf32, #tpu.memory_space<vmem>> -> memref<1x128x128xf32, #tpu.memory_space<vmem>>
      %dma_start3A_178 = tpu.memref_squeeze %dma_start3A_177 : memref<1x128x128xf32, #tpu.memory_space<vmem>> -> memref<128x128xf32, #tpu.memory_space<vmem>>
      %dma_start3A_179 = arith.constant 0 : i32
      %dma_start3A_180 = tpu.memref_slice %arg6[%dma_start3A_172, %dma_start3A_173, %dma_start3A_179] : memref<4x2x128xi32, #tpu.memory_space<vmem>> -> memref<1x1x128xi32, #tpu.memory_space<vmem>>
      %dma_start3A_181 = tpu.memref_squeeze %dma_start3A_180 : memref<1x1x128xi32, #tpu.memory_space<vmem>> -> memref<128xi32, #tpu.memory_space<vmem>>
      %dma_start3A_182 = arith.constant 0 : i32
      %dma_start3A_183 = arith.constant 0 : i32
      %dma_start3A_184 = tpu.memref_slice %arg8[%dma_start3A_182, %dma_start3A_183] : memref<10112x128xf32, #tpu.memory_space<vmem_shared>> -> memref<10112x128xf32, #tpu.memory_space<vmem_shared>>
      %dma_start3A_185 = tpu.memref_slice %arg10[%dma_start3A_174] : memref<2x!tpu.dma_semaphore, #tpu.memory_space<semaphore_mem>> -> memref<1x!tpu.dma_semaphore, #tpu.memory_space<semaphore_mem>>
      %dma_start3A_186 = tpu.memref_squeeze %dma_start3A_185 : memref<1x!tpu.dma_semaphore, #tpu.memory_space<semaphore_mem>> -> memref<!tpu.dma_semaphore, #tpu.memory_space<semaphore_mem>>
      tpu.enqueue_indirect_dma source(%dma_start3A_178 : memref<128x128xf32, #tpu.memory_space<vmem>>) target(%dma_start3A_184 : memref<10112x128xf32, #tpu.memory_space<vmem_shared>>) offsets(%dma_start3A_181 : memref<128xi32, #tpu.memory_space<vmem>>) semaphore(%dma_start3A_186 : memref<!tpu.dma_semaphore, #tpu.memory_space<semaphore_mem>>) {add = true}
      %ge3A = arith.constant 1 : i32
      %ge3A_187 = arith.cmpi sge, %add3A_154, %ge3A : i32
      %convert_element_type3A = arith.extui %ge3A_187 : i1 to i32
      %cond3A = arith.constant 0 : i32
      %cond3A_188 = arith.cmpi ne, %convert_element_type3A, %cond3A : i32
      scf.if %cond3A_188 {
        %dma_wait3A_379 = arith.constant 1 : i32
        %dma_wait3A_380 = arith.constant 3 : i32
        %dma_wait3A_381 = arith.constant 1 : i32
        %dma_wait3A_382 = arith.constant 1 : i32
        %dma_wait3A_383 = arith.constant 0 : i32
        %dma_wait3A_384 = arith.constant 0 : i32
        %dma_wait3A_385 = tpu.memref_slice %arg7[%dma_wait3A_379, %dma_wait3A_383, %dma_wait3A_384] : memref<2x128x128xf32, #tpu.memory_space<vmem>> -> memref<1x128x128xf32, #tpu.memory_space<vmem>>
        %dma_wait3A_386 = tpu.memref_squeeze %dma_wait3A_385 : memref<1x128x128xf32, #tpu.memory_space<vmem>> -> memref<128x128xf32, #tpu.memory_space<vmem>>
        %dma_wait3A_387 = arith.constant 0 : i32
        %dma_wait3A_388 = tpu.memref_slice %arg6[%dma_wait3A_380, %dma_wait3A_381, %dma_wait3A_387] : memref<4x2x128xi32, #tpu.memory_space<vmem>> -> memref<1x1x128xi32, #tpu.memory_space<vmem>>
        %dma_wait3A_389 = tpu.memref_squeeze %dma_wait3A_388 : memref<1x1x128xi32, #tpu.memory_space<vmem>> -> memref<128xi32, #tpu.memory_space<vmem>>
        %dma_wait3A_390 = arith.constant 0 : i32
        %dma_wait3A_391 = arith.constant 0 : i32
        %dma_wait3A_392 = tpu.memref_slice %arg8[%dma_wait3A_390, %dma_wait3A_391] : memref<10112x128xf32, #tpu.memory_space<vmem_shared>> -> memref<10112x128xf32, #tpu.memory_space<vmem_shared>>
        %dma_wait3A_393 = tpu.memref_slice %arg10[%dma_wait3A_382] : memref<2x!tpu.dma_semaphore, #tpu.memory_space<semaphore_mem>> -> memref<1x!tpu.dma_semaphore, #tpu.memory_space<semaphore_mem>>
        %dma_wait3A_394 = tpu.memref_squeeze %dma_wait3A_393 : memref<1x!tpu.dma_semaphore, #tpu.memory_space<semaphore_mem>> -> memref<!tpu.dma_semaphore, #tpu.memory_space<semaphore_mem>>
        tpu.wait_indirect_dma semaphore(%dma_wait3A_394 : memref<!tpu.dma_semaphore, #tpu.memory_space<semaphore_mem>>) src(%dma_wait3A_386 : memref<128x128xf32, #tpu.memory_space<vmem>>) dst(%dma_wait3A_392 : memref<10112x128xf32, #tpu.memory_space<vmem_shared>>)
      } else {
      }
      %ge3A_189 = arith.constant 1 : i32
      %ge3A_190 = arith.cmpi sge, %add3A_154, %ge3A_189 : i32
      %add3A_191 = arith.constant 3 : i32
      %add3A_192 = arith.addi %add3A_154, %add3A_191 : i32
      %lt3A = arith.constant 80 : i32
      %lt3A_193 = arith.cmpi slt, %add3A_192, %lt3A : i32
      %and3A = arith.andi %ge3A_190, %lt3A_193 : i1
      %convert_element_type3A_194 = arith.extui %and3A : i1 to i32
      %cond3A_195 = arith.constant 0 : i32
      %cond3A_196 = arith.cmpi ne, %convert_element_type3A_194, %cond3A_195 : i32
      scf.if %cond3A_196 {
        %add3A_379 = arith.constant 3 : i32
        %add3A_380 = arith.addi %add3A_154, %add3A_379 : i32
        %dma_start3A_381 = arith.constant 3 : i32
        %dma_start3A_382 = arith.constant 3 : i32
        %dma_start3A_383 = arith.constant 0 : i32
        %dma_start3A_384 = arith.constant 0 : i32
        %dma_start3A_385 = tpu.memref_slice %arg6[%dma_start3A_381, %dma_start3A_383, %dma_start3A_384] : memref<4x2x128xi32, #tpu.memory_space<vmem>> -> memref<1x2x128xi32, #tpu.memory_space<vmem>>
        %dma_start3A_386 = tpu.memref_squeeze %dma_start3A_385 : memref<1x2x128xi32, #tpu.memory_space<vmem>> -> memref<2x128xi32, #tpu.memory_space<vmem>>
        %dma_start3A_387 = arith.constant 0 : i32
        %dma_start3A_388 = arith.constant 0 : i32
        %dma_start3A_389 = tpu.memref_slice %arg3[%add3A, %add3A_380, %dma_start3A_387, %dma_start3A_388] : memref<32x80x2x128xi32, #tpu.memory_space<hbm>> -> memref<1x1x2x128xi32, #tpu.memory_space<hbm>>
        %dma_start3A_390 = tpu.memref_squeeze %dma_start3A_389 : memref<1x1x2x128xi32, #tpu.memory_space<hbm>> -> memref<2x128xi32, #tpu.memory_space<hbm>>
        %dma_start3A_391 = tpu.memref_slice %arg11[%dma_start3A_382] : memref<4x!tpu.dma_semaphore, #tpu.memory_space<semaphore_mem>> -> memref<1x!tpu.dma_semaphore, #tpu.memory_space<semaphore_mem>>
        %dma_start3A_392 = tpu.memref_squeeze %dma_start3A_391 : memref<1x!tpu.dma_semaphore, #tpu.memory_space<semaphore_mem>> -> memref<!tpu.dma_semaphore, #tpu.memory_space<semaphore_mem>>
        %dma_start3A_393 = arith.constant 0 : i32
        %dma_start3A_394 = arith.constant 0 : i32
        %dma_start3A_395 = tpu.memref_slice %arg6[%dma_start3A_381, %dma_start3A_393, %dma_start3A_394] : memref<4x2x128xi32, #tpu.memory_space<vmem>> -> memref<1x2x128xi32, #tpu.memory_space<vmem>>
        %dma_start3A_396 = tpu.memref_squeeze %dma_start3A_395 : memref<1x2x128xi32, #tpu.memory_space<vmem>> -> memref<2x128xi32, #tpu.memory_space<vmem>>
        %dma_start3A_397 = arith.constant 0 : i32
        %dma_start3A_398 = arith.constant 0 : i32
        %dma_start3A_399 = tpu.memref_slice %arg3[%add3A, %add3A_380, %dma_start3A_397, %dma_start3A_398] : memref<32x80x2x128xi32, #tpu.memory_space<hbm>> -> memref<1x1x2x128xi32, #tpu.memory_space<hbm>>
        %dma_start3A_400 = tpu.memref_squeeze %dma_start3A_399 : memref<1x1x2x128xi32, #tpu.memory_space<hbm>> -> memref<2x128xi32, #tpu.memory_space<hbm>>
        tpu.enqueue_dma source(%dma_start3A_400 : memref<2x128xi32, #tpu.memory_space<hbm>>) target(%dma_start3A_396 : memref<2x128xi32, #tpu.memory_space<vmem>>) target_semaphore(%dma_start3A_392 : memref<!tpu.dma_semaphore, #tpu.memory_space<semaphore_mem>>)
      } else {
      }
      %add3A_197 = arith.constant 1 : i32
      %add3A_198 = arith.addi %add3A_154, %add3A_197 : i32
      %lt3A_199 = arith.constant 80 : i32
      %lt3A_200 = arith.cmpi slt, %add3A_198, %lt3A_199 : i32
      %convert_element_type3A_201 = arith.extui %lt3A_200 : i1 to i32
      %cond3A_202 = arith.constant 0 : i32
      %cond3A_203 = arith.cmpi ne, %convert_element_type3A_201, %cond3A_202 : i32
      scf.if %cond3A_203 {
        %add3A_379 = arith.constant 1 : i32
        %add3A_380 = arith.addi %add3A_154, %add3A_379 : i32
        %dma_wait3A_381 = arith.constant 1 : i32
        %dma_wait3A_382 = arith.constant 1 : i32
        %dma_wait3A_383 = arith.constant 0 : i32
        %dma_wait3A_384 = arith.constant 0 : i32
        %dma_wait3A_385 = tpu.memref_slice %arg6[%dma_wait3A_381, %dma_wait3A_383, %dma_wait3A_384] : memref<4x2x128xi32, #tpu.memory_space<vmem>> -> memref<1x2x128xi32, #tpu.memory_space<vmem>>
        %dma_wait3A_386 = tpu.memref_squeeze %dma_wait3A_385 : memref<1x2x128xi32, #tpu.memory_space<vmem>> -> memref<2x128xi32, #tpu.memory_space<vmem>>
        %dma_wait3A_387 = arith.constant 0 : i32
        %dma_wait3A_388 = arith.constant 0 : i32
        %dma_wait3A_389 = tpu.memref_slice %arg3[%add3A, %add3A_380, %dma_wait3A_387, %dma_wait3A_388] : memref<32x80x2x128xi32, #tpu.memory_space<hbm>> -> memref<1x1x2x128xi32, #tpu.memory_space<hbm>>
        %dma_wait3A_390 = tpu.memref_squeeze %dma_wait3A_389 : memref<1x1x2x128xi32, #tpu.memory_space<hbm>> -> memref<2x128xi32, #tpu.memory_space<hbm>>
        %dma_wait3A_391 = tpu.memref_slice %arg11[%dma_wait3A_382] : memref<4x!tpu.dma_semaphore, #tpu.memory_space<semaphore_mem>> -> memref<1x!tpu.dma_semaphore, #tpu.memory_space<semaphore_mem>>
        %dma_wait3A_392 = tpu.memref_squeeze %dma_wait3A_391 : memref<1x!tpu.dma_semaphore, #tpu.memory_space<semaphore_mem>> -> memref<!tpu.dma_semaphore, #tpu.memory_space<semaphore_mem>>
        %dma_wait3A_393 = arith.constant 0 : i32
        %dma_wait3A_394 = arith.constant 0 : i32
        %dma_wait3A_395 = tpu.memref_slice %arg6[%dma_wait3A_381, %dma_wait3A_393, %dma_wait3A_394] : memref<4x2x128xi32, #tpu.memory_space<vmem>> -> memref<1x2x128xi32, #tpu.memory_space<vmem>>
        %dma_wait3A_396 = tpu.memref_squeeze %dma_wait3A_395 : memref<1x2x128xi32, #tpu.memory_space<vmem>> -> memref<2x128xi32, #tpu.memory_space<vmem>>
        %dma_wait3A_397 = arith.constant 0 : i32
        %dma_wait3A_398 = arith.constant 0 : i32
        %dma_wait3A_399 = tpu.memref_slice %arg3[%add3A, %add3A_380, %dma_wait3A_397, %dma_wait3A_398] : memref<32x80x2x128xi32, #tpu.memory_space<hbm>> -> memref<1x1x2x128xi32, #tpu.memory_space<hbm>>
        %dma_wait3A_400 = tpu.memref_squeeze %dma_wait3A_399 : memref<1x1x2x128xi32, #tpu.memory_space<hbm>> -> memref<2x128xi32, #tpu.memory_space<hbm>>
        tpu.wait_dma2 semaphore(%dma_wait3A_392 : memref<!tpu.dma_semaphore, #tpu.memory_space<semaphore_mem>>) src(%dma_wait3A_400 : memref<2x128xi32, #tpu.memory_space<hbm>>) dst(%dma_wait3A_396 : memref<2x128xi32, #tpu.memory_space<vmem>>)
        %add3A_401 = arith.constant 1 : i32
        %add3A_402 = arith.addi %add3A_154, %add3A_401 : i32
        %dma_start3A_403 = arith.constant 1 : i32
        %dma_start3A_404 = arith.constant 0 : i32
        %dma_start3A_405 = arith.constant 1 : i32
        %dma_start3A_406 = arith.constant 1 : i32
        %dma_start3A_407 = arith.constant 0 : i32
        %dma_start3A_408 = arith.constant 0 : i32
        %dma_start3A_409 = tpu.memref_slice %arg7[%dma_start3A_405, %dma_start3A_407, %dma_start3A_408] : memref<2x128x128xf32, #tpu.memory_space<vmem>> -> memref<1x128x128xf32, #tpu.memory_space<vmem>>
        %dma_start3A_410 = tpu.memref_squeeze %dma_start3A_409 : memref<1x128x128xf32, #tpu.memory_space<vmem>> -> memref<128x128xf32, #tpu.memory_space<vmem>>
        %dma_start3A_411 = arith.constant 0 : i32
        %dma_start3A_412 = tpu.memref_slice %arg6[%dma_start3A_403, %dma_start3A_404, %dma_start3A_411] : memref<4x2x128xi32, #tpu.memory_space<vmem>> -> memref<1x1x128xi32, #tpu.memory_space<vmem>>
        %dma_start3A_413 = tpu.memref_squeeze %dma_start3A_412 : memref<1x1x128xi32, #tpu.memory_space<vmem>> -> memref<128xi32, #tpu.memory_space<vmem>>
        %dma_start3A_414 = arith.constant 0 : i32
        %dma_start3A_415 = arith.constant 0 : i32
        %dma_start3A_416 = tpu.memref_slice %arg2[%dma_start3A_414, %dma_start3A_415] : memref<10000x128xf32, #tpu.memory_space<hbm>> -> memref<10000x128xf32, #tpu.memory_space<hbm>>
        %dma_start3A_417 = tpu.memref_slice %arg9[%dma_start3A_406] : memref<2x!tpu.dma_semaphore, #tpu.memory_space<semaphore_mem>> -> memref<1x!tpu.dma_semaphore, #tpu.memory_space<semaphore_mem>>
        %dma_start3A_418 = tpu.memref_squeeze %dma_start3A_417 : memref<1x!tpu.dma_semaphore, #tpu.memory_space<semaphore_mem>> -> memref<!tpu.dma_semaphore, #tpu.memory_space<semaphore_mem>>
        tpu.enqueue_indirect_dma source(%dma_start3A_416 : memref<10000x128xf32, #tpu.memory_space<hbm>>) target(%dma_start3A_410 : memref<128x128xf32, #tpu.memory_space<vmem>>) offsets(%dma_start3A_413 : memref<128xi32, #tpu.memory_space<vmem>>) semaphore(%dma_start3A_418 : memref<!tpu.dma_semaphore, #tpu.memory_space<semaphore_mem>>)
      } else {
      }
      %mul3A_204 = arith.constant 4 : i32
      %mul3A_205 = arith.muli %scan3A_149, %mul3A_204 : i32
      %add3A_206 = arith.constant 1 : i32
      %add3A_207 = arith.addi %mul3A_205, %add3A_206 : i32
      %dma_wait3A_208 = arith.constant 1 : i32
      %dma_wait3A_209 = arith.constant 0 : i32
      %dma_wait3A_210 = arith.constant 1 : i32
      %dma_wait3A_211 = arith.constant 1 : i32
      %dma_wait3A_212 = arith.constant 0 : i32
      %dma_wait3A_213 = arith.constant 0 : i32
      %dma_wait3A_214 = tpu.memref_slice %arg7[%dma_wait3A_210, %dma_wait3A_212, %dma_wait3A_213] : memref<2x128x128xf32, #tpu.memory_space<vmem>> -> memref<1x128x128xf32, #tpu.memory_space<vmem>>
      %dma_wait3A_215 = tpu.memref_squeeze %dma_wait3A_214 : memref<1x128x128xf32, #tpu.memory_space<vmem>> -> memref<128x128xf32, #tpu.memory_space<vmem>>
      %dma_wait3A_216 = arith.constant 0 : i32
      %dma_wait3A_217 = tpu.memref_slice %arg6[%dma_wait3A_208, %dma_wait3A_209, %dma_wait3A_216] : memref<4x2x128xi32, #tpu.memory_space<vmem>> -> memref<1x1x128xi32, #tpu.memory_space<vmem>>
      %dma_wait3A_218 = tpu.memref_squeeze %dma_wait3A_217 : memref<1x1x128xi32, #tpu.memory_space<vmem>> -> memref<128xi32, #tpu.memory_space<vmem>>
      %dma_wait3A_219 = arith.constant 0 : i32
      %dma_wait3A_220 = arith.constant 0 : i32
      %dma_wait3A_221 = tpu.memref_slice %arg2[%dma_wait3A_219, %dma_wait3A_220] : memref<10000x128xf32, #tpu.memory_space<hbm>> -> memref<10000x128xf32, #tpu.memory_space<hbm>>
      %dma_wait3A_222 = tpu.memref_slice %arg9[%dma_wait3A_211] : memref<2x!tpu.dma_semaphore, #tpu.memory_space<semaphore_mem>> -> memref<1x!tpu.dma_semaphore, #tpu.memory_space<semaphore_mem>>
      %dma_wait3A_223 = tpu.memref_squeeze %dma_wait3A_222 : memref<1x!tpu.dma_semaphore, #tpu.memory_space<semaphore_mem>> -> memref<!tpu.dma_semaphore, #tpu.memory_space<semaphore_mem>>
      tpu.wait_indirect_dma semaphore(%dma_wait3A_223 : memref<!tpu.dma_semaphore, #tpu.memory_space<semaphore_mem>>) src(%dma_wait3A_221 : memref<10000x128xf32, #tpu.memory_space<hbm>>) dst(%dma_wait3A_215 : memref<128x128xf32, #tpu.memory_space<vmem>>)
      %dma_start3A_224 = arith.constant 1 : i32
      %dma_start3A_225 = arith.constant 1 : i32
      %dma_start3A_226 = arith.constant 1 : i32
      %dma_start3A_227 = arith.constant 1 : i32
      %dma_start3A_228 = arith.constant 0 : i32
      %dma_start3A_229 = arith.constant 0 : i32
      %dma_start3A_230 = tpu.memref_slice %arg7[%dma_start3A_224, %dma_start3A_228, %dma_start3A_229] : memref<2x128x128xf32, #tpu.memory_space<vmem>> -> memref<1x128x128xf32, #tpu.memory_space<vmem>>
      %dma_start3A_231 = tpu.memref_squeeze %dma_start3A_230 : memref<1x128x128xf32, #tpu.memory_space<vmem>> -> memref<128x128xf32, #tpu.memory_space<vmem>>
      %dma_start3A_232 = arith.constant 0 : i32
      %dma_start3A_233 = tpu.memref_slice %arg6[%dma_start3A_225, %dma_start3A_226, %dma_start3A_232] : memref<4x2x128xi32, #tpu.memory_space<vmem>> -> memref<1x1x128xi32, #tpu.memory_space<vmem>>
      %dma_start3A_234 = tpu.memref_squeeze %dma_start3A_233 : memref<1x1x128xi32, #tpu.memory_space<vmem>> -> memref<128xi32, #tpu.memory_space<vmem>>
      %dma_start3A_235 = arith.constant 0 : i32
      %dma_start3A_236 = arith.constant 0 : i32
      %dma_start3A_237 = tpu.memref_slice %arg8[%dma_start3A_235, %dma_start3A_236] : memref<10112x128xf32, #tpu.memory_space<vmem_shared>> -> memref<10112x128xf32, #tpu.memory_space<vmem_shared>>
      %dma_start3A_238 = tpu.memref_slice %arg10[%dma_start3A_227] : memref<2x!tpu.dma_semaphore, #tpu.memory_space<semaphore_mem>> -> memref<1x!tpu.dma_semaphore, #tpu.memory_space<semaphore_mem>>
      %dma_start3A_239 = tpu.memref_squeeze %dma_start3A_238 : memref<1x!tpu.dma_semaphore, #tpu.memory_space<semaphore_mem>> -> memref<!tpu.dma_semaphore, #tpu.memory_space<semaphore_mem>>
      tpu.enqueue_indirect_dma source(%dma_start3A_231 : memref<128x128xf32, #tpu.memory_space<vmem>>) target(%dma_start3A_237 : memref<10112x128xf32, #tpu.memory_space<vmem_shared>>) offsets(%dma_start3A_234 : memref<128xi32, #tpu.memory_space<vmem>>) semaphore(%dma_start3A_239 : memref<!tpu.dma_semaphore, #tpu.memory_space<semaphore_mem>>) {add = true}
      %ge3A_240 = arith.constant 1 : i32
      %ge3A_241 = arith.cmpi sge, %add3A_207, %ge3A_240 : i32
      %convert_element_type3A_242 = arith.extui %ge3A_241 : i1 to i32
      %cond3A_243 = arith.constant 0 : i32
      %cond3A_244 = arith.cmpi ne, %convert_element_type3A_242, %cond3A_243 : i32
      scf.if %cond3A_244 {
        %dma_wait3A_379 = arith.constant 0 : i32
        %dma_wait3A_380 = arith.constant 0 : i32
        %dma_wait3A_381 = arith.constant 1 : i32
        %dma_wait3A_382 = arith.constant 0 : i32
        %dma_wait3A_383 = arith.constant 0 : i32
        %dma_wait3A_384 = arith.constant 0 : i32
        %dma_wait3A_385 = tpu.memref_slice %arg7[%dma_wait3A_379, %dma_wait3A_383, %dma_wait3A_384] : memref<2x128x128xf32, #tpu.memory_space<vmem>> -> memref<1x128x128xf32, #tpu.memory_space<vmem>>
        %dma_wait3A_386 = tpu.memref_squeeze %dma_wait3A_385 : memref<1x128x128xf32, #tpu.memory_space<vmem>> -> memref<128x128xf32, #tpu.memory_space<vmem>>
        %dma_wait3A_387 = arith.constant 0 : i32
        %dma_wait3A_388 = tpu.memref_slice %arg6[%dma_wait3A_380, %dma_wait3A_381, %dma_wait3A_387] : memref<4x2x128xi32, #tpu.memory_space<vmem>> -> memref<1x1x128xi32, #tpu.memory_space<vmem>>
        %dma_wait3A_389 = tpu.memref_squeeze %dma_wait3A_388 : memref<1x1x128xi32, #tpu.memory_space<vmem>> -> memref<128xi32, #tpu.memory_space<vmem>>
        %dma_wait3A_390 = arith.constant 0 : i32
        %dma_wait3A_391 = arith.constant 0 : i32
        %dma_wait3A_392 = tpu.memref_slice %arg8[%dma_wait3A_390, %dma_wait3A_391] : memref<10112x128xf32, #tpu.memory_space<vmem_shared>> -> memref<10112x128xf32, #tpu.memory_space<vmem_shared>>
        %dma_wait3A_393 = tpu.memref_slice %arg10[%dma_wait3A_382] : memref<2x!tpu.dma_semaphore, #tpu.memory_space<semaphore_mem>> -> memref<1x!tpu.dma_semaphore, #tpu.memory_space<semaphore_mem>>
        %dma_wait3A_394 = tpu.memref_squeeze %dma_wait3A_393 : memref<1x!tpu.dma_semaphore, #tpu.memory_space<semaphore_mem>> -> memref<!tpu.dma_semaphore, #tpu.memory_space<semaphore_mem>>
        tpu.wait_indirect_dma semaphore(%dma_wait3A_394 : memref<!tpu.dma_semaphore, #tpu.memory_space<semaphore_mem>>) src(%dma_wait3A_386 : memref<128x128xf32, #tpu.memory_space<vmem>>) dst(%dma_wait3A_392 : memref<10112x128xf32, #tpu.memory_space<vmem_shared>>)
      } else {
      }
      %ge3A_245 = arith.constant 1 : i32
      %ge3A_246 = arith.cmpi sge, %add3A_207, %ge3A_245 : i32
      %add3A_247 = arith.constant 3 : i32
      %add3A_248 = arith.addi %add3A_207, %add3A_247 : i32
      %lt3A_249 = arith.constant 80 : i32
      %lt3A_250 = arith.cmpi slt, %add3A_248, %lt3A_249 : i32
      %and3A_251 = arith.andi %ge3A_246, %lt3A_250 : i1
      %convert_element_type3A_252 = arith.extui %and3A_251 : i1 to i32
      %cond3A_253 = arith.constant 0 : i32
      %cond3A_254 = arith.cmpi ne, %convert_element_type3A_252, %cond3A_253 : i32
      scf.if %cond3A_254 {
        %add3A_379 = arith.constant 3 : i32
        %add3A_380 = arith.addi %add3A_207, %add3A_379 : i32
        %dma_start3A_381 = arith.constant 0 : i32
        %dma_start3A_382 = arith.constant 0 : i32
        %dma_start3A_383 = arith.constant 0 : i32
        %dma_start3A_384 = arith.constant 0 : i32
        %dma_start3A_385 = tpu.memref_slice %arg6[%dma_start3A_381, %dma_start3A_383, %dma_start3A_384] : memref<4x2x128xi32, #tpu.memory_space<vmem>> -> memref<1x2x128xi32, #tpu.memory_space<vmem>>
        %dma_start3A_386 = tpu.memref_squeeze %dma_start3A_385 : memref<1x2x128xi32, #tpu.memory_space<vmem>> -> memref<2x128xi32, #tpu.memory_space<vmem>>
        %dma_start3A_387 = arith.constant 0 : i32
        %dma_start3A_388 = arith.constant 0 : i32
        %dma_start3A_389 = tpu.memref_slice %arg3[%add3A, %add3A_380, %dma_start3A_387, %dma_start3A_388] : memref<32x80x2x128xi32, #tpu.memory_space<hbm>> -> memref<1x1x2x128xi32, #tpu.memory_space<hbm>>
        %dma_start3A_390 = tpu.memref_squeeze %dma_start3A_389 : memref<1x1x2x128xi32, #tpu.memory_space<hbm>> -> memref<2x128xi32, #tpu.memory_space<hbm>>
        %dma_start3A_391 = tpu.memref_slice %arg11[%dma_start3A_382] : memref<4x!tpu.dma_semaphore, #tpu.memory_space<semaphore_mem>> -> memref<1x!tpu.dma_semaphore, #tpu.memory_space<semaphore_mem>>
        %dma_start3A_392 = tpu.memref_squeeze %dma_start3A_391 : memref<1x!tpu.dma_semaphore, #tpu.memory_space<semaphore_mem>> -> memref<!tpu.dma_semaphore, #tpu.memory_space<semaphore_mem>>
        %dma_start3A_393 = arith.constant 0 : i32
        %dma_start3A_394 = arith.constant 0 : i32
        %dma_start3A_395 = tpu.memref_slice %arg6[%dma_start3A_381, %dma_start3A_393, %dma_start3A_394] : memref<4x2x128xi32, #tpu.memory_space<vmem>> -> memref<1x2x128xi32, #tpu.memory_space<vmem>>
        %dma_start3A_396 = tpu.memref_squeeze %dma_start3A_395 : memref<1x2x128xi32, #tpu.memory_space<vmem>> -> memref<2x128xi32, #tpu.memory_space<vmem>>
        %dma_start3A_397 = arith.constant 0 : i32
        %dma_start3A_398 = arith.constant 0 : i32
        %dma_start3A_399 = tpu.memref_slice %arg3[%add3A, %add3A_380, %dma_start3A_397, %dma_start3A_398] : memref<32x80x2x128xi32, #tpu.memory_space<hbm>> -> memref<1x1x2x128xi32, #tpu.memory_space<hbm>>
        %dma_start3A_400 = tpu.memref_squeeze %dma_start3A_399 : memref<1x1x2x128xi32, #tpu.memory_space<hbm>> -> memref<2x128xi32, #tpu.memory_space<hbm>>
        tpu.enqueue_dma source(%dma_start3A_400 : memref<2x128xi32, #tpu.memory_space<hbm>>) target(%dma_start3A_396 : memref<2x128xi32, #tpu.memory_space<vmem>>) target_semaphore(%dma_start3A_392 : memref<!tpu.dma_semaphore, #tpu.memory_space<semaphore_mem>>)
      } else {
      }
      %add3A_255 = arith.constant 1 : i32
      %add3A_256 = arith.addi %add3A_207, %add3A_255 : i32
      %lt3A_257 = arith.constant 80 : i32
      %lt3A_258 = arith.cmpi slt, %add3A_256, %lt3A_257 : i32
      %convert_element_type3A_259 = arith.extui %lt3A_258 : i1 to i32
      %cond3A_260 = arith.constant 0 : i32
      %cond3A_261 = arith.cmpi ne, %convert_element_type3A_259, %cond3A_260 : i32
      scf.if %cond3A_261 {
        %add3A_379 = arith.constant 1 : i32
        %add3A_380 = arith.addi %add3A_207, %add3A_379 : i32
        %dma_wait3A_381 = arith.constant 2 : i32
        %dma_wait3A_382 = arith.constant 2 : i32
        %dma_wait3A_383 = arith.constant 0 : i32
        %dma_wait3A_384 = arith.constant 0 : i32
        %dma_wait3A_385 = tpu.memref_slice %arg6[%dma_wait3A_381, %dma_wait3A_383, %dma_wait3A_384] : memref<4x2x128xi32, #tpu.memory_space<vmem>> -> memref<1x2x128xi32, #tpu.memory_space<vmem>>
        %dma_wait3A_386 = tpu.memref_squeeze %dma_wait3A_385 : memref<1x2x128xi32, #tpu.memory_space<vmem>> -> memref<2x128xi32, #tpu.memory_space<vmem>>
        %dma_wait3A_387 = arith.constant 0 : i32
        %dma_wait3A_388 = arith.constant 0 : i32
        %dma_wait3A_389 = tpu.memref_slice %arg3[%add3A, %add3A_380, %dma_wait3A_387, %dma_wait3A_388] : memref<32x80x2x128xi32, #tpu.memory_space<hbm>> -> memref<1x1x2x128xi32, #tpu.memory_space<hbm>>
        %dma_wait3A_390 = tpu.memref_squeeze %dma_wait3A_389 : memref<1x1x2x128xi32, #tpu.memory_space<hbm>> -> memref<2x128xi32, #tpu.memory_space<hbm>>
        %dma_wait3A_391 = tpu.memref_slice %arg11[%dma_wait3A_382] : memref<4x!tpu.dma_semaphore, #tpu.memory_space<semaphore_mem>> -> memref<1x!tpu.dma_semaphore, #tpu.memory_space<semaphore_mem>>
        %dma_wait3A_392 = tpu.memref_squeeze %dma_wait3A_391 : memref<1x!tpu.dma_semaphore, #tpu.memory_space<semaphore_mem>> -> memref<!tpu.dma_semaphore, #tpu.memory_space<semaphore_mem>>
        %dma_wait3A_393 = arith.constant 0 : i32
        %dma_wait3A_394 = arith.constant 0 : i32
        %dma_wait3A_395 = tpu.memref_slice %arg6[%dma_wait3A_381, %dma_wait3A_393, %dma_wait3A_394] : memref<4x2x128xi32, #tpu.memory_space<vmem>> -> memref<1x2x128xi32, #tpu.memory_space<vmem>>
        %dma_wait3A_396 = tpu.memref_squeeze %dma_wait3A_395 : memref<1x2x128xi32, #tpu.memory_space<vmem>> -> memref<2x128xi32, #tpu.memory_space<vmem>>
        %dma_wait3A_397 = arith.constant 0 : i32
        %dma_wait3A_398 = arith.constant 0 : i32
        %dma_wait3A_399 = tpu.memref_slice %arg3[%add3A, %add3A_380, %dma_wait3A_397, %dma_wait3A_398] : memref<32x80x2x128xi32, #tpu.memory_space<hbm>> -> memref<1x1x2x128xi32, #tpu.memory_space<hbm>>
        %dma_wait3A_400 = tpu.memref_squeeze %dma_wait3A_399 : memref<1x1x2x128xi32, #tpu.memory_space<hbm>> -> memref<2x128xi32, #tpu.memory_space<hbm>>
        tpu.wait_dma2 semaphore(%dma_wait3A_392 : memref<!tpu.dma_semaphore, #tpu.memory_space<semaphore_mem>>) src(%dma_wait3A_400 : memref<2x128xi32, #tpu.memory_space<hbm>>) dst(%dma_wait3A_396 : memref<2x128xi32, #tpu.memory_space<vmem>>)
        %add3A_401 = arith.constant 1 : i32
        %add3A_402 = arith.addi %add3A_207, %add3A_401 : i32
        %dma_start3A_403 = arith.constant 2 : i32
        %dma_start3A_404 = arith.constant 0 : i32
        %dma_start3A_405 = arith.constant 0 : i32
        %dma_start3A_406 = arith.constant 0 : i32
        %dma_start3A_407 = arith.constant 0 : i32
        %dma_start3A_408 = arith.constant 0 : i32
        %dma_start3A_409 = tpu.memref_slice %arg7[%dma_start3A_405, %dma_start3A_407, %dma_start3A_408] : memref<2x128x128xf32, #tpu.memory_space<vmem>> -> memref<1x128x128xf32, #tpu.memory_space<vmem>>
        %dma_start3A_410 = tpu.memref_squeeze %dma_start3A_409 : memref<1x128x128xf32, #tpu.memory_space<vmem>> -> memref<128x128xf32, #tpu.memory_space<vmem>>
        %dma_start3A_411 = arith.constant 0 : i32
        %dma_start3A_412 = tpu.memref_slice %arg6[%dma_start3A_403, %dma_start3A_404, %dma_start3A_411] : memref<4x2x128xi32, #tpu.memory_space<vmem>> -> memref<1x1x128xi32, #tpu.memory_space<vmem>>
        %dma_start3A_413 = tpu.memref_squeeze %dma_start3A_412 : memref<1x1x128xi32, #tpu.memory_space<vmem>> -> memref<128xi32, #tpu.memory_space<vmem>>
        %dma_start3A_414 = arith.constant 0 : i32
        %dma_start3A_415 = arith.constant 0 : i32
        %dma_start3A_416 = tpu.memref_slice %arg2[%dma_start3A_414, %dma_start3A_415] : memref<10000x128xf32, #tpu.memory_space<hbm>> -> memref<10000x128xf32, #tpu.memory_space<hbm>>
        %dma_start3A_417 = tpu.memref_slice %arg9[%dma_start3A_406] : memref<2x!tpu.dma_semaphore, #tpu.memory_space<semaphore_mem>> -> memref<1x!tpu.dma_semaphore, #tpu.memory_space<semaphore_mem>>
        %dma_start3A_418 = tpu.memref_squeeze %dma_start3A_417 : memref<1x!tpu.dma_semaphore, #tpu.memory_space<semaphore_mem>> -> memref<!tpu.dma_semaphore, #tpu.memory_space<semaphore_mem>>
        tpu.enqueue_indirect_dma source(%dma_start3A_416 : memref<10000x128xf32, #tpu.memory_space<hbm>>) target(%dma_start3A_410 : memref<128x128xf32, #tpu.memory_space<vmem>>) offsets(%dma_start3A_413 : memref<128xi32, #tpu.memory_space<vmem>>) semaphore(%dma_start3A_418 : memref<!tpu.dma_semaphore, #tpu.memory_space<semaphore_mem>>)
      } else {
      }
      %mul3A_262 = arith.constant 4 : i32
      %mul3A_263 = arith.muli %scan3A_149, %mul3A_262 : i32
      %add3A_264 = arith.constant 2 : i32
      %add3A_265 = arith.addi %mul3A_263, %add3A_264 : i32
      %dma_wait3A_266 = arith.constant 2 : i32
      %dma_wait3A_267 = arith.constant 0 : i32
      %dma_wait3A_268 = arith.constant 0 : i32
      %dma_wait3A_269 = arith.constant 0 : i32
      %dma_wait3A_270 = arith.constant 0 : i32
      %dma_wait3A_271 = arith.constant 0 : i32
      %dma_wait3A_272 = tpu.memref_slice %arg7[%dma_wait3A_268, %dma_wait3A_270, %dma_wait3A_271] : memref<2x128x128xf32, #tpu.memory_space<vmem>> -> memref<1x128x128xf32, #tpu.memory_space<vmem>>
      %dma_wait3A_273 = tpu.memref_squeeze %dma_wait3A_272 : memref<1x128x128xf32, #tpu.memory_space<vmem>> -> memref<128x128xf32, #tpu.memory_space<vmem>>
      %dma_wait3A_274 = arith.constant 0 : i32
      %dma_wait3A_275 = tpu.memref_slice %arg6[%dma_wait3A_266, %dma_wait3A_267, %dma_wait3A_274] : memref<4x2x128xi32, #tpu.memory_space<vmem>> -> memref<1x1x128xi32, #tpu.memory_space<vmem>>
      %dma_wait3A_276 = tpu.memref_squeeze %dma_wait3A_275 : memref<1x1x128xi32, #tpu.memory_space<vmem>> -> memref<128xi32, #tpu.memory_space<vmem>>
      %dma_wait3A_277 = arith.constant 0 : i32
      %dma_wait3A_278 = arith.constant 0 : i32
      %dma_wait3A_279 = tpu.memref_slice %arg2[%dma_wait3A_277, %dma_wait3A_278] : memref<10000x128xf32, #tpu.memory_space<hbm>> -> memref<10000x128xf32, #tpu.memory_space<hbm>>
      %dma_wait3A_280 = tpu.memref_slice %arg9[%dma_wait3A_269] : memref<2x!tpu.dma_semaphore, #tpu.memory_space<semaphore_mem>> -> memref<1x!tpu.dma_semaphore, #tpu.memory_space<semaphore_mem>>
      %dma_wait3A_281 = tpu.memref_squeeze %dma_wait3A_280 : memref<1x!tpu.dma_semaphore, #tpu.memory_space<semaphore_mem>> -> memref<!tpu.dma_semaphore, #tpu.memory_space<semaphore_mem>>
      tpu.wait_indirect_dma semaphore(%dma_wait3A_281 : memref<!tpu.dma_semaphore, #tpu.memory_space<semaphore_mem>>) src(%dma_wait3A_279 : memref<10000x128xf32, #tpu.memory_space<hbm>>) dst(%dma_wait3A_273 : memref<128x128xf32, #tpu.memory_space<vmem>>)
      %dma_start3A_282 = arith.constant 0 : i32
      %dma_start3A_283 = arith.constant 2 : i32
      %dma_start3A_284 = arith.constant 1 : i32
      %dma_start3A_285 = arith.constant 0 : i32
      %dma_start3A_286 = arith.constant 0 : i32
      %dma_start3A_287 = arith.constant 0 : i32
      %dma_start3A_288 = tpu.memref_slice %arg7[%dma_start3A_282, %dma_start3A_286, %dma_start3A_287] : memref<2x128x128xf32, #tpu.memory_space<vmem>> -> memref<1x128x128xf32, #tpu.memory_space<vmem>>
      %dma_start3A_289 = tpu.memref_squeeze %dma_start3A_288 : memref<1x128x128xf32, #tpu.memory_space<vmem>> -> memref<128x128xf32, #tpu.memory_space<vmem>>
      %dma_start3A_290 = arith.constant 0 : i32
      %dma_start3A_291 = tpu.memref_slice %arg6[%dma_start3A_283, %dma_start3A_284, %dma_start3A_290] : memref<4x2x128xi32, #tpu.memory_space<vmem>> -> memref<1x1x128xi32, #tpu.memory_space<vmem>>
      %dma_start3A_292 = tpu.memref_squeeze %dma_start3A_291 : memref<1x1x128xi32, #tpu.memory_space<vmem>> -> memref<128xi32, #tpu.memory_space<vmem>>
      %dma_start3A_293 = arith.constant 0 : i32
      %dma_start3A_294 = arith.constant 0 : i32
      %dma_start3A_295 = tpu.memref_slice %arg8[%dma_start3A_293, %dma_start3A_294] : memref<10112x128xf32, #tpu.memory_space<vmem_shared>> -> memref<10112x128xf32, #tpu.memory_space<vmem_shared>>
      %dma_start3A_296 = tpu.memref_slice %arg10[%dma_start3A_285] : memref<2x!tpu.dma_semaphore, #tpu.memory_space<semaphore_mem>> -> memref<1x!tpu.dma_semaphore, #tpu.memory_space<semaphore_mem>>
      %dma_start3A_297 = tpu.memref_squeeze %dma_start3A_296 : memref<1x!tpu.dma_semaphore, #tpu.memory_space<semaphore_mem>> -> memref<!tpu.dma_semaphore, #tpu.memory_space<semaphore_mem>>
      tpu.enqueue_indirect_dma source(%dma_start3A_289 : memref<128x128xf32, #tpu.memory_space<vmem>>) target(%dma_start3A_295 : memref<10112x128xf32, #tpu.memory_space<vmem_shared>>) offsets(%dma_start3A_292 : memref<128xi32, #tpu.memory_space<vmem>>) semaphore(%dma_start3A_297 : memref<!tpu.dma_semaphore, #tpu.memory_space<semaphore_mem>>) {add = true}
      %ge3A_298 = arith.constant 1 : i32
      %ge3A_299 = arith.cmpi sge, %add3A_265, %ge3A_298 : i32
      %convert_element_type3A_300 = arith.extui %ge3A_299 : i1 to i32
      %cond3A_301 = arith.constant 0 : i32
      %cond3A_302 = arith.cmpi ne, %convert_element_type3A_300, %cond3A_301 : i32
      scf.if %cond3A_302 {
        %dma_wait3A_379 = arith.constant 1 : i32
        %dma_wait3A_380 = arith.constant 1 : i32
        %dma_wait3A_381 = arith.constant 1 : i32
        %dma_wait3A_382 = arith.constant 1 : i32
        %dma_wait3A_383 = arith.constant 0 : i32
        %dma_wait3A_384 = arith.constant 0 : i32
        %dma_wait3A_385 = tpu.memref_slice %arg7[%dma_wait3A_379, %dma_wait3A_383, %dma_wait3A_384] : memref<2x128x128xf32, #tpu.memory_space<vmem>> -> memref<1x128x128xf32, #tpu.memory_space<vmem>>
        %dma_wait3A_386 = tpu.memref_squeeze %dma_wait3A_385 : memref<1x128x128xf32, #tpu.memory_space<vmem>> -> memref<128x128xf32, #tpu.memory_space<vmem>>
        %dma_wait3A_387 = arith.constant 0 : i32
        %dma_wait3A_388 = tpu.memref_slice %arg6[%dma_wait3A_380, %dma_wait3A_381, %dma_wait3A_387] : memref<4x2x128xi32, #tpu.memory_space<vmem>> -> memref<1x1x128xi32, #tpu.memory_space<vmem>>
        %dma_wait3A_389 = tpu.memref_squeeze %dma_wait3A_388 : memref<1x1x128xi32, #tpu.memory_space<vmem>> -> memref<128xi32, #tpu.memory_space<vmem>>
        %dma_wait3A_390 = arith.constant 0 : i32
        %dma_wait3A_391 = arith.constant 0 : i32
        %dma_wait3A_392 = tpu.memref_slice %arg8[%dma_wait3A_390, %dma_wait3A_391] : memref<10112x128xf32, #tpu.memory_space<vmem_shared>> -> memref<10112x128xf32, #tpu.memory_space<vmem_shared>>
        %dma_wait3A_393 = tpu.memref_slice %arg10[%dma_wait3A_382] : memref<2x!tpu.dma_semaphore, #tpu.memory_space<semaphore_mem>> -> memref<1x!tpu.dma_semaphore, #tpu.memory_space<semaphore_mem>>
        %dma_wait3A_394 = tpu.memref_squeeze %dma_wait3A_393 : memref<1x!tpu.dma_semaphore, #tpu.memory_space<semaphore_mem>> -> memref<!tpu.dma_semaphore, #tpu.memory_space<semaphore_mem>>
        tpu.wait_indirect_dma semaphore(%dma_wait3A_394 : memref<!tpu.dma_semaphore, #tpu.memory_space<semaphore_mem>>) src(%dma_wait3A_386 : memref<128x128xf32, #tpu.memory_space<vmem>>) dst(%dma_wait3A_392 : memref<10112x128xf32, #tpu.memory_space<vmem_shared>>)
      } else {
      }
      %ge3A_303 = arith.constant 1 : i32
      %ge3A_304 = arith.cmpi sge, %add3A_265, %ge3A_303 : i32
      %add3A_305 = arith.constant 3 : i32
      %add3A_306 = arith.addi %add3A_265, %add3A_305 : i32
      %lt3A_307 = arith.constant 80 : i32
      %lt3A_308 = arith.cmpi slt, %add3A_306, %lt3A_307 : i32
      %and3A_309 = arith.andi %ge3A_304, %lt3A_308 : i1
      %convert_element_type3A_310 = arith.extui %and3A_309 : i1 to i32
      %cond3A_311 = arith.constant 0 : i32
      %cond3A_312 = arith.cmpi ne, %convert_element_type3A_310, %cond3A_311 : i32
      scf.if %cond3A_312 {
        %add3A_379 = arith.constant 3 : i32
        %add3A_380 = arith.addi %add3A_265, %add3A_379 : i32
        %dma_start3A_381 = arith.constant 1 : i32
        %dma_start3A_382 = arith.constant 1 : i32
        %dma_start3A_383 = arith.constant 0 : i32
        %dma_start3A_384 = arith.constant 0 : i32
        %dma_start3A_385 = tpu.memref_slice %arg6[%dma_start3A_381, %dma_start3A_383, %dma_start3A_384] : memref<4x2x128xi32, #tpu.memory_space<vmem>> -> memref<1x2x128xi32, #tpu.memory_space<vmem>>
        %dma_start3A_386 = tpu.memref_squeeze %dma_start3A_385 : memref<1x2x128xi32, #tpu.memory_space<vmem>> -> memref<2x128xi32, #tpu.memory_space<vmem>>
        %dma_start3A_387 = arith.constant 0 : i32
        %dma_start3A_388 = arith.constant 0 : i32
        %dma_start3A_389 = tpu.memref_slice %arg3[%add3A, %add3A_380, %dma_start3A_387, %dma_start3A_388] : memref<32x80x2x128xi32, #tpu.memory_space<hbm>> -> memref<1x1x2x128xi32, #tpu.memory_space<hbm>>
        %dma_start3A_390 = tpu.memref_squeeze %dma_start3A_389 : memref<1x1x2x128xi32, #tpu.memory_space<hbm>> -> memref<2x128xi32, #tpu.memory_space<hbm>>
        %dma_start3A_391 = tpu.memref_slice %arg11[%dma_start3A_382] : memref<4x!tpu.dma_semaphore, #tpu.memory_space<semaphore_mem>> -> memref<1x!tpu.dma_semaphore, #tpu.memory_space<semaphore_mem>>
        %dma_start3A_392 = tpu.memref_squeeze %dma_start3A_391 : memref<1x!tpu.dma_semaphore, #tpu.memory_space<semaphore_mem>> -> memref<!tpu.dma_semaphore, #tpu.memory_space<semaphore_mem>>
        %dma_start3A_393 = arith.constant 0 : i32
        %dma_start3A_394 = arith.constant 0 : i32
        %dma_start3A_395 = tpu.memref_slice %arg6[%dma_start3A_381, %dma_start3A_393, %dma_start3A_394] : memref<4x2x128xi32, #tpu.memory_space<vmem>> -> memref<1x2x128xi32, #tpu.memory_space<vmem>>
        %dma_start3A_396 = tpu.memref_squeeze %dma_start3A_395 : memref<1x2x128xi32, #tpu.memory_space<vmem>> -> memref<2x128xi32, #tpu.memory_space<vmem>>
        %dma_start3A_397 = arith.constant 0 : i32
        %dma_start3A_398 = arith.constant 0 : i32
        %dma_start3A_399 = tpu.memref_slice %arg3[%add3A, %add3A_380, %dma_start3A_397, %dma_start3A_398] : memref<32x80x2x128xi32, #tpu.memory_space<hbm>> -> memref<1x1x2x128xi32, #tpu.memory_space<hbm>>
        %dma_start3A_400 = tpu.memref_squeeze %dma_start3A_399 : memref<1x1x2x128xi32, #tpu.memory_space<hbm>> -> memref<2x128xi32, #tpu.memory_space<hbm>>
        tpu.enqueue_dma source(%dma_start3A_400 : memref<2x128xi32, #tpu.memory_space<hbm>>) target(%dma_start3A_396 : memref<2x128xi32, #tpu.memory_space<vmem>>) target_semaphore(%dma_start3A_392 : memref<!tpu.dma_semaphore, #tpu.memory_space<semaphore_mem>>)
      } else {
      }
      %add3A_313 = arith.constant 1 : i32
      %add3A_314 = arith.addi %add3A_265, %add3A_313 : i32
      %lt3A_315 = arith.constant 80 : i32
      %lt3A_316 = arith.cmpi slt, %add3A_314, %lt3A_315 : i32
      %convert_element_type3A_317 = arith.extui %lt3A_316 : i1 to i32
      %cond3A_318 = arith.constant 0 : i32
      %cond3A_319 = arith.cmpi ne, %convert_element_type3A_317, %cond3A_318 : i32
      scf.if %cond3A_319 {
        %add3A_379 = arith.constant 1 : i32
        %add3A_380 = arith.addi %add3A_265, %add3A_379 : i32
        %dma_wait3A_381 = arith.constant 3 : i32
        %dma_wait3A_382 = arith.constant 3 : i32
        %dma_wait3A_383 = arith.constant 0 : i32
        %dma_wait3A_384 = arith.constant 0 : i32
        %dma_wait3A_385 = tpu.memref_slice %arg6[%dma_wait3A_381, %dma_wait3A_383, %dma_wait3A_384] : memref<4x2x128xi32, #tpu.memory_space<vmem>> -> memref<1x2x128xi32, #tpu.memory_space<vmem>>
        %dma_wait3A_386 = tpu.memref_squeeze %dma_wait3A_385 : memref<1x2x128xi32, #tpu.memory_space<vmem>> -> memref<2x128xi32, #tpu.memory_space<vmem>>
        %dma_wait3A_387 = arith.constant 0 : i32
        %dma_wait3A_388 = arith.constant 0 : i32
        %dma_wait3A_389 = tpu.memref_slice %arg3[%add3A, %add3A_380, %dma_wait3A_387, %dma_wait3A_388] : memref<32x80x2x128xi32, #tpu.memory_space<hbm>> -> memref<1x1x2x128xi32, #tpu.memory_space<hbm>>
        %dma_wait3A_390 = tpu.memref_squeeze %dma_wait3A_389 : memref<1x1x2x128xi32, #tpu.memory_space<hbm>> -> memref<2x128xi32, #tpu.memory_space<hbm>>
        %dma_wait3A_391 = tpu.memref_slice %arg11[%dma_wait3A_382] : memref<4x!tpu.dma_semaphore, #tpu.memory_space<semaphore_mem>> -> memref<1x!tpu.dma_semaphore, #tpu.memory_space<semaphore_mem>>
        %dma_wait3A_392 = tpu.memref_squeeze %dma_wait3A_391 : memref<1x!tpu.dma_semaphore, #tpu.memory_space<semaphore_mem>> -> memref<!tpu.dma_semaphore, #tpu.memory_space<semaphore_mem>>
        %dma_wait3A_393 = arith.constant 0 : i32
        %dma_wait3A_394 = arith.constant 0 : i32
        %dma_wait3A_395 = tpu.memref_slice %arg6[%dma_wait3A_381, %dma_wait3A_393, %dma_wait3A_394] : memref<4x2x128xi32, #tpu.memory_space<vmem>> -> memref<1x2x128xi32, #tpu.memory_space<vmem>>
        %dma_wait3A_396 = tpu.memref_squeeze %dma_wait3A_395 : memref<1x2x128xi32, #tpu.memory_space<vmem>> -> memref<2x128xi32, #tpu.memory_space<vmem>>
        %dma_wait3A_397 = arith.constant 0 : i32
        %dma_wait3A_398 = arith.constant 0 : i32
        %dma_wait3A_399 = tpu.memref_slice %arg3[%add3A, %add3A_380, %dma_wait3A_397, %dma_wait3A_398] : memref<32x80x2x128xi32, #tpu.memory_space<hbm>> -> memref<1x1x2x128xi32, #tpu.memory_space<hbm>>
        %dma_wait3A_400 = tpu.memref_squeeze %dma_wait3A_399 : memref<1x1x2x128xi32, #tpu.memory_space<hbm>> -> memref<2x128xi32, #tpu.memory_space<hbm>>
        tpu.wait_dma2 semaphore(%dma_wait3A_392 : memref<!tpu.dma_semaphore, #tpu.memory_space<semaphore_mem>>) src(%dma_wait3A_400 : memref<2x128xi32, #tpu.memory_space<hbm>>) dst(%dma_wait3A_396 : memref<2x128xi32, #tpu.memory_space<vmem>>)
        %add3A_401 = arith.constant 1 : i32
        %add3A_402 = arith.addi %add3A_265, %add3A_401 : i32
        %dma_start3A_403 = arith.constant 3 : i32
        %dma_start3A_404 = arith.constant 0 : i32
        %dma_start3A_405 = arith.constant 1 : i32
        %dma_start3A_406 = arith.constant 1 : i32
        %dma_start3A_407 = arith.constant 0 : i32
        %dma_start3A_408 = arith.constant 0 : i32
        %dma_start3A_409 = tpu.memref_slice %arg7[%dma_start3A_405, %dma_start3A_407, %dma_start3A_408] : memref<2x128x128xf32, #tpu.memory_space<vmem>> -> memref<1x128x128xf32, #tpu.memory_space<vmem>>
        %dma_start3A_410 = tpu.memref_squeeze %dma_start3A_409 : memref<1x128x128xf32, #tpu.memory_space<vmem>> -> memref<128x128xf32, #tpu.memory_space<vmem>>
        %dma_start3A_411 = arith.constant 0 : i32
        %dma_start3A_412 = tpu.memref_slice %arg6[%dma_start3A_403, %dma_start3A_404, %dma_start3A_411] : memref<4x2x128xi32, #tpu.memory_space<vmem>> -> memref<1x1x128xi32, #tpu.memory_space<vmem>>
        %dma_start3A_413 = tpu.memref_squeeze %dma_start3A_412 : memref<1x1x128xi32, #tpu.memory_space<vmem>> -> memref<128xi32, #tpu.memory_space<vmem>>
        %dma_start3A_414 = arith.constant 0 : i32
        %dma_start3A_415 = arith.constant 0 : i32
        %dma_start3A_416 = tpu.memref_slice %arg2[%dma_start3A_414, %dma_start3A_415] : memref<10000x128xf32, #tpu.memory_space<hbm>> -> memref<10000x128xf32, #tpu.memory_space<hbm>>
        %dma_start3A_417 = tpu.memref_slice %arg9[%dma_start3A_406] : memref<2x!tpu.dma_semaphore, #tpu.memory_space<semaphore_mem>> -> memref<1x!tpu.dma_semaphore, #tpu.memory_space<semaphore_mem>>
        %dma_start3A_418 = tpu.memref_squeeze %dma_start3A_417 : memref<1x!tpu.dma_semaphore, #tpu.memory_space<semaphore_mem>> -> memref<!tpu.dma_semaphore, #tpu.memory_space<semaphore_mem>>
        tpu.enqueue_indirect_dma source(%dma_start3A_416 : memref<10000x128xf32, #tpu.memory_space<hbm>>) target(%dma_start3A_410 : memref<128x128xf32, #tpu.memory_space<vmem>>) offsets(%dma_start3A_413 : memref<128xi32, #tpu.memory_space<vmem>>) semaphore(%dma_start3A_418 : memref<!tpu.dma_semaphore, #tpu.memory_space<semaphore_mem>>)
      } else {
      }
      %mul3A_320 = arith.constant 4 : i32
      %mul3A_321 = arith.muli %scan3A_149, %mul3A_320 : i32
      %add3A_322 = arith.constant 3 : i32
      %add3A_323 = arith.addi %mul3A_321, %add3A_322 : i32
      %dma_wait3A_324 = arith.constant 3 : i32
      %dma_wait3A_325 = arith.constant 0 : i32
      %dma_wait3A_326 = arith.constant 1 : i32
      %dma_wait3A_327 = arith.constant 1 : i32
      %dma_wait3A_328 = arith.constant 0 : i32
      %dma_wait3A_329 = arith.constant 0 : i32
      %dma_wait3A_330 = tpu.memref_slice %arg7[%dma_wait3A_326, %dma_wait3A_328, %dma_wait3A_329] : memref<2x128x128xf32, #tpu.memory_space<vmem>> -> memref<1x128x128xf32, #tpu.memory_space<vmem>>
      %dma_wait3A_331 = tpu.memref_squeeze %dma_wait3A_330 : memref<1x128x128xf32, #tpu.memory_space<vmem>> -> memref<128x128xf32, #tpu.memory_space<vmem>>
      %dma_wait3A_332 = arith.constant 0 : i32
      %dma_wait3A_333 = tpu.memref_slice %arg6[%dma_wait3A_324, %dma_wait3A_325, %dma_wait3A_332] : memref<4x2x128xi32, #tpu.memory_space<vmem>> -> memref<1x1x128xi32, #tpu.memory_space<vmem>>
      %dma_wait3A_334 = tpu.memref_squeeze %dma_wait3A_333 : memref<1x1x128xi32, #tpu.memory_space<vmem>> -> memref<128xi32, #tpu.memory_space<vmem>>
      %dma_wait3A_335 = arith.constant 0 : i32
      %dma_wait3A_336 = arith.constant 0 : i32
      %dma_wait3A_337 = tpu.memref_slice %arg2[%dma_wait3A_335, %dma_wait3A_336] : memref<10000x128xf32, #tpu.memory_space<hbm>> -> memref<10000x128xf32, #tpu.memory_space<hbm>>
      %dma_wait3A_338 = tpu.memref_slice %arg9[%dma_wait3A_327] : memref<2x!tpu.dma_semaphore, #tpu.memory_space<semaphore_mem>> -> memref<1x!tpu.dma_semaphore, #tpu.memory_space<semaphore_mem>>
      %dma_wait3A_339 = tpu.memref_squeeze %dma_wait3A_338 : memref<1x!tpu.dma_semaphore, #tpu.memory_space<semaphore_mem>> -> memref<!tpu.dma_semaphore, #tpu.memory_space<semaphore_mem>>
      tpu.wait_indirect_dma semaphore(%dma_wait3A_339 : memref<!tpu.dma_semaphore, #tpu.memory_space<semaphore_mem>>) src(%dma_wait3A_337 : memref<10000x128xf32, #tpu.memory_space<hbm>>) dst(%dma_wait3A_331 : memref<128x128xf32, #tpu.memory_space<vmem>>)
      %dma_start3A_340 = arith.constant 1 : i32
      %dma_start3A_341 = arith.constant 3 : i32
      %dma_start3A_342 = arith.constant 1 : i32
      %dma_start3A_343 = arith.constant 1 : i32
      %dma_start3A_344 = arith.constant 0 : i32
      %dma_start3A_345 = arith.constant 0 : i32
      %dma_start3A_346 = tpu.memref_slice %arg7[%dma_start3A_340, %dma_start3A_344, %dma_start3A_345] : memref<2x128x128xf32, #tpu.memory_space<vmem>> -> memref<1x128x128xf32, #tpu.memory_space<vmem>>
      %dma_start3A_347 = tpu.memref_squeeze %dma_start3A_346 : memref<1x128x128xf32, #tpu.memory_space<vmem>> -> memref<128x128xf32, #tpu.memory_space<vmem>>
      %dma_start3A_348 = arith.constant 0 : i32
      %dma_start3A_349 = tpu.memref_slice %arg6[%dma_start3A_341, %dma_start3A_342, %dma_start3A_348] : memref<4x2x128xi32, #tpu.memory_space<vmem>> -> memref<1x1x128xi32, #tpu.memory_space<vmem>>
      %dma_start3A_350 = tpu.memref_squeeze %dma_start3A_349 : memref<1x1x128xi32, #tpu.memory_space<vmem>> -> memref<128xi32, #tpu.memory_space<vmem>>
      %dma_start3A_351 = arith.constant 0 : i32
      %dma_start3A_352 = arith.constant 0 : i32
      %dma_start3A_353 = tpu.memref_slice %arg8[%dma_start3A_351, %dma_start3A_352] : memref<10112x128xf32, #tpu.memory_space<vmem_shared>> -> memref<10112x128xf32, #tpu.memory_space<vmem_shared>>
      %dma_start3A_354 = tpu.memref_slice %arg10[%dma_start3A_343] : memref<2x!tpu.dma_semaphore, #tpu.memory_space<semaphore_mem>> -> memref<1x!tpu.dma_semaphore, #tpu.memory_space<semaphore_mem>>
      %dma_start3A_355 = tpu.memref_squeeze %dma_start3A_354 : memref<1x!tpu.dma_semaphore, #tpu.memory_space<semaphore_mem>> -> memref<!tpu.dma_semaphore, #tpu.memory_space<semaphore_mem>>
      tpu.enqueue_indirect_dma source(%dma_start3A_347 : memref<128x128xf32, #tpu.memory_space<vmem>>) target(%dma_start3A_353 : memref<10112x128xf32, #tpu.memory_space<vmem_shared>>) offsets(%dma_start3A_350 : memref<128xi32, #tpu.memory_space<vmem>>) semaphore(%dma_start3A_355 : memref<!tpu.dma_semaphore, #tpu.memory_space<semaphore_mem>>) {add = true}
      %ge3A_356 = arith.constant 1 : i32
      %ge3A_357 = arith.cmpi sge, %add3A_323, %ge3A_356 : i32
      %convert_element_type3A_358 = arith.extui %ge3A_357 : i1 to i32
      %cond3A_359 = arith.constant 0 : i32
      %cond3A_360 = arith.cmpi ne, %convert_element_type3A_358, %cond3A_359 : i32
      scf.if %cond3A_360 {
        %dma_wait3A_379 = arith.constant 0 : i32
        %dma_wait3A_380 = arith.constant 2 : i32
        %dma_wait3A_381 = arith.constant 1 : i32
        %dma_wait3A_382 = arith.constant 0 : i32
        %dma_wait3A_383 = arith.constant 0 : i32
        %dma_wait3A_384 = arith.constant 0 : i32
        %dma_wait3A_385 = tpu.memref_slice %arg7[%dma_wait3A_379, %dma_wait3A_383, %dma_wait3A_384] : memref<2x128x128xf32, #tpu.memory_space<vmem>> -> memref<1x128x128xf32, #tpu.memory_space<vmem>>
        %dma_wait3A_386 = tpu.memref_squeeze %dma_wait3A_385 : memref<1x128x128xf32, #tpu.memory_space<vmem>> -> memref<128x128xf32, #tpu.memory_space<vmem>>
        %dma_wait3A_387 = arith.constant 0 : i32
        %dma_wait3A_388 = tpu.memref_slice %arg6[%dma_wait3A_380, %dma_wait3A_381, %dma_wait3A_387] : memref<4x2x128xi32, #tpu.memory_space<vmem>> -> memref<1x1x128xi32, #tpu.memory_space<vmem>>
        %dma_wait3A_389 = tpu.memref_squeeze %dma_wait3A_388 : memref<1x1x128xi32, #tpu.memory_space<vmem>> -> memref<128xi32, #tpu.memory_space<vmem>>
        %dma_wait3A_390 = arith.constant 0 : i32
        %dma_wait3A_391 = arith.constant 0 : i32
        %dma_wait3A_392 = tpu.memref_slice %arg8[%dma_wait3A_390, %dma_wait3A_391] : memref<10112x128xf32, #tpu.memory_space<vmem_shared>> -> memref<10112x128xf32, #tpu.memory_space<vmem_shared>>
        %dma_wait3A_393 = tpu.memref_slice %arg10[%dma_wait3A_382] : memref<2x!tpu.dma_semaphore, #tpu.memory_space<semaphore_mem>> -> memref<1x!tpu.dma_semaphore, #tpu.memory_space<semaphore_mem>>
        %dma_wait3A_394 = tpu.memref_squeeze %dma_wait3A_393 : memref<1x!tpu.dma_semaphore, #tpu.memory_space<semaphore_mem>> -> memref<!tpu.dma_semaphore, #tpu.memory_space<semaphore_mem>>
        tpu.wait_indirect_dma semaphore(%dma_wait3A_394 : memref<!tpu.dma_semaphore, #tpu.memory_space<semaphore_mem>>) src(%dma_wait3A_386 : memref<128x128xf32, #tpu.memory_space<vmem>>) dst(%dma_wait3A_392 : memref<10112x128xf32, #tpu.memory_space<vmem_shared>>)
      } else {
      }
      %ge3A_361 = arith.constant 1 : i32
      %ge3A_362 = arith.cmpi sge, %add3A_323, %ge3A_361 : i32
      %add3A_363 = arith.constant 3 : i32
      %add3A_364 = arith.addi %add3A_323, %add3A_363 : i32
      %lt3A_365 = arith.constant 80 : i32
      %lt3A_366 = arith.cmpi slt, %add3A_364, %lt3A_365 : i32
      %and3A_367 = arith.andi %ge3A_362, %lt3A_366 : i1
      %convert_element_type3A_368 = arith.extui %and3A_367 : i1 to i32
      %cond3A_369 = arith.constant 0 : i32
      %cond3A_370 = arith.cmpi ne, %convert_element_type3A_368, %cond3A_369 : i32
      scf.if %cond3A_370 {
        %add3A_379 = arith.constant 3 : i32
        %add3A_380 = arith.addi %add3A_323, %add3A_379 : i32
        %dma_start3A_381 = arith.constant 2 : i32
        %dma_start3A_382 = arith.constant 2 : i32
        %dma_start3A_383 = arith.constant 0 : i32
        %dma_start3A_384 = arith.constant 0 : i32
        %dma_start3A_385 = tpu.memref_slice %arg6[%dma_start3A_381, %dma_start3A_383, %dma_start3A_384] : memref<4x2x128xi32, #tpu.memory_space<vmem>> -> memref<1x2x128xi32, #tpu.memory_space<vmem>>
        %dma_start3A_386 = tpu.memref_squeeze %dma_start3A_385 : memref<1x2x128xi32, #tpu.memory_space<vmem>> -> memref<2x128xi32, #tpu.memory_space<vmem>>
        %dma_start3A_387 = arith.constant 0 : i32
        %dma_start3A_388 = arith.constant 0 : i32
        %dma_start3A_389 = tpu.memref_slice %arg3[%add3A, %add3A_380, %dma_start3A_387, %dma_start3A_388] : memref<32x80x2x128xi32, #tpu.memory_space<hbm>> -> memref<1x1x2x128xi32, #tpu.memory_space<hbm>>
        %dma_start3A_390 = tpu.memref_squeeze %dma_start3A_389 : memref<1x1x2x128xi32, #tpu.memory_space<hbm>> -> memref<2x128xi32, #tpu.memory_space<hbm>>
        %dma_start3A_391 = tpu.memref_slice %arg11[%dma_start3A_382] : memref<4x!tpu.dma_semaphore, #tpu.memory_space<semaphore_mem>> -> memref<1x!tpu.dma_semaphore, #tpu.memory_space<semaphore_mem>>
        %dma_start3A_392 = tpu.memref_squeeze %dma_start3A_391 : memref<1x!tpu.dma_semaphore, #tpu.memory_space<semaphore_mem>> -> memref<!tpu.dma_semaphore, #tpu.memory_space<semaphore_mem>>
        %dma_start3A_393 = arith.constant 0 : i32
        %dma_start3A_394 = arith.constant 0 : i32
        %dma_start3A_395 = tpu.memref_slice %arg6[%dma_start3A_381, %dma_start3A_393, %dma_start3A_394] : memref<4x2x128xi32, #tpu.memory_space<vmem>> -> memref<1x2x128xi32, #tpu.memory_space<vmem>>
        %dma_start3A_396 = tpu.memref_squeeze %dma_start3A_395 : memref<1x2x128xi32, #tpu.memory_space<vmem>> -> memref<2x128xi32, #tpu.memory_space<vmem>>
        %dma_start3A_397 = arith.constant 0 : i32
        %dma_start3A_398 = arith.constant 0 : i32
        %dma_start3A_399 = tpu.memref_slice %arg3[%add3A, %add3A_380, %dma_start3A_397, %dma_start3A_398] : memref<32x80x2x128xi32, #tpu.memory_space<hbm>> -> memref<1x1x2x128xi32, #tpu.memory_space<hbm>>
        %dma_start3A_400 = tpu.memref_squeeze %dma_start3A_399 : memref<1x1x2x128xi32, #tpu.memory_space<hbm>> -> memref<2x128xi32, #tpu.memory_space<hbm>>
        tpu.enqueue_dma source(%dma_start3A_400 : memref<2x128xi32, #tpu.memory_space<hbm>>) target(%dma_start3A_396 : memref<2x128xi32, #tpu.memory_space<vmem>>) target_semaphore(%dma_start3A_392 : memref<!tpu.dma_semaphore, #tpu.memory_space<semaphore_mem>>)
      } else {
      }
      %add3A_371 = arith.constant 1 : i32
      %add3A_372 = arith.addi %add3A_323, %add3A_371 : i32
      %lt3A_373 = arith.constant 80 : i32
      %lt3A_374 = arith.cmpi slt, %add3A_372, %lt3A_373 : i32
      %convert_element_type3A_375 = arith.extui %lt3A_374 : i1 to i32
      %cond3A_376 = arith.constant 0 : i32
      %cond3A_377 = arith.cmpi ne, %convert_element_type3A_375, %cond3A_376 : i32
      scf.if %cond3A_377 {
        %add3A_379 = arith.constant 1 : i32
        %add3A_380 = arith.addi %add3A_323, %add3A_379 : i32
        %dma_wait3A_381 = arith.constant 0 : i32
        %dma_wait3A_382 = arith.constant 0 : i32
        %dma_wait3A_383 = arith.constant 0 : i32
        %dma_wait3A_384 = arith.constant 0 : i32
        %dma_wait3A_385 = tpu.memref_slice %arg6[%dma_wait3A_381, %dma_wait3A_383, %dma_wait3A_384] : memref<4x2x128xi32, #tpu.memory_space<vmem>> -> memref<1x2x128xi32, #tpu.memory_space<vmem>>
        %dma_wait3A_386 = tpu.memref_squeeze %dma_wait3A_385 : memref<1x2x128xi32, #tpu.memory_space<vmem>> -> memref<2x128xi32, #tpu.memory_space<vmem>>
        %dma_wait3A_387 = arith.constant 0 : i32
        %dma_wait3A_388 = arith.constant 0 : i32
        %dma_wait3A_389 = tpu.memref_slice %arg3[%add3A, %add3A_380, %dma_wait3A_387, %dma_wait3A_388] : memref<32x80x2x128xi32, #tpu.memory_space<hbm>> -> memref<1x1x2x128xi32, #tpu.memory_space<hbm>>
        %dma_wait3A_390 = tpu.memref_squeeze %dma_wait3A_389 : memref<1x1x2x128xi32, #tpu.memory_space<hbm>> -> memref<2x128xi32, #tpu.memory_space<hbm>>
        %dma_wait3A_391 = tpu.memref_slice %arg11[%dma_wait3A_382] : memref<4x!tpu.dma_semaphore, #tpu.memory_space<semaphore_mem>> -> memref<1x!tpu.dma_semaphore, #tpu.memory_space<semaphore_mem>>
        %dma_wait3A_392 = tpu.memref_squeeze %dma_wait3A_391 : memref<1x!tpu.dma_semaphore, #tpu.memory_space<semaphore_mem>> -> memref<!tpu.dma_semaphore, #tpu.memory_space<semaphore_mem>>
        %dma_wait3A_393 = arith.constant 0 : i32
        %dma_wait3A_394 = arith.constant 0 : i32
        %dma_wait3A_395 = tpu.memref_slice %arg6[%dma_wait3A_381, %dma_wait3A_393, %dma_wait3A_394] : memref<4x2x128xi32, #tpu.memory_space<vmem>> -> memref<1x2x128xi32, #tpu.memory_space<vmem>>
        %dma_wait3A_396 = tpu.memref_squeeze %dma_wait3A_395 : memref<1x2x128xi32, #tpu.memory_space<vmem>> -> memref<2x128xi32, #tpu.memory_space<vmem>>
        %dma_wait3A_397 = arith.constant 0 : i32
        %dma_wait3A_398 = arith.constant 0 : i32
        %dma_wait3A_399 = tpu.memref_slice %arg3[%add3A, %add3A_380, %dma_wait3A_397, %dma_wait3A_398] : memref<32x80x2x128xi32, #tpu.memory_space<hbm>> -> memref<1x1x2x128xi32, #tpu.memory_space<hbm>>
        %dma_wait3A_400 = tpu.memref_squeeze %dma_wait3A_399 : memref<1x1x2x128xi32, #tpu.memory_space<hbm>> -> memref<2x128xi32, #tpu.memory_space<hbm>>
        tpu.wait_dma2 semaphore(%dma_wait3A_392 : memref<!tpu.dma_semaphore, #tpu.memory_space<semaphore_mem>>) src(%dma_wait3A_400 : memref<2x128xi32, #tpu.memory_space<hbm>>) dst(%dma_wait3A_396 : memref<2x128xi32, #tpu.memory_space<vmem>>)
        %add3A_401 = arith.constant 1 : i32
        %add3A_402 = arith.addi %add3A_323, %add3A_401 : i32
        %dma_start3A_403 = arith.constant 0 : i32
        %dma_start3A_404 = arith.constant 0 : i32
        %dma_start3A_405 = arith.constant 0 : i32
        %dma_start3A_406 = arith.constant 0 : i32
        %dma_start3A_407 = arith.constant 0 : i32
        %dma_start3A_408 = arith.constant 0 : i32
        %dma_start3A_409 = tpu.memref_slice %arg7[%dma_start3A_405, %dma_start3A_407, %dma_start3A_408] : memref<2x128x128xf32, #tpu.memory_space<vmem>> -> memref<1x128x128xf32, #tpu.memory_space<vmem>>
        %dma_start3A_410 = tpu.memref_squeeze %dma_start3A_409 : memref<1x128x128xf32, #tpu.memory_space<vmem>> -> memref<128x128xf32, #tpu.memory_space<vmem>>
        %dma_start3A_411 = arith.constant 0 : i32
        %dma_start3A_412 = tpu.memref_slice %arg6[%dma_start3A_403, %dma_start3A_404, %dma_start3A_411] : memref<4x2x128xi32, #tpu.memory_space<vmem>> -> memref<1x1x128xi32, #tpu.memory_space<vmem>>
        %dma_start3A_413 = tpu.memref_squeeze %dma_start3A_412 : memref<1x1x128xi32, #tpu.memory_space<vmem>> -> memref<128xi32, #tpu.memory_space<vmem>>
        %dma_start3A_414 = arith.constant 0 : i32
        %dma_start3A_415 = arith.constant 0 : i32
        %dma_start3A_416 = tpu.memref_slice %arg2[%dma_start3A_414, %dma_start3A_415] : memref<10000x128xf32, #tpu.memory_space<hbm>> -> memref<10000x128xf32, #tpu.memory_space<hbm>>
        %dma_start3A_417 = tpu.memref_slice %arg9[%dma_start3A_406] : memref<2x!tpu.dma_semaphore, #tpu.memory_space<semaphore_mem>> -> memref<1x!tpu.dma_semaphore, #tpu.memory_space<semaphore_mem>>
        %dma_start3A_418 = tpu.memref_squeeze %dma_start3A_417 : memref<1x!tpu.dma_semaphore, #tpu.memory_space<semaphore_mem>> -> memref<!tpu.dma_semaphore, #tpu.memory_space<semaphore_mem>>
        tpu.enqueue_indirect_dma source(%dma_start3A_416 : memref<10000x128xf32, #tpu.memory_space<hbm>>) target(%dma_start3A_410 : memref<128x128xf32, #tpu.memory_space<vmem>>) offsets(%dma_start3A_413 : memref<128xi32, #tpu.memory_space<vmem>>) semaphore(%dma_start3A_418 : memref<!tpu.dma_semaphore, #tpu.memory_space<semaphore_mem>>)
      } else {
      }
      %scan3A_378 = arith.constant 0 : i32
      scf.yield %scan3A_378 : i32
    }
    %scan3A_127 = arith.constant 20 : i32
    %dma_wait3A_128 = arith.constant 1 : i32
    %dma_wait3A_129 = arith.constant 3 : i32
    %dma_wait3A_130 = arith.constant 1 : i32
    %dma_wait3A_131 = arith.constant 1 : i32
    %dma_wait3A_132 = arith.constant 0 : i32
    %dma_wait3A_133 = arith.constant 0 : i32
    %dma_wait3A_134 = tpu.memref_slice %arg7[%dma_wait3A_128, %dma_wait3A_132, %dma_wait3A_133] : memref<2x128x128xf32, #tpu.memory_space<vmem>> -> memref<1x128x128xf32, #tpu.memory_space<vmem>>
    %dma_wait3A_135 = tpu.memref_squeeze %dma_wait3A_134 : memref<1x128x128xf32, #tpu.memory_space<vmem>> -> memref<128x128xf32, #tpu.memory_space<vmem>>
    %dma_wait3A_136 = arith.constant 0 : i32
    %dma_wait3A_137 = tpu.memref_slice %arg6[%dma_wait3A_129, %dma_wait3A_130, %dma_wait3A_136] : memref<4x2x128xi32, #tpu.memory_space<vmem>> -> memref<1x1x128xi32, #tpu.memory_space<vmem>>
    %dma_wait3A_138 = tpu.memref_squeeze %dma_wait3A_137 : memref<1x1x128xi32, #tpu.memory_space<vmem>> -> memref<128xi32, #tpu.memory_space<vmem>>
    %dma_wait3A_139 = arith.constant 0 : i32
    %dma_wait3A_140 = arith.constant 0 : i32
    %dma_wait3A_141 = tpu.memref_slice %arg8[%dma_wait3A_139, %dma_wait3A_140] : memref<10112x128xf32, #tpu.memory_space<vmem_shared>> -> memref<10112x128xf32, #tpu.memory_space<vmem_shared>>
    %dma_wait3A_142 = tpu.memref_slice %arg10[%dma_wait3A_131] : memref<2x!tpu.dma_semaphore, #tpu.memory_space<semaphore_mem>> -> memref<1x!tpu.dma_semaphore, #tpu.memory_space<semaphore_mem>>
    %dma_wait3A_143 = tpu.memref_squeeze %dma_wait3A_142 : memref<1x!tpu.dma_semaphore, #tpu.memory_space<semaphore_mem>> -> memref<!tpu.dma_semaphore, #tpu.memory_space<semaphore_mem>>
    tpu.wait_indirect_dma semaphore(%dma_wait3A_143 : memref<!tpu.dma_semaphore, #tpu.memory_space<semaphore_mem>>) src(%dma_wait3A_135 : memref<128x128xf32, #tpu.memory_space<vmem>>) dst(%dma_wait3A_141 : memref<10112x128xf32, #tpu.memory_space<vmem_shared>>)
    %barrier3A_144 = arith.constant 0 : index
    tpu.barrier barrier_id(%barrier3A_144)
    %mul3A_145 = arith.constant 632 : i32
    %mul3A_146 = arith.muli %arg1, %mul3A_145 : i32
    %mul3A_147 = arith.constant 632 : i32
    %mul3A_148 = arith.muli %arg1, %mul3A_147 : i32
    "tpu.region"() ({
      %run_scoped3A = tpu.sem_alloc : memref<!tpu.dma_semaphore, #tpu.memory_space<semaphore_mem>>
      %dma_start3A_149 = arith.constant 0 : i32
      %dma_start3A_150 = tpu.memref_slice %arg5[%arg0, %mul3A_148, %dma_start3A_149] : memref<2x10112x128xf32, #tpu.memory_space<hbm>> -> memref<1x632x128xf32, #tpu.memory_space<hbm>>
      %dma_start3A_151 = tpu.memref_squeeze %dma_start3A_150 : memref<1x632x128xf32, #tpu.memory_space<hbm>> -> memref<632x128xf32, #tpu.memory_space<hbm>>
      %dma_start3A_152 = arith.constant 0 : i32
      %dma_start3A_153 = tpu.memref_slice %arg8[%mul3A_146, %dma_start3A_152] : memref<10112x128xf32, #tpu.memory_space<vmem_shared>> -> memref<632x128xf32, #tpu.memory_space<vmem_shared>>
      tpu.enqueue_dma source(%dma_start3A_153 : memref<632x128xf32, #tpu.memory_space<vmem_shared>>) target(%dma_start3A_151 : memref<632x128xf32, #tpu.memory_space<hbm>>) target_semaphore(%run_scoped3A : memref<!tpu.dma_semaphore, #tpu.memory_space<semaphore_mem>>)
      %dma_wait3A_154 = arith.constant 0 : i32
      %dma_wait3A_155 = tpu.memref_slice %arg5[%arg0, %mul3A_148, %dma_wait3A_154] : memref<2x10112x128xf32, #tpu.memory_space<hbm>> -> memref<1x632x128xf32, #tpu.memory_space<hbm>>
      %dma_wait3A_156 = tpu.memref_squeeze %dma_wait3A_155 : memref<1x632x128xf32, #tpu.memory_space<hbm>> -> memref<632x128xf32, #tpu.memory_space<hbm>>
      %dma_wait3A_157 = arith.constant 0 : i32
      %dma_wait3A_158 = tpu.memref_slice %arg8[%mul3A_146, %dma_wait3A_157] : memref<10112x128xf32, #tpu.memory_space<vmem_shared>> -> memref<632x128xf32, #tpu.memory_space<vmem_shared>>
      tpu.wait_dma2 semaphore(%run_scoped3A : memref<!tpu.dma_semaphore, #tpu.memory_space<semaphore_mem>>) src(%dma_wait3A_158 : memref<632x128xf32, #tpu.memory_space<vmem_shared>>) dst(%dma_wait3A_156 : memref<632x128xf32, #tpu.memory_space<hbm>>)
      tpu.yield
    }) : () -> ()
    return
  }
}

#map = affine_map<(d0, d1) -> (0, 0)>
module attributes {stable_mosaic.version = 14 : i64} {
  func.func @_deg_body(%arg0: i32, %arg1: i32, %arg2: memref<32x10240xi32, #tpu.memory_space<hbm>>, %arg3: memref<32x10112xf32, #tpu.memory_space<hbm>>, %arg4: memref<10240xi32, #tpu.memory_space<vmem>>, %arg5: memref<10112xf32, #tpu.memory_space<vmem>>) attributes {dimension_semantics = [#tpu.dimension_semantics<core_parallel>, #tpu.dimension_semantics<subcore_parallel>], iteration_bounds = array<i64: 2, 16>, scalar_prefetch = 0 : i64, scratch_operands = 2 : i64, tpu.core_type = #tpu.core_type<sc_vector_subcore>, window_params = [{transform_indices = #map}, {transform_indices = #map}]} {
    %mul3A = arith.constant 2 : i32
    %mul3A_0 = arith.muli %arg1, %mul3A : i32
    %add3A = arith.addi %mul3A_0, %arg0 : i32
    %broadcast_in_dim3A = arith.constant 0.000000e+00 : f32
    %broadcast_in_dim3A_1 = vector.broadcast %broadcast_in_dim3A : f32 to vector<16xf32>
    %broadcast_in_dim3A_2 = arith.constant 1.000000e+00 : f32
    %broadcast_in_dim3A_3 = vector.broadcast %broadcast_in_dim3A_2 : f32 to vector<16xf32>
    %scan3A = arith.constant 0 : i32
    %scan3A_4 = arith.constant 0 : i32
    %scan3A_5 = arith.constant 632 : i32
    %scan3A_6 = arith.addi %scan3A_4, %scan3A_5 : i32
    %scan3A_7 = arith.constant 1 : i32
    %scan3A_8 = scf.for %scan3A_17 = %scan3A_4 to %scan3A_6 step %scan3A_7 iter_args(%scan3A_18 = %scan3A) -> (i32)  : i32 {
      %mul3A_19 = arith.constant 16 : i32
      %mul3A_20 = arith.muli %scan3A_17, %mul3A_19 : i32
      %swap3A = arith.index_cast %mul3A_20 : i32 to index
      %swap3A_21 = tpu.vector_load %arg5[%swap3A] {strides = array<i32>} : memref<10112xf32, #tpu.memory_space<vmem>>, vector<16xf32>,
      tpu.vector_store %arg5[%swap3A], %broadcast_in_dim3A_1 {strides = array<i32>} : memref<10112xf32, #tpu.memory_space<vmem>>, vector<16xf32>,
      %scan3A_22 = arith.constant 0 : i32
      scf.yield %scan3A_22 : i32
    }
    %scan3A_9 = arith.constant 632 : i32
    "tpu.region"() ({
      %run_scoped3A = tpu.sem_alloc : memref<!tpu.dma_semaphore, #tpu.memory_space<semaphore_mem>>
      %dma_start3A = arith.constant 0 : i32
      %dma_start3A_17 = tpu.memref_slice %arg2[%add3A, %dma_start3A] : memref<32x10240xi32, #tpu.memory_space<hbm>> -> memref<1x10240xi32, #tpu.memory_space<hbm>>
      %dma_start3A_18 = tpu.memref_squeeze %dma_start3A_17 : memref<1x10240xi32, #tpu.memory_space<hbm>> -> memref<10240xi32, #tpu.memory_space<hbm>>
      %dma_start3A_19 = arith.constant 0 : i32
      %dma_start3A_20 = tpu.memref_slice %arg2[%add3A, %dma_start3A_19] : memref<32x10240xi32, #tpu.memory_space<hbm>> -> memref<1x10240xi32, #tpu.memory_space<hbm>>
      %dma_start3A_21 = tpu.memref_squeeze %dma_start3A_20 : memref<1x10240xi32, #tpu.memory_space<hbm>> -> memref<10240xi32, #tpu.memory_space<hbm>>
      tpu.enqueue_dma source(%dma_start3A_21 : memref<10240xi32, #tpu.memory_space<hbm>>) target(%arg4 : memref<10240xi32, #tpu.memory_space<vmem>>) target_semaphore(%run_scoped3A : memref<!tpu.dma_semaphore, #tpu.memory_space<semaphore_mem>>)
      %dma_wait3A = arith.constant 0 : i32
      %dma_wait3A_22 = tpu.memref_slice %arg2[%add3A, %dma_wait3A] : memref<32x10240xi32, #tpu.memory_space<hbm>> -> memref<1x10240xi32, #tpu.memory_space<hbm>>
      %dma_wait3A_23 = tpu.memref_squeeze %dma_wait3A_22 : memref<1x10240xi32, #tpu.memory_space<hbm>> -> memref<10240xi32, #tpu.memory_space<hbm>>
      %dma_wait3A_24 = arith.constant 0 : i32
      %dma_wait3A_25 = tpu.memref_slice %arg2[%add3A, %dma_wait3A_24] : memref<32x10240xi32, #tpu.memory_space<hbm>> -> memref<1x10240xi32, #tpu.memory_space<hbm>>
      %dma_wait3A_26 = tpu.memref_squeeze %dma_wait3A_25 : memref<1x10240xi32, #tpu.memory_space<hbm>> -> memref<10240xi32, #tpu.memory_space<hbm>>
      tpu.wait_dma2 semaphore(%run_scoped3A : memref<!tpu.dma_semaphore, #tpu.memory_space<semaphore_mem>>) src(%dma_wait3A_26 : memref<10240xi32, #tpu.memory_space<hbm>>) dst(%arg4 : memref<10240xi32, #tpu.memory_space<vmem>>)
      tpu.yield
    }) : () -> ()
    %scan3A_10 = arith.constant 0 : i32
    %scan3A_11 = arith.constant 0 : i32
    %scan3A_12 = arith.constant 640 : i32
    %scan3A_13 = arith.addi %scan3A_11, %scan3A_12 : i32
    %scan3A_14 = arith.constant 1 : i32
    %scan3A_15 = scf.for %scan3A_17 = %scan3A_11 to %scan3A_13 step %scan3A_14 iter_args(%scan3A_18 = %scan3A_10) -> (i32)  : i32 {
      %mul3A_19 = arith.constant 16 : i32
      %mul3A_20 = arith.muli %scan3A_17, %mul3A_19 : i32
      %get3A = arith.index_cast %mul3A_20 : i32 to index
      %get3A_21 = tpu.vector_load %arg4[%get3A] {strides = array<i32>} : memref<10240xi32, #tpu.memory_space<vmem>>, vector<16xi32>,
      tpu.vector_store_idx %arg5[%get3A_21], %broadcast_in_dim3A_3 {add = true} : memref<10112xf32, #tpu.memory_space<vmem>>[vector<16xi32>], vector<16xf32>,
      %scan3A_22 = arith.constant 0 : i32
      scf.yield %scan3A_22 : i32
    }
    %scan3A_16 = arith.constant 640 : i32
    "tpu.region"() ({
      %run_scoped3A = tpu.sem_alloc : memref<!tpu.dma_semaphore, #tpu.memory_space<semaphore_mem>>
      %dma_start3A = arith.constant 0 : i32
      %dma_start3A_17 = tpu.memref_slice %arg3[%add3A, %dma_start3A] : memref<32x10112xf32, #tpu.memory_space<hbm>> -> memref<1x10112xf32, #tpu.memory_space<hbm>>
      %dma_start3A_18 = tpu.memref_squeeze %dma_start3A_17 : memref<1x10112xf32, #tpu.memory_space<hbm>> -> memref<10112xf32, #tpu.memory_space<hbm>>
      %dma_start3A_19 = arith.constant 0 : i32
      %dma_start3A_20 = tpu.memref_slice %arg3[%add3A, %dma_start3A_19] : memref<32x10112xf32, #tpu.memory_space<hbm>> -> memref<1x10112xf32, #tpu.memory_space<hbm>>
      %dma_start3A_21 = tpu.memref_squeeze %dma_start3A_20 : memref<1x10112xf32, #tpu.memory_space<hbm>> -> memref<10112xf32, #tpu.memory_space<hbm>>
      tpu.enqueue_dma source(%arg5 : memref<10112xf32, #tpu.memory_space<vmem>>) target(%dma_start3A_21 : memref<10112xf32, #tpu.memory_space<hbm>>) target_semaphore(%run_scoped3A : memref<!tpu.dma_semaphore, #tpu.memory_space<semaphore_mem>>)
      %dma_wait3A = arith.constant 0 : i32
      %dma_wait3A_22 = tpu.memref_slice %arg3[%add3A, %dma_wait3A] : memref<32x10112xf32, #tpu.memory_space<hbm>> -> memref<1x10112xf32, #tpu.memory_space<hbm>>
      %dma_wait3A_23 = tpu.memref_squeeze %dma_wait3A_22 : memref<1x10112xf32, #tpu.memory_space<hbm>> -> memref<10112xf32, #tpu.memory_space<hbm>>
      %dma_wait3A_24 = arith.constant 0 : i32
      %dma_wait3A_25 = tpu.memref_slice %arg3[%add3A, %dma_wait3A_24] : memref<32x10112xf32, #tpu.memory_space<hbm>> -> memref<1x10112xf32, #tpu.memory_space<hbm>>
      %dma_wait3A_26 = tpu.memref_squeeze %dma_wait3A_25 : memref<1x10112xf32, #tpu.memory_space<hbm>> -> memref<10112xf32, #tpu.memory_space<hbm>>
      tpu.wait_dma2 semaphore(%run_scoped3A : memref<!tpu.dma_semaphore, #tpu.memory_space<semaphore_mem>>) src(%arg5 : memref<10112xf32, #tpu.memory_space<vmem>>) dst(%dma_wait3A_26 : memref<10112xf32, #tpu.memory_space<hbm>>)
      tpu.yield
    }) : () -> ()
    return
  }
}

#map = affine_map<(d0, d1) -> (0, 0)>
#map1 = affine_map<(d0, d1) -> (0, 0, 0, 0)>
#map2 = affine_map<(d0, d1) -> (0, 0, 0)>
module attributes {stable_mosaic.version = 14 : i64} {
  func.func @_agg_body(%arg0: i32, %arg1: i32, %arg2: memref<10000x128xf32, #tpu.memory_space<hbm>>, %arg3: memref<32x80x2x128xi32, #tpu.memory_space<hbm>>, %arg4: memref<632x128xf32, #tpu.memory_space<hbm>>, %arg5: memref<2x10112x128xf32, #tpu.memory_space<hbm>>, %arg6: memref<4x2x128xi32, #tpu.memory_space<vmem>>, %arg7: memref<2x128x128xf32, #tpu.memory_space<vmem>>, %arg8: memref<10112x128xf32, #tpu.memory_space<vmem_shared>>, %arg9: memref<2x!tpu.dma_semaphore, #tpu.memory_space<semaphore_mem>>, %arg10: memref<2x!tpu.dma_semaphore, #tpu.memory_space<semaphore_mem>>, %arg11: memref<4x!tpu.dma_semaphore, #tpu.memory_space<semaphore_mem>>) attributes {dimension_semantics = [#tpu.dimension_semantics<core_parallel>, #tpu.dimension_semantics<subcore_parallel>], iteration_bounds = array<i64: 2, 16>, scalar_prefetch = 0 : i64, scratch_operands = 6 : i64, tpu.core_type = #tpu.core_type<sc_vector_subcore>, window_params = [{transform_indices = #map}, {transform_indices = #map1}, {transform_indices = #map}, {transform_indices = #map2}]} {
    %mul3A = arith.constant 2 : i32
    %mul3A_0 = arith.muli %arg1, %mul3A : i32
    %add3A = arith.addi %mul3A_0, %arg0 : i32
    %mul3A_1 = arith.constant 632 : i32
    %mul3A_2 = arith.muli %arg1, %mul3A_1 : i32
    "tpu.region"() ({
      %run_scoped3A = tpu.sem_alloc : memref<!tpu.dma_semaphore, #tpu.memory_space<semaphore_mem>>
      %dma_start3A_149 = arith.constant 0 : i32
      %dma_start3A_150 = tpu.memref_slice %arg8[%mul3A_2, %dma_start3A_149] : memref<10112x128xf32, #tpu.memory_space<vmem_shared>> -> memref<632x128xf32, #tpu.memory_space<vmem_shared>>
      tpu.enqueue_dma source(%arg4 : memref<632x128xf32, #tpu.memory_space<hbm>>) target(%dma_start3A_150 : memref<632x128xf32, #tpu.memory_space<vmem_shared>>) target_semaphore(%run_scoped3A : memref<!tpu.dma_semaphore, #tpu.memory_space<semaphore_mem>>)
      %dma_wait3A_151 = arith.constant 0 : i32
      %dma_wait3A_152 = tpu.memref_slice %arg8[%mul3A_2, %dma_wait3A_151] : memref<10112x128xf32, #tpu.memory_space<vmem_shared>> -> memref<632x128xf32, #tpu.memory_space<vmem_shared>>
      tpu.wait_dma2 semaphore(%run_scoped3A : memref<!tpu.dma_semaphore, #tpu.memory_space<semaphore_mem>>) src(%arg4 : memref<632x128xf32, #tpu.memory_space<hbm>>) dst(%dma_wait3A_152 : memref<632x128xf32, #tpu.memory_space<vmem_shared>>)
      tpu.yield
    }) : () -> ()
    %barrier3A = arith.constant 0 : index
    tpu.barrier barrier_id(%barrier3A)
    %dma_start3A = arith.constant 0 : i32
    %dma_start3A_3 = arith.constant 0 : i32
    %dma_start3A_4 = arith.constant 0 : i32
    %dma_start3A_5 = arith.constant 0 : i32
    %dma_start3A_6 = arith.constant 0 : i32
    %dma_start3A_7 = tpu.memref_slice %arg6[%dma_start3A_3, %dma_start3A_5, %dma_start3A_6] : memref<4x2x128xi32, #tpu.memory_space<vmem>> -> memref<1x2x128xi32, #tpu.memory_space<vmem>>
    %dma_start3A_8 = tpu.memref_squeeze %dma_start3A_7 : memref<1x2x128xi32, #tpu.memory_space<vmem>> -> memref<2x128xi32, #tpu.memory_space<vmem>>
    %dma_start3A_9 = arith.constant 0 : i32
    %dma_start3A_10 = arith.constant 0 : i32
    %dma_start3A_11 = tpu.memref_slice %arg3[%add3A, %dma_start3A, %dma_start3A_9, %dma_start3A_10] : memref<32x80x2x128xi32, #tpu.memory_space<hbm>> -> memref<1x1x2x128xi32, #tpu.memory_space<hbm>>
    %dma_start3A_12 = tpu.memref_squeeze %dma_start3A_11 : memref<1x1x2x128xi32, #tpu.memory_space<hbm>> -> memref<2x128xi32, #tpu.memory_space<hbm>>
    %dma_start3A_13 = tpu.memref_slice %arg11[%dma_start3A_4] : memref<4x!tpu.dma_semaphore, #tpu.memory_space<semaphore_mem>> -> memref<1x!tpu.dma_semaphore, #tpu.memory_space<semaphore_mem>>
    %dma_start3A_14 = tpu.memref_squeeze %dma_start3A_13 : memref<1x!tpu.dma_semaphore, #tpu.memory_space<semaphore_mem>> -> memref<!tpu.dma_semaphore, #tpu.memory_space<semaphore_mem>>
    %dma_start3A_15 = arith.constant 0 : i32
    %dma_start3A_16 = arith.constant 0 : i32
    %dma_start3A_17 = tpu.memref_slice %arg6[%dma_start3A_3, %dma_start3A_15, %dma_start3A_16] : memref<4x2x128xi32, #tpu.memory_space<vmem>> -> memref<1x2x128xi32, #tpu.memory_space<vmem>>
    %dma_start3A_18 = tpu.memref_squeeze %dma_start3A_17 : memref<1x2x128xi32, #tpu.memory_space<vmem>> -> memref<2x128xi32, #tpu.memory_space<vmem>>
    %dma_start3A_19 = arith.constant 0 : i32
    %dma_start3A_20 = arith.constant 0 : i32
    %dma_start3A_21 = tpu.memref_slice %arg3[%add3A, %dma_start3A, %dma_start3A_19, %dma_start3A_20] : memref<32x80x2x128xi32, #tpu.memory_space<hbm>> -> memref<1x1x2x128xi32, #tpu.memory_space<hbm>>
    %dma_start3A_22 = tpu.memref_squeeze %dma_start3A_21 : memref<1x1x2x128xi32, #tpu.memory_space<hbm>> -> memref<2x128xi32, #tpu.memory_space<hbm>>
    tpu.enqueue_dma source(%dma_start3A_22 : memref<2x128xi32, #tpu.memory_space<hbm>>) target(%dma_start3A_18 : memref<2x128xi32, #tpu.memory_space<vmem>>) target_semaphore(%dma_start3A_14 : memref<!tpu.dma_semaphore, #tpu.memory_space<semaphore_mem>>)
    %dma_start3A_23 = arith.constant 1 : i32
    %dma_start3A_24 = arith.constant 1 : i32
    %dma_start3A_25 = arith.constant 1 : i32
    %dma_start3A_26 = arith.constant 0 : i32
    %dma_start3A_27 = arith.constant 0 : i32
    %dma_start3A_28 = tpu.memref_slice %arg6[%dma_start3A_24, %dma_start3A_26, %dma_start3A_27] : memref<4x2x128xi32, #tpu.memory_space<vmem>> -> memref<1x2x128xi32, #tpu.memory_space<vmem>>
    %dma_start3A_29 = tpu.memref_squeeze %dma_start3A_28 : memref<1x2x128xi32, #tpu.memory_space<vmem>> -> memref<2x128xi32, #tpu.memory_space<vmem>>
    %dma_start3A_30 = arith.constant 0 : i32
    %dma_start3A_31 = arith.constant 0 : i32
    %dma_start3A_32 = tpu.memref_slice %arg3[%add3A, %dma_start3A_23, %dma_start3A_30, %dma_start3A_31] : memref<32x80x2x128xi32, #tpu.memory_space<hbm>> -> memref<1x1x2x128xi32, #tpu.memory_space<hbm>>
    %dma_start3A_33 = tpu.memref_squeeze %dma_start3A_32 : memref<1x1x2x128xi32, #tpu.memory_space<hbm>> -> memref<2x128xi32, #tpu.memory_space<hbm>>
    %dma_start3A_34 = tpu.memref_slice %arg11[%dma_start3A_25] : memref<4x!tpu.dma_semaphore, #tpu.memory_space<semaphore_mem>> -> memref<1x!tpu.dma_semaphore, #tpu.memory_space<semaphore_mem>>
    %dma_start3A_35 = tpu.memref_squeeze %dma_start3A_34 : memref<1x!tpu.dma_semaphore, #tpu.memory_space<semaphore_mem>> -> memref<!tpu.dma_semaphore, #tpu.memory_space<semaphore_mem>>
    %dma_start3A_36 = arith.constant 0 : i32
    %dma_start3A_37 = arith.constant 0 : i32
    %dma_start3A_38 = tpu.memref_slice %arg6[%dma_start3A_24, %dma_start3A_36, %dma_start3A_37] : memref<4x2x128xi32, #tpu.memory_space<vmem>> -> memref<1x2x128xi32, #tpu.memory_space<vmem>>
    %dma_start3A_39 = tpu.memref_squeeze %dma_start3A_38 : memref<1x2x128xi32, #tpu.memory_space<vmem>> -> memref<2x128xi32, #tpu.memory_space<vmem>>
    %dma_start3A_40 = arith.constant 0 : i32
    %dma_start3A_41 = arith.constant 0 : i32
    %dma_start3A_42 = tpu.memref_slice %arg3[%add3A, %dma_start3A_23, %dma_start3A_40, %dma_start3A_41] : memref<32x80x2x128xi32, #tpu.memory_space<hbm>> -> memref<1x1x2x128xi32, #tpu.memory_space<hbm>>
    %dma_start3A_43 = tpu.memref_squeeze %dma_start3A_42 : memref<1x1x2x128xi32, #tpu.memory_space<hbm>> -> memref<2x128xi32, #tpu.memory_space<hbm>>
    tpu.enqueue_dma source(%dma_start3A_43 : memref<2x128xi32, #tpu.memory_space<hbm>>) target(%dma_start3A_39 : memref<2x128xi32, #tpu.memory_space<vmem>>) target_semaphore(%dma_start3A_35 : memref<!tpu.dma_semaphore, #tpu.memory_space<semaphore_mem>>)
    %dma_start3A_44 = arith.constant 2 : i32
    %dma_start3A_45 = arith.constant 2 : i32
    %dma_start3A_46 = arith.constant 2 : i32
    %dma_start3A_47 = arith.constant 0 : i32
    %dma_start3A_48 = arith.constant 0 : i32
    %dma_start3A_49 = tpu.memref_slice %arg6[%dma_start3A_45, %dma_start3A_47, %dma_start3A_48] : memref<4x2x128xi32, #tpu.memory_space<vmem>> -> memref<1x2x128xi32, #tpu.memory_space<vmem>>
    %dma_start3A_50 = tpu.memref_squeeze %dma_start3A_49 : memref<1x2x128xi32, #tpu.memory_space<vmem>> -> memref<2x128xi32, #tpu.memory_space<vmem>>
    %dma_start3A_51 = arith.constant 0 : i32
    %dma_start3A_52 = arith.constant 0 : i32
    %dma_start3A_53 = tpu.memref_slice %arg3[%add3A, %dma_start3A_44, %dma_start3A_51, %dma_start3A_52] : memref<32x80x2x128xi32, #tpu.memory_space<hbm>> -> memref<1x1x2x128xi32, #tpu.memory_space<hbm>>
    %dma_start3A_54 = tpu.memref_squeeze %dma_start3A_53 : memref<1x1x2x128xi32, #tpu.memory_space<hbm>> -> memref<2x128xi32, #tpu.memory_space<hbm>>
    %dma_start3A_55 = tpu.memref_slice %arg11[%dma_start3A_46] : memref<4x!tpu.dma_semaphore, #tpu.memory_space<semaphore_mem>> -> memref<1x!tpu.dma_semaphore, #tpu.memory_space<semaphore_mem>>
    %dma_start3A_56 = tpu.memref_squeeze %dma_start3A_55 : memref<1x!tpu.dma_semaphore, #tpu.memory_space<semaphore_mem>> -> memref<!tpu.dma_semaphore, #tpu.memory_space<semaphore_mem>>
    %dma_start3A_57 = arith.constant 0 : i32
    %dma_start3A_58 = arith.constant 0 : i32
    %dma_start3A_59 = tpu.memref_slice %arg6[%dma_start3A_45, %dma_start3A_57, %dma_start3A_58] : memref<4x2x128xi32, #tpu.memory_space<vmem>> -> memref<1x2x128xi32, #tpu.memory_space<vmem>>
    %dma_start3A_60 = tpu.memref_squeeze %dma_start3A_59 : memref<1x2x128xi32, #tpu.memory_space<vmem>> -> memref<2x128xi32, #tpu.memory_space<vmem>>
    %dma_start3A_61 = arith.constant 0 : i32
    %dma_start3A_62 = arith.constant 0 : i32
    %dma_start3A_63 = tpu.memref_slice %arg3[%add3A, %dma_start3A_44, %dma_start3A_61, %dma_start3A_62] : memref<32x80x2x128xi32, #tpu.memory_space<hbm>> -> memref<1x1x2x128xi32, #tpu.memory_space<hbm>>
    %dma_start3A_64 = tpu.memref_squeeze %dma_start3A_63 : memref<1x1x2x128xi32, #tpu.memory_space<hbm>> -> memref<2x128xi32, #tpu.memory_space<hbm>>
    tpu.enqueue_dma source(%dma_start3A_64 : memref<2x128xi32, #tpu.memory_space<hbm>>) target(%dma_start3A_60 : memref<2x128xi32, #tpu.memory_space<vmem>>) target_semaphore(%dma_start3A_56 : memref<!tpu.dma_semaphore, #tpu.memory_space<semaphore_mem>>)
    %dma_start3A_65 = arith.constant 3 : i32
    %dma_start3A_66 = arith.constant 3 : i32
    %dma_start3A_67 = arith.constant 3 : i32
    %dma_start3A_68 = arith.constant 0 : i32
    %dma_start3A_69 = arith.constant 0 : i32
    %dma_start3A_70 = tpu.memref_slice %arg6[%dma_start3A_66, %dma_start3A_68, %dma_start3A_69] : memref<4x2x128xi32, #tpu.memory_space<vmem>> -> memref<1x2x128xi32, #tpu.memory_space<vmem>>
    %dma_start3A_71 = tpu.memref_squeeze %dma_start3A_70 : memref<1x2x128xi32, #tpu.memory_space<vmem>> -> memref<2x128xi32, #tpu.memory_space<vmem>>
    %dma_start3A_72 = arith.constant 0 : i32
    %dma_start3A_73 = arith.constant 0 : i32
    %dma_start3A_74 = tpu.memref_slice %arg3[%add3A, %dma_start3A_65, %dma_start3A_72, %dma_start3A_73] : memref<32x80x2x128xi32, #tpu.memory_space<hbm>> -> memref<1x1x2x128xi32, #tpu.memory_space<hbm>>
    %dma_start3A_75 = tpu.memref_squeeze %dma_start3A_74 : memref<1x1x2x128xi32, #tpu.memory_space<hbm>> -> memref<2x128xi32, #tpu.memory_space<hbm>>
    %dma_start3A_76 = tpu.memref_slice %arg11[%dma_start3A_67] : memref<4x!tpu.dma_semaphore, #tpu.memory_space<semaphore_mem>> -> memref<1x!tpu.dma_semaphore, #tpu.memory_space<semaphore_mem>>
    %dma_start3A_77 = tpu.memref_squeeze %dma_start3A_76 : memref<1x!tpu.dma_semaphore, #tpu.memory_space<semaphore_mem>> -> memref<!tpu.dma_semaphore, #tpu.memory_space<semaphore_mem>>
    %dma_start3A_78 = arith.constant 0 : i32
    %dma_start3A_79 = arith.constant 0 : i32
    %dma_start3A_80 = tpu.memref_slice %arg6[%dma_start3A_66, %dma_start3A_78, %dma_start3A_79] : memref<4x2x128xi32, #tpu.memory_space<vmem>> -> memref<1x2x128xi32, #tpu.memory_space<vmem>>
    %dma_start3A_81 = tpu.memref_squeeze %dma_start3A_80 : memref<1x2x128xi32, #tpu.memory_space<vmem>> -> memref<2x128xi32, #tpu.memory_space<vmem>>
    %dma_start3A_82 = arith.constant 0 : i32
    %dma_start3A_83 = arith.constant 0 : i32
    %dma_start3A_84 = tpu.memref_slice %arg3[%add3A, %dma_start3A_65, %dma_start3A_82, %dma_start3A_83] : memref<32x80x2x128xi32, #tpu.memory_space<hbm>> -> memref<1x1x2x128xi32, #tpu.memory_space<hbm>>
    %dma_start3A_85 = tpu.memref_squeeze %dma_start3A_84 : memref<1x1x2x128xi32, #tpu.memory_space<hbm>> -> memref<2x128xi32, #tpu.memory_space<hbm>>
    tpu.enqueue_dma source(%dma_start3A_85 : memref<2x128xi32, #tpu.memory_space<hbm>>) target(%dma_start3A_81 : memref<2x128xi32, #tpu.memory_space<vmem>>) target_semaphore(%dma_start3A_77 : memref<!tpu.dma_semaphore, #tpu.memory_space<semaphore_mem>>)
    %dma_wait3A = arith.constant 0 : i32
    %dma_wait3A_86 = arith.constant 0 : i32
    %dma_wait3A_87 = arith.constant 0 : i32
    %dma_wait3A_88 = arith.constant 0 : i32
    %dma_wait3A_89 = arith.constant 0 : i32
    %dma_wait3A_90 = tpu.memref_slice %arg6[%dma_wait3A_86, %dma_wait3A_88, %dma_wait3A_89] : memref<4x2x128xi32, #tpu.memory_space<vmem>> -> memref<1x2x128xi32, #tpu.memory_space<vmem>>
    %dma_wait3A_91 = tpu.memref_squeeze %dma_wait3A_90 : memref<1x2x128xi32, #tpu.memory_space<vmem>> -> memref<2x128xi32, #tpu.memory_space<vmem>>
    %dma_wait3A_92 = arith.constant 0 : i32
    %dma_wait3A_93 = arith.constant 0 : i32
    %dma_wait3A_94 = tpu.memref_slice %arg3[%add3A, %dma_wait3A, %dma_wait3A_92, %dma_wait3A_93] : memref<32x80x2x128xi32, #tpu.memory_space<hbm>> -> memref<1x1x2x128xi32, #tpu.memory_space<hbm>>
    %dma_wait3A_95 = tpu.memref_squeeze %dma_wait3A_94 : memref<1x1x2x128xi32, #tpu.memory_space<hbm>> -> memref<2x128xi32, #tpu.memory_space<hbm>>
    %dma_wait3A_96 = tpu.memref_slice %arg11[%dma_wait3A_87] : memref<4x!tpu.dma_semaphore, #tpu.memory_space<semaphore_mem>> -> memref<1x!tpu.dma_semaphore, #tpu.memory_space<semaphore_mem>>
    %dma_wait3A_97 = tpu.memref_squeeze %dma_wait3A_96 : memref<1x!tpu.dma_semaphore, #tpu.memory_space<semaphore_mem>> -> memref<!tpu.dma_semaphore, #tpu.memory_space<semaphore_mem>>
    %dma_wait3A_98 = arith.constant 0 : i32
    %dma_wait3A_99 = arith.constant 0 : i32
    %dma_wait3A_100 = tpu.memref_slice %arg6[%dma_wait3A_86, %dma_wait3A_98, %dma_wait3A_99] : memref<4x2x128xi32, #tpu.memory_space<vmem>> -> memref<1x2x128xi32, #tpu.memory_space<vmem>>
    %dma_wait3A_101 = tpu.memref_squeeze %dma_wait3A_100 : memref<1x2x128xi32, #tpu.memory_space<vmem>> -> memref<2x128xi32, #tpu.memory_space<vmem>>
    %dma_wait3A_102 = arith.constant 0 : i32
    %dma_wait3A_103 = arith.constant 0 : i32
    %dma_wait3A_104 = tpu.memref_slice %arg3[%add3A, %dma_wait3A, %dma_wait3A_102, %dma_wait3A_103] : memref<32x80x2x128xi32, #tpu.memory_space<hbm>> -> memref<1x1x2x128xi32, #tpu.memory_space<hbm>>
    %dma_wait3A_105 = tpu.memref_squeeze %dma_wait3A_104 : memref<1x1x2x128xi32, #tpu.memory_space<hbm>> -> memref<2x128xi32, #tpu.memory_space<hbm>>
    tpu.wait_dma2 semaphore(%dma_wait3A_97 : memref<!tpu.dma_semaphore, #tpu.memory_space<semaphore_mem>>) src(%dma_wait3A_105 : memref<2x128xi32, #tpu.memory_space<hbm>>) dst(%dma_wait3A_101 : memref<2x128xi32, #tpu.memory_space<vmem>>)
    %dma_start3A_106 = arith.constant 0 : i32
    %dma_start3A_107 = arith.constant 0 : i32
    %dma_start3A_108 = arith.constant 0 : i32
    %dma_start3A_109 = arith.constant 0 : i32
    %dma_start3A_110 = arith.constant 0 : i32
    %dma_start3A_111 = arith.constant 0 : i32
    %dma_start3A_112 = tpu.memref_slice %arg7[%dma_start3A_108, %dma_start3A_110, %dma_start3A_111] : memref<2x128x128xf32, #tpu.memory_space<vmem>> -> memref<1x128x128xf32, #tpu.memory_space<vmem>>
    %dma_start3A_113 = tpu.memref_squeeze %dma_start3A_112 : memref<1x128x128xf32, #tpu.memory_space<vmem>> -> memref<128x128xf32, #tpu.memory_space<vmem>>
    %dma_start3A_114 = arith.constant 0 : i32
    %dma_start3A_115 = tpu.memref_slice %arg6[%dma_start3A_106, %dma_start3A_107, %dma_start3A_114] : memref<4x2x128xi32, #tpu.memory_space<vmem>> -> memref<1x1x128xi32, #tpu.memory_space<vmem>>
    %dma_start3A_116 = tpu.memref_squeeze %dma_start3A_115 : memref<1x1x128xi32, #tpu.memory_space<vmem>> -> memref<128xi32, #tpu.memory_space<vmem>>
    %dma_start3A_117 = arith.constant 0 : i32
    %dma_start3A_118 = arith.constant 0 : i32
    %dma_start3A_119 = tpu.memref_slice %arg2[%dma_start3A_117, %dma_start3A_118] : memref<10000x128xf32, #tpu.memory_space<hbm>> -> memref<10000x128xf32, #tpu.memory_space<hbm>>
    %dma_start3A_120 = tpu.memref_slice %arg9[%dma_start3A_109] : memref<2x!tpu.dma_semaphore, #tpu.memory_space<semaphore_mem>> -> memref<1x!tpu.dma_semaphore, #tpu.memory_space<semaphore_mem>>
    %dma_start3A_121 = tpu.memref_squeeze %dma_start3A_120 : memref<1x!tpu.dma_semaphore, #tpu.memory_space<semaphore_mem>> -> memref<!tpu.dma_semaphore, #tpu.memory_space<semaphore_mem>>
    tpu.enqueue_indirect_dma source(%dma_start3A_119 : memref<10000x128xf32, #tpu.memory_space<hbm>>) target(%dma_start3A_113 : memref<128x128xf32, #tpu.memory_space<vmem>>) offsets(%dma_start3A_116 : memref<128xi32, #tpu.memory_space<vmem>>) semaphore(%dma_start3A_121 : memref<!tpu.dma_semaphore, #tpu.memory_space<semaphore_mem>>)
    %scan3A = arith.constant 0 : i32
    %scan3A_122 = arith.constant 0 : i32
    %scan3A_123 = arith.constant 20 : i32
    %scan3A_124 = arith.addi %scan3A_122, %scan3A_123 : i32
    %scan3A_125 = arith.constant 1 : i32
    %scan3A_126 = scf.for %scan3A_149 = %scan3A_122 to %scan3A_124 step %scan3A_125 iter_args(%scan3A_150 = %scan3A) -> (i32)  : i32 {
      %mul3A_151 = arith.constant 4 : i32
      %mul3A_152 = arith.muli %scan3A_149, %mul3A_151 : i32
      %add3A_153 = arith.constant 0 : i32
      %add3A_154 = arith.addi %mul3A_152, %add3A_153 : i32
      %dma_wait3A_155 = arith.constant 0 : i32
      %dma_wait3A_156 = arith.constant 0 : i32
      %dma_wait3A_157 = arith.constant 0 : i32
      %dma_wait3A_158 = arith.constant 0 : i32
      %dma_wait3A_159 = arith.constant 0 : i32
      %dma_wait3A_160 = arith.constant 0 : i32
      %dma_wait3A_161 = tpu.memref_slice %arg7[%dma_wait3A_157, %dma_wait3A_159, %dma_wait3A_160] : memref<2x128x128xf32, #tpu.memory_space<vmem>> -> memref<1x128x128xf32, #tpu.memory_space<vmem>>
      %dma_wait3A_162 = tpu.memref_squeeze %dma_wait3A_161 : memref<1x128x128xf32, #tpu.memory_space<vmem>> -> memref<128x128xf32, #tpu.memory_space<vmem>>
      %dma_wait3A_163 = arith.constant 0 : i32
      %dma_wait3A_164 = tpu.memref_slice %arg6[%dma_wait3A_155, %dma_wait3A_156, %dma_wait3A_163] : memref<4x2x128xi32, #tpu.memory_space<vmem>> -> memref<1x1x128xi32, #tpu.memory_space<vmem>>
      %dma_wait3A_165 = tpu.memref_squeeze %dma_wait3A_164 : memref<1x1x128xi32, #tpu.memory_space<vmem>> -> memref<128xi32, #tpu.memory_space<vmem>>
      %dma_wait3A_166 = arith.constant 0 : i32
      %dma_wait3A_167 = arith.constant 0 : i32
      %dma_wait3A_168 = tpu.memref_slice %arg2[%dma_wait3A_166, %dma_wait3A_167] : memref<10000x128xf32, #tpu.memory_space<hbm>> -> memref<10000x128xf32, #tpu.memory_space<hbm>>
      %dma_wait3A_169 = tpu.memref_slice %arg9[%dma_wait3A_158] : memref<2x!tpu.dma_semaphore, #tpu.memory_space<semaphore_mem>> -> memref<1x!tpu.dma_semaphore, #tpu.memory_space<semaphore_mem>>
      %dma_wait3A_170 = tpu.memref_squeeze %dma_wait3A_169 : memref<1x!tpu.dma_semaphore, #tpu.memory_space<semaphore_mem>> -> memref<!tpu.dma_semaphore, #tpu.memory_space<semaphore_mem>>
      tpu.wait_indirect_dma semaphore(%dma_wait3A_170 : memref<!tpu.dma_semaphore, #tpu.memory_space<semaphore_mem>>) src(%dma_wait3A_168 : memref<10000x128xf32, #tpu.memory_space<hbm>>) dst(%dma_wait3A_162 : memref<128x128xf32, #tpu.memory_space<vmem>>)
      %dma_start3A_171 = arith.constant 0 : i32
      %dma_start3A_172 = arith.constant 0 : i32
      %dma_start3A_173 = arith.constant 1 : i32
      %dma_start3A_174 = arith.constant 0 : i32
      %dma_start3A_175 = arith.constant 0 : i32
      %dma_start3A_176 = arith.constant 0 : i32
      %dma_start3A_177 = tpu.memref_slice %arg7[%dma_start3A_171, %dma_start3A_175, %dma_start3A_176] : memref<2x128x128xf32, #tpu.memory_space<vmem>> -> memref<1x128x128xf32, #tpu.memory_space<vmem>>
      %dma_start3A_178 = tpu.memref_squeeze %dma_start3A_177 : memref<1x128x128xf32, #tpu.memory_space<vmem>> -> memref<128x128xf32, #tpu.memory_space<vmem>>
      %dma_start3A_179 = arith.constant 0 : i32
      %dma_start3A_180 = tpu.memref_slice %arg6[%dma_start3A_172, %dma_start3A_173, %dma_start3A_179] : memref<4x2x128xi32, #tpu.memory_space<vmem>> -> memref<1x1x128xi32, #tpu.memory_space<vmem>>
      %dma_start3A_181 = tpu.memref_squeeze %dma_start3A_180 : memref<1x1x128xi32, #tpu.memory_space<vmem>> -> memref<128xi32, #tpu.memory_space<vmem>>
      %dma_start3A_182 = arith.constant 0 : i32
      %dma_start3A_183 = arith.constant 0 : i32
      %dma_start3A_184 = tpu.memref_slice %arg8[%dma_start3A_182, %dma_start3A_183] : memref<10112x128xf32, #tpu.memory_space<vmem_shared>> -> memref<10112x128xf32, #tpu.memory_space<vmem_shared>>
      %dma_start3A_185 = tpu.memref_slice %arg10[%dma_start3A_174] : memref<2x!tpu.dma_semaphore, #tpu.memory_space<semaphore_mem>> -> memref<1x!tpu.dma_semaphore, #tpu.memory_space<semaphore_mem>>
      %dma_start3A_186 = tpu.memref_squeeze %dma_start3A_185 : memref<1x!tpu.dma_semaphore, #tpu.memory_space<semaphore_mem>> -> memref<!tpu.dma_semaphore, #tpu.memory_space<semaphore_mem>>
      tpu.enqueue_indirect_dma source(%dma_start3A_178 : memref<128x128xf32, #tpu.memory_space<vmem>>) target(%dma_start3A_184 : memref<10112x128xf32, #tpu.memory_space<vmem_shared>>) offsets(%dma_start3A_181 : memref<128xi32, #tpu.memory_space<vmem>>) semaphore(%dma_start3A_186 : memref<!tpu.dma_semaphore, #tpu.memory_space<semaphore_mem>>) {add = true}
      %ge3A = arith.constant 1 : i32
      %ge3A_187 = arith.cmpi sge, %add3A_154, %ge3A : i32
      %convert_element_type3A = arith.extui %ge3A_187 : i1 to i32
      %cond3A = arith.constant 0 : i32
      %cond3A_188 = arith.cmpi ne, %convert_element_type3A, %cond3A : i32
      scf.if %cond3A_188 {
        %dma_wait3A_379 = arith.constant 1 : i32
        %dma_wait3A_380 = arith.constant 3 : i32
        %dma_wait3A_381 = arith.constant 1 : i32
        %dma_wait3A_382 = arith.constant 1 : i32
        %dma_wait3A_383 = arith.constant 0 : i32
        %dma_wait3A_384 = arith.constant 0 : i32
        %dma_wait3A_385 = tpu.memref_slice %arg7[%dma_wait3A_379, %dma_wait3A_383, %dma_wait3A_384] : memref<2x128x128xf32, #tpu.memory_space<vmem>> -> memref<1x128x128xf32, #tpu.memory_space<vmem>>
        %dma_wait3A_386 = tpu.memref_squeeze %dma_wait3A_385 : memref<1x128x128xf32, #tpu.memory_space<vmem>> -> memref<128x128xf32, #tpu.memory_space<vmem>>
        %dma_wait3A_387 = arith.constant 0 : i32
        %dma_wait3A_388 = tpu.memref_slice %arg6[%dma_wait3A_380, %dma_wait3A_381, %dma_wait3A_387] : memref<4x2x128xi32, #tpu.memory_space<vmem>> -> memref<1x1x128xi32, #tpu.memory_space<vmem>>
        %dma_wait3A_389 = tpu.memref_squeeze %dma_wait3A_388 : memref<1x1x128xi32, #tpu.memory_space<vmem>> -> memref<128xi32, #tpu.memory_space<vmem>>
        %dma_wait3A_390 = arith.constant 0 : i32
        %dma_wait3A_391 = arith.constant 0 : i32
        %dma_wait3A_392 = tpu.memref_slice %arg8[%dma_wait3A_390, %dma_wait3A_391] : memref<10112x128xf32, #tpu.memory_space<vmem_shared>> -> memref<10112x128xf32, #tpu.memory_space<vmem_shared>>
        %dma_wait3A_393 = tpu.memref_slice %arg10[%dma_wait3A_382] : memref<2x!tpu.dma_semaphore, #tpu.memory_space<semaphore_mem>> -> memref<1x!tpu.dma_semaphore, #tpu.memory_space<semaphore_mem>>
        %dma_wait3A_394 = tpu.memref_squeeze %dma_wait3A_393 : memref<1x!tpu.dma_semaphore, #tpu.memory_space<semaphore_mem>> -> memref<!tpu.dma_semaphore, #tpu.memory_space<semaphore_mem>>
        tpu.wait_indirect_dma semaphore(%dma_wait3A_394 : memref<!tpu.dma_semaphore, #tpu.memory_space<semaphore_mem>>) src(%dma_wait3A_386 : memref<128x128xf32, #tpu.memory_space<vmem>>) dst(%dma_wait3A_392 : memref<10112x128xf32, #tpu.memory_space<vmem_shared>>)
      } else {
      }
      %ge3A_189 = arith.constant 1 : i32
      %ge3A_190 = arith.cmpi sge, %add3A_154, %ge3A_189 : i32
      %add3A_191 = arith.constant 3 : i32
      %add3A_192 = arith.addi %add3A_154, %add3A_191 : i32
      %lt3A = arith.constant 80 : i32
      %lt3A_193 = arith.cmpi slt, %add3A_192, %lt3A : i32
      %and3A = arith.andi %ge3A_190, %lt3A_193 : i1
      %convert_element_type3A_194 = arith.extui %and3A : i1 to i32
      %cond3A_195 = arith.constant 0 : i32
      %cond3A_196 = arith.cmpi ne, %convert_element_type3A_194, %cond3A_195 : i32
      scf.if %cond3A_196 {
        %add3A_379 = arith.constant 3 : i32
        %add3A_380 = arith.addi %add3A_154, %add3A_379 : i32
        %dma_start3A_381 = arith.constant 3 : i32
        %dma_start3A_382 = arith.constant 3 : i32
        %dma_start3A_383 = arith.constant 0 : i32
        %dma_start3A_384 = arith.constant 0 : i32
        %dma_start3A_385 = tpu.memref_slice %arg6[%dma_start3A_381, %dma_start3A_383, %dma_start3A_384] : memref<4x2x128xi32, #tpu.memory_space<vmem>> -> memref<1x2x128xi32, #tpu.memory_space<vmem>>
        %dma_start3A_386 = tpu.memref_squeeze %dma_start3A_385 : memref<1x2x128xi32, #tpu.memory_space<vmem>> -> memref<2x128xi32, #tpu.memory_space<vmem>>
        %dma_start3A_387 = arith.constant 0 : i32
        %dma_start3A_388 = arith.constant 0 : i32
        %dma_start3A_389 = tpu.memref_slice %arg3[%add3A, %add3A_380, %dma_start3A_387, %dma_start3A_388] : memref<32x80x2x128xi32, #tpu.memory_space<hbm>> -> memref<1x1x2x128xi32, #tpu.memory_space<hbm>>
        %dma_start3A_390 = tpu.memref_squeeze %dma_start3A_389 : memref<1x1x2x128xi32, #tpu.memory_space<hbm>> -> memref<2x128xi32, #tpu.memory_space<hbm>>
        %dma_start3A_391 = tpu.memref_slice %arg11[%dma_start3A_382] : memref<4x!tpu.dma_semaphore, #tpu.memory_space<semaphore_mem>> -> memref<1x!tpu.dma_semaphore, #tpu.memory_space<semaphore_mem>>
        %dma_start3A_392 = tpu.memref_squeeze %dma_start3A_391 : memref<1x!tpu.dma_semaphore, #tpu.memory_space<semaphore_mem>> -> memref<!tpu.dma_semaphore, #tpu.memory_space<semaphore_mem>>
        %dma_start3A_393 = arith.constant 0 : i32
        %dma_start3A_394 = arith.constant 0 : i32
        %dma_start3A_395 = tpu.memref_slice %arg6[%dma_start3A_381, %dma_start3A_393, %dma_start3A_394] : memref<4x2x128xi32, #tpu.memory_space<vmem>> -> memref<1x2x128xi32, #tpu.memory_space<vmem>>
        %dma_start3A_396 = tpu.memref_squeeze %dma_start3A_395 : memref<1x2x128xi32, #tpu.memory_space<vmem>> -> memref<2x128xi32, #tpu.memory_space<vmem>>
        %dma_start3A_397 = arith.constant 0 : i32
        %dma_start3A_398 = arith.constant 0 : i32
        %dma_start3A_399 = tpu.memref_slice %arg3[%add3A, %add3A_380, %dma_start3A_397, %dma_start3A_398] : memref<32x80x2x128xi32, #tpu.memory_space<hbm>> -> memref<1x1x2x128xi32, #tpu.memory_space<hbm>>
        %dma_start3A_400 = tpu.memref_squeeze %dma_start3A_399 : memref<1x1x2x128xi32, #tpu.memory_space<hbm>> -> memref<2x128xi32, #tpu.memory_space<hbm>>
        tpu.enqueue_dma source(%dma_start3A_400 : memref<2x128xi32, #tpu.memory_space<hbm>>) target(%dma_start3A_396 : memref<2x128xi32, #tpu.memory_space<vmem>>) target_semaphore(%dma_start3A_392 : memref<!tpu.dma_semaphore, #tpu.memory_space<semaphore_mem>>)
      } else {
      }
      %add3A_197 = arith.constant 1 : i32
      %add3A_198 = arith.addi %add3A_154, %add3A_197 : i32
      %lt3A_199 = arith.constant 80 : i32
      %lt3A_200 = arith.cmpi slt, %add3A_198, %lt3A_199 : i32
      %convert_element_type3A_201 = arith.extui %lt3A_200 : i1 to i32
      %cond3A_202 = arith.constant 0 : i32
      %cond3A_203 = arith.cmpi ne, %convert_element_type3A_201, %cond3A_202 : i32
      scf.if %cond3A_203 {
        %add3A_379 = arith.constant 1 : i32
        %add3A_380 = arith.addi %add3A_154, %add3A_379 : i32
        %dma_wait3A_381 = arith.constant 1 : i32
        %dma_wait3A_382 = arith.constant 1 : i32
        %dma_wait3A_383 = arith.constant 0 : i32
        %dma_wait3A_384 = arith.constant 0 : i32
        %dma_wait3A_385 = tpu.memref_slice %arg6[%dma_wait3A_381, %dma_wait3A_383, %dma_wait3A_384] : memref<4x2x128xi32, #tpu.memory_space<vmem>> -> memref<1x2x128xi32, #tpu.memory_space<vmem>>
        %dma_wait3A_386 = tpu.memref_squeeze %dma_wait3A_385 : memref<1x2x128xi32, #tpu.memory_space<vmem>> -> memref<2x128xi32, #tpu.memory_space<vmem>>
        %dma_wait3A_387 = arith.constant 0 : i32
        %dma_wait3A_388 = arith.constant 0 : i32
        %dma_wait3A_389 = tpu.memref_slice %arg3[%add3A, %add3A_380, %dma_wait3A_387, %dma_wait3A_388] : memref<32x80x2x128xi32, #tpu.memory_space<hbm>> -> memref<1x1x2x128xi32, #tpu.memory_space<hbm>>
        %dma_wait3A_390 = tpu.memref_squeeze %dma_wait3A_389 : memref<1x1x2x128xi32, #tpu.memory_space<hbm>> -> memref<2x128xi32, #tpu.memory_space<hbm>>
        %dma_wait3A_391 = tpu.memref_slice %arg11[%dma_wait3A_382] : memref<4x!tpu.dma_semaphore, #tpu.memory_space<semaphore_mem>> -> memref<1x!tpu.dma_semaphore, #tpu.memory_space<semaphore_mem>>
        %dma_wait3A_392 = tpu.memref_squeeze %dma_wait3A_391 : memref<1x!tpu.dma_semaphore, #tpu.memory_space<semaphore_mem>> -> memref<!tpu.dma_semaphore, #tpu.memory_space<semaphore_mem>>
        %dma_wait3A_393 = arith.constant 0 : i32
        %dma_wait3A_394 = arith.constant 0 : i32
        %dma_wait3A_395 = tpu.memref_slice %arg6[%dma_wait3A_381, %dma_wait3A_393, %dma_wait3A_394] : memref<4x2x128xi32, #tpu.memory_space<vmem>> -> memref<1x2x128xi32, #tpu.memory_space<vmem>>
        %dma_wait3A_396 = tpu.memref_squeeze %dma_wait3A_395 : memref<1x2x128xi32, #tpu.memory_space<vmem>> -> memref<2x128xi32, #tpu.memory_space<vmem>>
        %dma_wait3A_397 = arith.constant 0 : i32
        %dma_wait3A_398 = arith.constant 0 : i32
        %dma_wait3A_399 = tpu.memref_slice %arg3[%add3A, %add3A_380, %dma_wait3A_397, %dma_wait3A_398] : memref<32x80x2x128xi32, #tpu.memory_space<hbm>> -> memref<1x1x2x128xi32, #tpu.memory_space<hbm>>
        %dma_wait3A_400 = tpu.memref_squeeze %dma_wait3A_399 : memref<1x1x2x128xi32, #tpu.memory_space<hbm>> -> memref<2x128xi32, #tpu.memory_space<hbm>>
        tpu.wait_dma2 semaphore(%dma_wait3A_392 : memref<!tpu.dma_semaphore, #tpu.memory_space<semaphore_mem>>) src(%dma_wait3A_400 : memref<2x128xi32, #tpu.memory_space<hbm>>) dst(%dma_wait3A_396 : memref<2x128xi32, #tpu.memory_space<vmem>>)
        %add3A_401 = arith.constant 1 : i32
        %add3A_402 = arith.addi %add3A_154, %add3A_401 : i32
        %dma_start3A_403 = arith.constant 1 : i32
        %dma_start3A_404 = arith.constant 0 : i32
        %dma_start3A_405 = arith.constant 1 : i32
        %dma_start3A_406 = arith.constant 1 : i32
        %dma_start3A_407 = arith.constant 0 : i32
        %dma_start3A_408 = arith.constant 0 : i32
        %dma_start3A_409 = tpu.memref_slice %arg7[%dma_start3A_405, %dma_start3A_407, %dma_start3A_408] : memref<2x128x128xf32, #tpu.memory_space<vmem>> -> memref<1x128x128xf32, #tpu.memory_space<vmem>>
        %dma_start3A_410 = tpu.memref_squeeze %dma_start3A_409 : memref<1x128x128xf32, #tpu.memory_space<vmem>> -> memref<128x128xf32, #tpu.memory_space<vmem>>
        %dma_start3A_411 = arith.constant 0 : i32
        %dma_start3A_412 = tpu.memref_slice %arg6[%dma_start3A_403, %dma_start3A_404, %dma_start3A_411] : memref<4x2x128xi32, #tpu.memory_space<vmem>> -> memref<1x1x128xi32, #tpu.memory_space<vmem>>
        %dma_start3A_413 = tpu.memref_squeeze %dma_start3A_412 : memref<1x1x128xi32, #tpu.memory_space<vmem>> -> memref<128xi32, #tpu.memory_space<vmem>>
        %dma_start3A_414 = arith.constant 0 : i32
        %dma_start3A_415 = arith.constant 0 : i32
        %dma_start3A_416 = tpu.memref_slice %arg2[%dma_start3A_414, %dma_start3A_415] : memref<10000x128xf32, #tpu.memory_space<hbm>> -> memref<10000x128xf32, #tpu.memory_space<hbm>>
        %dma_start3A_417 = tpu.memref_slice %arg9[%dma_start3A_406] : memref<2x!tpu.dma_semaphore, #tpu.memory_space<semaphore_mem>> -> memref<1x!tpu.dma_semaphore, #tpu.memory_space<semaphore_mem>>
        %dma_start3A_418 = tpu.memref_squeeze %dma_start3A_417 : memref<1x!tpu.dma_semaphore, #tpu.memory_space<semaphore_mem>> -> memref<!tpu.dma_semaphore, #tpu.memory_space<semaphore_mem>>
        tpu.enqueue_indirect_dma source(%dma_start3A_416 : memref<10000x128xf32, #tpu.memory_space<hbm>>) target(%dma_start3A_410 : memref<128x128xf32, #tpu.memory_space<vmem>>) offsets(%dma_start3A_413 : memref<128xi32, #tpu.memory_space<vmem>>) semaphore(%dma_start3A_418 : memref<!tpu.dma_semaphore, #tpu.memory_space<semaphore_mem>>)
      } else {
      }
      %mul3A_204 = arith.constant 4 : i32
      %mul3A_205 = arith.muli %scan3A_149, %mul3A_204 : i32
      %add3A_206 = arith.constant 1 : i32
      %add3A_207 = arith.addi %mul3A_205, %add3A_206 : i32
      %dma_wait3A_208 = arith.constant 1 : i32
      %dma_wait3A_209 = arith.constant 0 : i32
      %dma_wait3A_210 = arith.constant 1 : i32
      %dma_wait3A_211 = arith.constant 1 : i32
      %dma_wait3A_212 = arith.constant 0 : i32
      %dma_wait3A_213 = arith.constant 0 : i32
      %dma_wait3A_214 = tpu.memref_slice %arg7[%dma_wait3A_210, %dma_wait3A_212, %dma_wait3A_213] : memref<2x128x128xf32, #tpu.memory_space<vmem>> -> memref<1x128x128xf32, #tpu.memory_space<vmem>>
      %dma_wait3A_215 = tpu.memref_squeeze %dma_wait3A_214 : memref<1x128x128xf32, #tpu.memory_space<vmem>> -> memref<128x128xf32, #tpu.memory_space<vmem>>
      %dma_wait3A_216 = arith.constant 0 : i32
      %dma_wait3A_217 = tpu.memref_slice %arg6[%dma_wait3A_208, %dma_wait3A_209, %dma_wait3A_216] : memref<4x2x128xi32, #tpu.memory_space<vmem>> -> memref<1x1x128xi32, #tpu.memory_space<vmem>>
      %dma_wait3A_218 = tpu.memref_squeeze %dma_wait3A_217 : memref<1x1x128xi32, #tpu.memory_space<vmem>> -> memref<128xi32, #tpu.memory_space<vmem>>
      %dma_wait3A_219 = arith.constant 0 : i32
      %dma_wait3A_220 = arith.constant 0 : i32
      %dma_wait3A_221 = tpu.memref_slice %arg2[%dma_wait3A_219, %dma_wait3A_220] : memref<10000x128xf32, #tpu.memory_space<hbm>> -> memref<10000x128xf32, #tpu.memory_space<hbm>>
      %dma_wait3A_222 = tpu.memref_slice %arg9[%dma_wait3A_211] : memref<2x!tpu.dma_semaphore, #tpu.memory_space<semaphore_mem>> -> memref<1x!tpu.dma_semaphore, #tpu.memory_space<semaphore_mem>>
      %dma_wait3A_223 = tpu.memref_squeeze %dma_wait3A_222 : memref<1x!tpu.dma_semaphore, #tpu.memory_space<semaphore_mem>> -> memref<!tpu.dma_semaphore, #tpu.memory_space<semaphore_mem>>
      tpu.wait_indirect_dma semaphore(%dma_wait3A_223 : memref<!tpu.dma_semaphore, #tpu.memory_space<semaphore_mem>>) src(%dma_wait3A_221 : memref<10000x128xf32, #tpu.memory_space<hbm>>) dst(%dma_wait3A_215 : memref<128x128xf32, #tpu.memory_space<vmem>>)
      %dma_start3A_224 = arith.constant 1 : i32
      %dma_start3A_225 = arith.constant 1 : i32
      %dma_start3A_226 = arith.constant 1 : i32
      %dma_start3A_227 = arith.constant 1 : i32
      %dma_start3A_228 = arith.constant 0 : i32
      %dma_start3A_229 = arith.constant 0 : i32
      %dma_start3A_230 = tpu.memref_slice %arg7[%dma_start3A_224, %dma_start3A_228, %dma_start3A_229] : memref<2x128x128xf32, #tpu.memory_space<vmem>> -> memref<1x128x128xf32, #tpu.memory_space<vmem>>
      %dma_start3A_231 = tpu.memref_squeeze %dma_start3A_230 : memref<1x128x128xf32, #tpu.memory_space<vmem>> -> memref<128x128xf32, #tpu.memory_space<vmem>>
      %dma_start3A_232 = arith.constant 0 : i32
      %dma_start3A_233 = tpu.memref_slice %arg6[%dma_start3A_225, %dma_start3A_226, %dma_start3A_232] : memref<4x2x128xi32, #tpu.memory_space<vmem>> -> memref<1x1x128xi32, #tpu.memory_space<vmem>>
      %dma_start3A_234 = tpu.memref_squeeze %dma_start3A_233 : memref<1x1x128xi32, #tpu.memory_space<vmem>> -> memref<128xi32, #tpu.memory_space<vmem>>
      %dma_start3A_235 = arith.constant 0 : i32
      %dma_start3A_236 = arith.constant 0 : i32
      %dma_start3A_237 = tpu.memref_slice %arg8[%dma_start3A_235, %dma_start3A_236] : memref<10112x128xf32, #tpu.memory_space<vmem_shared>> -> memref<10112x128xf32, #tpu.memory_space<vmem_shared>>
      %dma_start3A_238 = tpu.memref_slice %arg10[%dma_start3A_227] : memref<2x!tpu.dma_semaphore, #tpu.memory_space<semaphore_mem>> -> memref<1x!tpu.dma_semaphore, #tpu.memory_space<semaphore_mem>>
      %dma_start3A_239 = tpu.memref_squeeze %dma_start3A_238 : memref<1x!tpu.dma_semaphore, #tpu.memory_space<semaphore_mem>> -> memref<!tpu.dma_semaphore, #tpu.memory_space<semaphore_mem>>
      tpu.enqueue_indirect_dma source(%dma_start3A_231 : memref<128x128xf32, #tpu.memory_space<vmem>>) target(%dma_start3A_237 : memref<10112x128xf32, #tpu.memory_space<vmem_shared>>) offsets(%dma_start3A_234 : memref<128xi32, #tpu.memory_space<vmem>>) semaphore(%dma_start3A_239 : memref<!tpu.dma_semaphore, #tpu.memory_space<semaphore_mem>>) {add = true}
      %ge3A_240 = arith.constant 1 : i32
      %ge3A_241 = arith.cmpi sge, %add3A_207, %ge3A_240 : i32
      %convert_element_type3A_242 = arith.extui %ge3A_241 : i1 to i32
      %cond3A_243 = arith.constant 0 : i32
      %cond3A_244 = arith.cmpi ne, %convert_element_type3A_242, %cond3A_243 : i32
      scf.if %cond3A_244 {
        %dma_wait3A_379 = arith.constant 0 : i32
        %dma_wait3A_380 = arith.constant 0 : i32
        %dma_wait3A_381 = arith.constant 1 : i32
        %dma_wait3A_382 = arith.constant 0 : i32
        %dma_wait3A_383 = arith.constant 0 : i32
        %dma_wait3A_384 = arith.constant 0 : i32
        %dma_wait3A_385 = tpu.memref_slice %arg7[%dma_wait3A_379, %dma_wait3A_383, %dma_wait3A_384] : memref<2x128x128xf32, #tpu.memory_space<vmem>> -> memref<1x128x128xf32, #tpu.memory_space<vmem>>
        %dma_wait3A_386 = tpu.memref_squeeze %dma_wait3A_385 : memref<1x128x128xf32, #tpu.memory_space<vmem>> -> memref<128x128xf32, #tpu.memory_space<vmem>>
        %dma_wait3A_387 = arith.constant 0 : i32
        %dma_wait3A_388 = tpu.memref_slice %arg6[%dma_wait3A_380, %dma_wait3A_381, %dma_wait3A_387] : memref<4x2x128xi32, #tpu.memory_space<vmem>> -> memref<1x1x128xi32, #tpu.memory_space<vmem>>
        %dma_wait3A_389 = tpu.memref_squeeze %dma_wait3A_388 : memref<1x1x128xi32, #tpu.memory_space<vmem>> -> memref<128xi32, #tpu.memory_space<vmem>>
        %dma_wait3A_390 = arith.constant 0 : i32
        %dma_wait3A_391 = arith.constant 0 : i32
        %dma_wait3A_392 = tpu.memref_slice %arg8[%dma_wait3A_390, %dma_wait3A_391] : memref<10112x128xf32, #tpu.memory_space<vmem_shared>> -> memref<10112x128xf32, #tpu.memory_space<vmem_shared>>
        %dma_wait3A_393 = tpu.memref_slice %arg10[%dma_wait3A_382] : memref<2x!tpu.dma_semaphore, #tpu.memory_space<semaphore_mem>> -> memref<1x!tpu.dma_semaphore, #tpu.memory_space<semaphore_mem>>
        %dma_wait3A_394 = tpu.memref_squeeze %dma_wait3A_393 : memref<1x!tpu.dma_semaphore, #tpu.memory_space<semaphore_mem>> -> memref<!tpu.dma_semaphore, #tpu.memory_space<semaphore_mem>>
        tpu.wait_indirect_dma semaphore(%dma_wait3A_394 : memref<!tpu.dma_semaphore, #tpu.memory_space<semaphore_mem>>) src(%dma_wait3A_386 : memref<128x128xf32, #tpu.memory_space<vmem>>) dst(%dma_wait3A_392 : memref<10112x128xf32, #tpu.memory_space<vmem_shared>>)
      } else {
      }
      %ge3A_245 = arith.constant 1 : i32
      %ge3A_246 = arith.cmpi sge, %add3A_207, %ge3A_245 : i32
      %add3A_247 = arith.constant 3 : i32
      %add3A_248 = arith.addi %add3A_207, %add3A_247 : i32
      %lt3A_249 = arith.constant 80 : i32
      %lt3A_250 = arith.cmpi slt, %add3A_248, %lt3A_249 : i32
      %and3A_251 = arith.andi %ge3A_246, %lt3A_250 : i1
      %convert_element_type3A_252 = arith.extui %and3A_251 : i1 to i32
      %cond3A_253 = arith.constant 0 : i32
      %cond3A_254 = arith.cmpi ne, %convert_element_type3A_252, %cond3A_253 : i32
      scf.if %cond3A_254 {
        %add3A_379 = arith.constant 3 : i32
        %add3A_380 = arith.addi %add3A_207, %add3A_379 : i32
        %dma_start3A_381 = arith.constant 0 : i32
        %dma_start3A_382 = arith.constant 0 : i32
        %dma_start3A_383 = arith.constant 0 : i32
        %dma_start3A_384 = arith.constant 0 : i32
        %dma_start3A_385 = tpu.memref_slice %arg6[%dma_start3A_381, %dma_start3A_383, %dma_start3A_384] : memref<4x2x128xi32, #tpu.memory_space<vmem>> -> memref<1x2x128xi32, #tpu.memory_space<vmem>>
        %dma_start3A_386 = tpu.memref_squeeze %dma_start3A_385 : memref<1x2x128xi32, #tpu.memory_space<vmem>> -> memref<2x128xi32, #tpu.memory_space<vmem>>
        %dma_start3A_387 = arith.constant 0 : i32
        %dma_start3A_388 = arith.constant 0 : i32
        %dma_start3A_389 = tpu.memref_slice %arg3[%add3A, %add3A_380, %dma_start3A_387, %dma_start3A_388] : memref<32x80x2x128xi32, #tpu.memory_space<hbm>> -> memref<1x1x2x128xi32, #tpu.memory_space<hbm>>
        %dma_start3A_390 = tpu.memref_squeeze %dma_start3A_389 : memref<1x1x2x128xi32, #tpu.memory_space<hbm>> -> memref<2x128xi32, #tpu.memory_space<hbm>>
        %dma_start3A_391 = tpu.memref_slice %arg11[%dma_start3A_382] : memref<4x!tpu.dma_semaphore, #tpu.memory_space<semaphore_mem>> -> memref<1x!tpu.dma_semaphore, #tpu.memory_space<semaphore_mem>>
        %dma_start3A_392 = tpu.memref_squeeze %dma_start3A_391 : memref<1x!tpu.dma_semaphore, #tpu.memory_space<semaphore_mem>> -> memref<!tpu.dma_semaphore, #tpu.memory_space<semaphore_mem>>
        %dma_start3A_393 = arith.constant 0 : i32
        %dma_start3A_394 = arith.constant 0 : i32
        %dma_start3A_395 = tpu.memref_slice %arg6[%dma_start3A_381, %dma_start3A_393, %dma_start3A_394] : memref<4x2x128xi32, #tpu.memory_space<vmem>> -> memref<1x2x128xi32, #tpu.memory_space<vmem>>
        %dma_start3A_396 = tpu.memref_squeeze %dma_start3A_395 : memref<1x2x128xi32, #tpu.memory_space<vmem>> -> memref<2x128xi32, #tpu.memory_space<vmem>>
        %dma_start3A_397 = arith.constant 0 : i32
        %dma_start3A_398 = arith.constant 0 : i32
        %dma_start3A_399 = tpu.memref_slice %arg3[%add3A, %add3A_380, %dma_start3A_397, %dma_start3A_398] : memref<32x80x2x128xi32, #tpu.memory_space<hbm>> -> memref<1x1x2x128xi32, #tpu.memory_space<hbm>>
        %dma_start3A_400 = tpu.memref_squeeze %dma_start3A_399 : memref<1x1x2x128xi32, #tpu.memory_space<hbm>> -> memref<2x128xi32, #tpu.memory_space<hbm>>
        tpu.enqueue_dma source(%dma_start3A_400 : memref<2x128xi32, #tpu.memory_space<hbm>>) target(%dma_start3A_396 : memref<2x128xi32, #tpu.memory_space<vmem>>) target_semaphore(%dma_start3A_392 : memref<!tpu.dma_semaphore, #tpu.memory_space<semaphore_mem>>)
      } else {
      }
      %add3A_255 = arith.constant 1 : i32
      %add3A_256 = arith.addi %add3A_207, %add3A_255 : i32
      %lt3A_257 = arith.constant 80 : i32
      %lt3A_258 = arith.cmpi slt, %add3A_256, %lt3A_257 : i32
      %convert_element_type3A_259 = arith.extui %lt3A_258 : i1 to i32
      %cond3A_260 = arith.constant 0 : i32
      %cond3A_261 = arith.cmpi ne, %convert_element_type3A_259, %cond3A_260 : i32
      scf.if %cond3A_261 {
        %add3A_379 = arith.constant 1 : i32
        %add3A_380 = arith.addi %add3A_207, %add3A_379 : i32
        %dma_wait3A_381 = arith.constant 2 : i32
        %dma_wait3A_382 = arith.constant 2 : i32
        %dma_wait3A_383 = arith.constant 0 : i32
        %dma_wait3A_384 = arith.constant 0 : i32
        %dma_wait3A_385 = tpu.memref_slice %arg6[%dma_wait3A_381, %dma_wait3A_383, %dma_wait3A_384] : memref<4x2x128xi32, #tpu.memory_space<vmem>> -> memref<1x2x128xi32, #tpu.memory_space<vmem>>
        %dma_wait3A_386 = tpu.memref_squeeze %dma_wait3A_385 : memref<1x2x128xi32, #tpu.memory_space<vmem>> -> memref<2x128xi32, #tpu.memory_space<vmem>>
        %dma_wait3A_387 = arith.constant 0 : i32
        %dma_wait3A_388 = arith.constant 0 : i32
        %dma_wait3A_389 = tpu.memref_slice %arg3[%add3A, %add3A_380, %dma_wait3A_387, %dma_wait3A_388] : memref<32x80x2x128xi32, #tpu.memory_space<hbm>> -> memref<1x1x2x128xi32, #tpu.memory_space<hbm>>
        %dma_wait3A_390 = tpu.memref_squeeze %dma_wait3A_389 : memref<1x1x2x128xi32, #tpu.memory_space<hbm>> -> memref<2x128xi32, #tpu.memory_space<hbm>>
        %dma_wait3A_391 = tpu.memref_slice %arg11[%dma_wait3A_382] : memref<4x!tpu.dma_semaphore, #tpu.memory_space<semaphore_mem>> -> memref<1x!tpu.dma_semaphore, #tpu.memory_space<semaphore_mem>>
        %dma_wait3A_392 = tpu.memref_squeeze %dma_wait3A_391 : memref<1x!tpu.dma_semaphore, #tpu.memory_space<semaphore_mem>> -> memref<!tpu.dma_semaphore, #tpu.memory_space<semaphore_mem>>
        %dma_wait3A_393 = arith.constant 0 : i32
        %dma_wait3A_394 = arith.constant 0 : i32
        %dma_wait3A_395 = tpu.memref_slice %arg6[%dma_wait3A_381, %dma_wait3A_393, %dma_wait3A_394] : memref<4x2x128xi32, #tpu.memory_space<vmem>> -> memref<1x2x128xi32, #tpu.memory_space<vmem>>
        %dma_wait3A_396 = tpu.memref_squeeze %dma_wait3A_395 : memref<1x2x128xi32, #tpu.memory_space<vmem>> -> memref<2x128xi32, #tpu.memory_space<vmem>>
        %dma_wait3A_397 = arith.constant 0 : i32
        %dma_wait3A_398 = arith.constant 0 : i32
        %dma_wait3A_399 = tpu.memref_slice %arg3[%add3A, %add3A_380, %dma_wait3A_397, %dma_wait3A_398] : memref<32x80x2x128xi32, #tpu.memory_space<hbm>> -> memref<1x1x2x128xi32, #tpu.memory_space<hbm>>
        %dma_wait3A_400 = tpu.memref_squeeze %dma_wait3A_399 : memref<1x1x2x128xi32, #tpu.memory_space<hbm>> -> memref<2x128xi32, #tpu.memory_space<hbm>>
        tpu.wait_dma2 semaphore(%dma_wait3A_392 : memref<!tpu.dma_semaphore, #tpu.memory_space<semaphore_mem>>) src(%dma_wait3A_400 : memref<2x128xi32, #tpu.memory_space<hbm>>) dst(%dma_wait3A_396 : memref<2x128xi32, #tpu.memory_space<vmem>>)
        %add3A_401 = arith.constant 1 : i32
        %add3A_402 = arith.addi %add3A_207, %add3A_401 : i32
        %dma_start3A_403 = arith.constant 2 : i32
        %dma_start3A_404 = arith.constant 0 : i32
        %dma_start3A_405 = arith.constant 0 : i32
        %dma_start3A_406 = arith.constant 0 : i32
        %dma_start3A_407 = arith.constant 0 : i32
        %dma_start3A_408 = arith.constant 0 : i32
        %dma_start3A_409 = tpu.memref_slice %arg7[%dma_start3A_405, %dma_start3A_407, %dma_start3A_408] : memref<2x128x128xf32, #tpu.memory_space<vmem>> -> memref<1x128x128xf32, #tpu.memory_space<vmem>>
        %dma_start3A_410 = tpu.memref_squeeze %dma_start3A_409 : memref<1x128x128xf32, #tpu.memory_space<vmem>> -> memref<128x128xf32, #tpu.memory_space<vmem>>
        %dma_start3A_411 = arith.constant 0 : i32
        %dma_start3A_412 = tpu.memref_slice %arg6[%dma_start3A_403, %dma_start3A_404, %dma_start3A_411] : memref<4x2x128xi32, #tpu.memory_space<vmem>> -> memref<1x1x128xi32, #tpu.memory_space<vmem>>
        %dma_start3A_413 = tpu.memref_squeeze %dma_start3A_412 : memref<1x1x128xi32, #tpu.memory_space<vmem>> -> memref<128xi32, #tpu.memory_space<vmem>>
        %dma_start3A_414 = arith.constant 0 : i32
        %dma_start3A_415 = arith.constant 0 : i32
        %dma_start3A_416 = tpu.memref_slice %arg2[%dma_start3A_414, %dma_start3A_415] : memref<10000x128xf32, #tpu.memory_space<hbm>> -> memref<10000x128xf32, #tpu.memory_space<hbm>>
        %dma_start3A_417 = tpu.memref_slice %arg9[%dma_start3A_406] : memref<2x!tpu.dma_semaphore, #tpu.memory_space<semaphore_mem>> -> memref<1x!tpu.dma_semaphore, #tpu.memory_space<semaphore_mem>>
        %dma_start3A_418 = tpu.memref_squeeze %dma_start3A_417 : memref<1x!tpu.dma_semaphore, #tpu.memory_space<semaphore_mem>> -> memref<!tpu.dma_semaphore, #tpu.memory_space<semaphore_mem>>
        tpu.enqueue_indirect_dma source(%dma_start3A_416 : memref<10000x128xf32, #tpu.memory_space<hbm>>) target(%dma_start3A_410 : memref<128x128xf32, #tpu.memory_space<vmem>>) offsets(%dma_start3A_413 : memref<128xi32, #tpu.memory_space<vmem>>) semaphore(%dma_start3A_418 : memref<!tpu.dma_semaphore, #tpu.memory_space<semaphore_mem>>)
      } else {
      }
      %mul3A_262 = arith.constant 4 : i32
      %mul3A_263 = arith.muli %scan3A_149, %mul3A_262 : i32
      %add3A_264 = arith.constant 2 : i32
      %add3A_265 = arith.addi %mul3A_263, %add3A_264 : i32
      %dma_wait3A_266 = arith.constant 2 : i32
      %dma_wait3A_267 = arith.constant 0 : i32
      %dma_wait3A_268 = arith.constant 0 : i32
      %dma_wait3A_269 = arith.constant 0 : i32
      %dma_wait3A_270 = arith.constant 0 : i32
      %dma_wait3A_271 = arith.constant 0 : i32
      %dma_wait3A_272 = tpu.memref_slice %arg7[%dma_wait3A_268, %dma_wait3A_270, %dma_wait3A_271] : memref<2x128x128xf32, #tpu.memory_space<vmem>> -> memref<1x128x128xf32, #tpu.memory_space<vmem>>
      %dma_wait3A_273 = tpu.memref_squeeze %dma_wait3A_272 : memref<1x128x128xf32, #tpu.memory_space<vmem>> -> memref<128x128xf32, #tpu.memory_space<vmem>>
      %dma_wait3A_274 = arith.constant 0 : i32
      %dma_wait3A_275 = tpu.memref_slice %arg6[%dma_wait3A_266, %dma_wait3A_267, %dma_wait3A_274] : memref<4x2x128xi32, #tpu.memory_space<vmem>> -> memref<1x1x128xi32, #tpu.memory_space<vmem>>
      %dma_wait3A_276 = tpu.memref_squeeze %dma_wait3A_275 : memref<1x1x128xi32, #tpu.memory_space<vmem>> -> memref<128xi32, #tpu.memory_space<vmem>>
      %dma_wait3A_277 = arith.constant 0 : i32
      %dma_wait3A_278 = arith.constant 0 : i32
      %dma_wait3A_279 = tpu.memref_slice %arg2[%dma_wait3A_277, %dma_wait3A_278] : memref<10000x128xf32, #tpu.memory_space<hbm>> -> memref<10000x128xf32, #tpu.memory_space<hbm>>
      %dma_wait3A_280 = tpu.memref_slice %arg9[%dma_wait3A_269] : memref<2x!tpu.dma_semaphore, #tpu.memory_space<semaphore_mem>> -> memref<1x!tpu.dma_semaphore, #tpu.memory_space<semaphore_mem>>
      %dma_wait3A_281 = tpu.memref_squeeze %dma_wait3A_280 : memref<1x!tpu.dma_semaphore, #tpu.memory_space<semaphore_mem>> -> memref<!tpu.dma_semaphore, #tpu.memory_space<semaphore_mem>>
      tpu.wait_indirect_dma semaphore(%dma_wait3A_281 : memref<!tpu.dma_semaphore, #tpu.memory_space<semaphore_mem>>) src(%dma_wait3A_279 : memref<10000x128xf32, #tpu.memory_space<hbm>>) dst(%dma_wait3A_273 : memref<128x128xf32, #tpu.memory_space<vmem>>)
      %dma_start3A_282 = arith.constant 0 : i32
      %dma_start3A_283 = arith.constant 2 : i32
      %dma_start3A_284 = arith.constant 1 : i32
      %dma_start3A_285 = arith.constant 0 : i32
      %dma_start3A_286 = arith.constant 0 : i32
      %dma_start3A_287 = arith.constant 0 : i32
      %dma_start3A_288 = tpu.memref_slice %arg7[%dma_start3A_282, %dma_start3A_286, %dma_start3A_287] : memref<2x128x128xf32, #tpu.memory_space<vmem>> -> memref<1x128x128xf32, #tpu.memory_space<vmem>>
      %dma_start3A_289 = tpu.memref_squeeze %dma_start3A_288 : memref<1x128x128xf32, #tpu.memory_space<vmem>> -> memref<128x128xf32, #tpu.memory_space<vmem>>
      %dma_start3A_290 = arith.constant 0 : i32
      %dma_start3A_291 = tpu.memref_slice %arg6[%dma_start3A_283, %dma_start3A_284, %dma_start3A_290] : memref<4x2x128xi32, #tpu.memory_space<vmem>> -> memref<1x1x128xi32, #tpu.memory_space<vmem>>
      %dma_start3A_292 = tpu.memref_squeeze %dma_start3A_291 : memref<1x1x128xi32, #tpu.memory_space<vmem>> -> memref<128xi32, #tpu.memory_space<vmem>>
      %dma_start3A_293 = arith.constant 0 : i32
      %dma_start3A_294 = arith.constant 0 : i32
      %dma_start3A_295 = tpu.memref_slice %arg8[%dma_start3A_293, %dma_start3A_294] : memref<10112x128xf32, #tpu.memory_space<vmem_shared>> -> memref<10112x128xf32, #tpu.memory_space<vmem_shared>>
      %dma_start3A_296 = tpu.memref_slice %arg10[%dma_start3A_285] : memref<2x!tpu.dma_semaphore, #tpu.memory_space<semaphore_mem>> -> memref<1x!tpu.dma_semaphore, #tpu.memory_space<semaphore_mem>>
      %dma_start3A_297 = tpu.memref_squeeze %dma_start3A_296 : memref<1x!tpu.dma_semaphore, #tpu.memory_space<semaphore_mem>> -> memref<!tpu.dma_semaphore, #tpu.memory_space<semaphore_mem>>
      tpu.enqueue_indirect_dma source(%dma_start3A_289 : memref<128x128xf32, #tpu.memory_space<vmem>>) target(%dma_start3A_295 : memref<10112x128xf32, #tpu.memory_space<vmem_shared>>) offsets(%dma_start3A_292 : memref<128xi32, #tpu.memory_space<vmem>>) semaphore(%dma_start3A_297 : memref<!tpu.dma_semaphore, #tpu.memory_space<semaphore_mem>>) {add = true}
      %ge3A_298 = arith.constant 1 : i32
      %ge3A_299 = arith.cmpi sge, %add3A_265, %ge3A_298 : i32
      %convert_element_type3A_300 = arith.extui %ge3A_299 : i1 to i32
      %cond3A_301 = arith.constant 0 : i32
      %cond3A_302 = arith.cmpi ne, %convert_element_type3A_300, %cond3A_301 : i32
      scf.if %cond3A_302 {
        %dma_wait3A_379 = arith.constant 1 : i32
        %dma_wait3A_380 = arith.constant 1 : i32
        %dma_wait3A_381 = arith.constant 1 : i32
        %dma_wait3A_382 = arith.constant 1 : i32
        %dma_wait3A_383 = arith.constant 0 : i32
        %dma_wait3A_384 = arith.constant 0 : i32
        %dma_wait3A_385 = tpu.memref_slice %arg7[%dma_wait3A_379, %dma_wait3A_383, %dma_wait3A_384] : memref<2x128x128xf32, #tpu.memory_space<vmem>> -> memref<1x128x128xf32, #tpu.memory_space<vmem>>
        %dma_wait3A_386 = tpu.memref_squeeze %dma_wait3A_385 : memref<1x128x128xf32, #tpu.memory_space<vmem>> -> memref<128x128xf32, #tpu.memory_space<vmem>>
        %dma_wait3A_387 = arith.constant 0 : i32
        %dma_wait3A_388 = tpu.memref_slice %arg6[%dma_wait3A_380, %dma_wait3A_381, %dma_wait3A_387] : memref<4x2x128xi32, #tpu.memory_space<vmem>> -> memref<1x1x128xi32, #tpu.memory_space<vmem>>
        %dma_wait3A_389 = tpu.memref_squeeze %dma_wait3A_388 : memref<1x1x128xi32, #tpu.memory_space<vmem>> -> memref<128xi32, #tpu.memory_space<vmem>>
        %dma_wait3A_390 = arith.constant 0 : i32
        %dma_wait3A_391 = arith.constant 0 : i32
        %dma_wait3A_392 = tpu.memref_slice %arg8[%dma_wait3A_390, %dma_wait3A_391] : memref<10112x128xf32, #tpu.memory_space<vmem_shared>> -> memref<10112x128xf32, #tpu.memory_space<vmem_shared>>
        %dma_wait3A_393 = tpu.memref_slice %arg10[%dma_wait3A_382] : memref<2x!tpu.dma_semaphore, #tpu.memory_space<semaphore_mem>> -> memref<1x!tpu.dma_semaphore, #tpu.memory_space<semaphore_mem>>
        %dma_wait3A_394 = tpu.memref_squeeze %dma_wait3A_393 : memref<1x!tpu.dma_semaphore, #tpu.memory_space<semaphore_mem>> -> memref<!tpu.dma_semaphore, #tpu.memory_space<semaphore_mem>>
        tpu.wait_indirect_dma semaphore(%dma_wait3A_394 : memref<!tpu.dma_semaphore, #tpu.memory_space<semaphore_mem>>) src(%dma_wait3A_386 : memref<128x128xf32, #tpu.memory_space<vmem>>) dst(%dma_wait3A_392 : memref<10112x128xf32, #tpu.memory_space<vmem_shared>>)
      } else {
      }
      %ge3A_303 = arith.constant 1 : i32
      %ge3A_304 = arith.cmpi sge, %add3A_265, %ge3A_303 : i32
      %add3A_305 = arith.constant 3 : i32
      %add3A_306 = arith.addi %add3A_265, %add3A_305 : i32
      %lt3A_307 = arith.constant 80 : i32
      %lt3A_308 = arith.cmpi slt, %add3A_306, %lt3A_307 : i32
      %and3A_309 = arith.andi %ge3A_304, %lt3A_308 : i1
      %convert_element_type3A_310 = arith.extui %and3A_309 : i1 to i32
      %cond3A_311 = arith.constant 0 : i32
      %cond3A_312 = arith.cmpi ne, %convert_element_type3A_310, %cond3A_311 : i32
      scf.if %cond3A_312 {
        %add3A_379 = arith.constant 3 : i32
        %add3A_380 = arith.addi %add3A_265, %add3A_379 : i32
        %dma_start3A_381 = arith.constant 1 : i32
        %dma_start3A_382 = arith.constant 1 : i32
        %dma_start3A_383 = arith.constant 0 : i32
        %dma_start3A_384 = arith.constant 0 : i32
        %dma_start3A_385 = tpu.memref_slice %arg6[%dma_start3A_381, %dma_start3A_383, %dma_start3A_384] : memref<4x2x128xi32, #tpu.memory_space<vmem>> -> memref<1x2x128xi32, #tpu.memory_space<vmem>>
        %dma_start3A_386 = tpu.memref_squeeze %dma_start3A_385 : memref<1x2x128xi32, #tpu.memory_space<vmem>> -> memref<2x128xi32, #tpu.memory_space<vmem>>
        %dma_start3A_387 = arith.constant 0 : i32
        %dma_start3A_388 = arith.constant 0 : i32
        %dma_start3A_389 = tpu.memref_slice %arg3[%add3A, %add3A_380, %dma_start3A_387, %dma_start3A_388] : memref<32x80x2x128xi32, #tpu.memory_space<hbm>> -> memref<1x1x2x128xi32, #tpu.memory_space<hbm>>
        %dma_start3A_390 = tpu.memref_squeeze %dma_start3A_389 : memref<1x1x2x128xi32, #tpu.memory_space<hbm>> -> memref<2x128xi32, #tpu.memory_space<hbm>>
        %dma_start3A_391 = tpu.memref_slice %arg11[%dma_start3A_382] : memref<4x!tpu.dma_semaphore, #tpu.memory_space<semaphore_mem>> -> memref<1x!tpu.dma_semaphore, #tpu.memory_space<semaphore_mem>>
        %dma_start3A_392 = tpu.memref_squeeze %dma_start3A_391 : memref<1x!tpu.dma_semaphore, #tpu.memory_space<semaphore_mem>> -> memref<!tpu.dma_semaphore, #tpu.memory_space<semaphore_mem>>
        %dma_start3A_393 = arith.constant 0 : i32
        %dma_start3A_394 = arith.constant 0 : i32
        %dma_start3A_395 = tpu.memref_slice %arg6[%dma_start3A_381, %dma_start3A_393, %dma_start3A_394] : memref<4x2x128xi32, #tpu.memory_space<vmem>> -> memref<1x2x128xi32, #tpu.memory_space<vmem>>
        %dma_start3A_396 = tpu.memref_squeeze %dma_start3A_395 : memref<1x2x128xi32, #tpu.memory_space<vmem>> -> memref<2x128xi32, #tpu.memory_space<vmem>>
        %dma_start3A_397 = arith.constant 0 : i32
        %dma_start3A_398 = arith.constant 0 : i32
        %dma_start3A_399 = tpu.memref_slice %arg3[%add3A, %add3A_380, %dma_start3A_397, %dma_start3A_398] : memref<32x80x2x128xi32, #tpu.memory_space<hbm>> -> memref<1x1x2x128xi32, #tpu.memory_space<hbm>>
        %dma_start3A_400 = tpu.memref_squeeze %dma_start3A_399 : memref<1x1x2x128xi32, #tpu.memory_space<hbm>> -> memref<2x128xi32, #tpu.memory_space<hbm>>
        tpu.enqueue_dma source(%dma_start3A_400 : memref<2x128xi32, #tpu.memory_space<hbm>>) target(%dma_start3A_396 : memref<2x128xi32, #tpu.memory_space<vmem>>) target_semaphore(%dma_start3A_392 : memref<!tpu.dma_semaphore, #tpu.memory_space<semaphore_mem>>)
      } else {
      }
      %add3A_313 = arith.constant 1 : i32
      %add3A_314 = arith.addi %add3A_265, %add3A_313 : i32
      %lt3A_315 = arith.constant 80 : i32
      %lt3A_316 = arith.cmpi slt, %add3A_314, %lt3A_315 : i32
      %convert_element_type3A_317 = arith.extui %lt3A_316 : i1 to i32
      %cond3A_318 = arith.constant 0 : i32
      %cond3A_319 = arith.cmpi ne, %convert_element_type3A_317, %cond3A_318 : i32
      scf.if %cond3A_319 {
        %add3A_379 = arith.constant 1 : i32
        %add3A_380 = arith.addi %add3A_265, %add3A_379 : i32
        %dma_wait3A_381 = arith.constant 3 : i32
        %dma_wait3A_382 = arith.constant 3 : i32
        %dma_wait3A_383 = arith.constant 0 : i32
        %dma_wait3A_384 = arith.constant 0 : i32
        %dma_wait3A_385 = tpu.memref_slice %arg6[%dma_wait3A_381, %dma_wait3A_383, %dma_wait3A_384] : memref<4x2x128xi32, #tpu.memory_space<vmem>> -> memref<1x2x128xi32, #tpu.memory_space<vmem>>
        %dma_wait3A_386 = tpu.memref_squeeze %dma_wait3A_385 : memref<1x2x128xi32, #tpu.memory_space<vmem>> -> memref<2x128xi32, #tpu.memory_space<vmem>>
        %dma_wait3A_387 = arith.constant 0 : i32
        %dma_wait3A_388 = arith.constant 0 : i32
        %dma_wait3A_389 = tpu.memref_slice %arg3[%add3A, %add3A_380, %dma_wait3A_387, %dma_wait3A_388] : memref<32x80x2x128xi32, #tpu.memory_space<hbm>> -> memref<1x1x2x128xi32, #tpu.memory_space<hbm>>
        %dma_wait3A_390 = tpu.memref_squeeze %dma_wait3A_389 : memref<1x1x2x128xi32, #tpu.memory_space<hbm>> -> memref<2x128xi32, #tpu.memory_space<hbm>>
        %dma_wait3A_391 = tpu.memref_slice %arg11[%dma_wait3A_382] : memref<4x!tpu.dma_semaphore, #tpu.memory_space<semaphore_mem>> -> memref<1x!tpu.dma_semaphore, #tpu.memory_space<semaphore_mem>>
        %dma_wait3A_392 = tpu.memref_squeeze %dma_wait3A_391 : memref<1x!tpu.dma_semaphore, #tpu.memory_space<semaphore_mem>> -> memref<!tpu.dma_semaphore, #tpu.memory_space<semaphore_mem>>
        %dma_wait3A_393 = arith.constant 0 : i32
        %dma_wait3A_394 = arith.constant 0 : i32
        %dma_wait3A_395 = tpu.memref_slice %arg6[%dma_wait3A_381, %dma_wait3A_393, %dma_wait3A_394] : memref<4x2x128xi32, #tpu.memory_space<vmem>> -> memref<1x2x128xi32, #tpu.memory_space<vmem>>
        %dma_wait3A_396 = tpu.memref_squeeze %dma_wait3A_395 : memref<1x2x128xi32, #tpu.memory_space<vmem>> -> memref<2x128xi32, #tpu.memory_space<vmem>>
        %dma_wait3A_397 = arith.constant 0 : i32
        %dma_wait3A_398 = arith.constant 0 : i32
        %dma_wait3A_399 = tpu.memref_slice %arg3[%add3A, %add3A_380, %dma_wait3A_397, %dma_wait3A_398] : memref<32x80x2x128xi32, #tpu.memory_space<hbm>> -> memref<1x1x2x128xi32, #tpu.memory_space<hbm>>
        %dma_wait3A_400 = tpu.memref_squeeze %dma_wait3A_399 : memref<1x1x2x128xi32, #tpu.memory_space<hbm>> -> memref<2x128xi32, #tpu.memory_space<hbm>>
        tpu.wait_dma2 semaphore(%dma_wait3A_392 : memref<!tpu.dma_semaphore, #tpu.memory_space<semaphore_mem>>) src(%dma_wait3A_400 : memref<2x128xi32, #tpu.memory_space<hbm>>) dst(%dma_wait3A_396 : memref<2x128xi32, #tpu.memory_space<vmem>>)
        %add3A_401 = arith.constant 1 : i32
        %add3A_402 = arith.addi %add3A_265, %add3A_401 : i32
        %dma_start3A_403 = arith.constant 3 : i32
        %dma_start3A_404 = arith.constant 0 : i32
        %dma_start3A_405 = arith.constant 1 : i32
        %dma_start3A_406 = arith.constant 1 : i32
        %dma_start3A_407 = arith.constant 0 : i32
        %dma_start3A_408 = arith.constant 0 : i32
        %dma_start3A_409 = tpu.memref_slice %arg7[%dma_start3A_405, %dma_start3A_407, %dma_start3A_408] : memref<2x128x128xf32, #tpu.memory_space<vmem>> -> memref<1x128x128xf32, #tpu.memory_space<vmem>>
        %dma_start3A_410 = tpu.memref_squeeze %dma_start3A_409 : memref<1x128x128xf32, #tpu.memory_space<vmem>> -> memref<128x128xf32, #tpu.memory_space<vmem>>
        %dma_start3A_411 = arith.constant 0 : i32
        %dma_start3A_412 = tpu.memref_slice %arg6[%dma_start3A_403, %dma_start3A_404, %dma_start3A_411] : memref<4x2x128xi32, #tpu.memory_space<vmem>> -> memref<1x1x128xi32, #tpu.memory_space<vmem>>
        %dma_start3A_413 = tpu.memref_squeeze %dma_start3A_412 : memref<1x1x128xi32, #tpu.memory_space<vmem>> -> memref<128xi32, #tpu.memory_space<vmem>>
        %dma_start3A_414 = arith.constant 0 : i32
        %dma_start3A_415 = arith.constant 0 : i32
        %dma_start3A_416 = tpu.memref_slice %arg2[%dma_start3A_414, %dma_start3A_415] : memref<10000x128xf32, #tpu.memory_space<hbm>> -> memref<10000x128xf32, #tpu.memory_space<hbm>>
        %dma_start3A_417 = tpu.memref_slice %arg9[%dma_start3A_406] : memref<2x!tpu.dma_semaphore, #tpu.memory_space<semaphore_mem>> -> memref<1x!tpu.dma_semaphore, #tpu.memory_space<semaphore_mem>>
        %dma_start3A_418 = tpu.memref_squeeze %dma_start3A_417 : memref<1x!tpu.dma_semaphore, #tpu.memory_space<semaphore_mem>> -> memref<!tpu.dma_semaphore, #tpu.memory_space<semaphore_mem>>
        tpu.enqueue_indirect_dma source(%dma_start3A_416 : memref<10000x128xf32, #tpu.memory_space<hbm>>) target(%dma_start3A_410 : memref<128x128xf32, #tpu.memory_space<vmem>>) offsets(%dma_start3A_413 : memref<128xi32, #tpu.memory_space<vmem>>) semaphore(%dma_start3A_418 : memref<!tpu.dma_semaphore, #tpu.memory_space<semaphore_mem>>)
      } else {
      }
      %mul3A_320 = arith.constant 4 : i32
      %mul3A_321 = arith.muli %scan3A_149, %mul3A_320 : i32
      %add3A_322 = arith.constant 3 : i32
      %add3A_323 = arith.addi %mul3A_321, %add3A_322 : i32
      %dma_wait3A_324 = arith.constant 3 : i32
      %dma_wait3A_325 = arith.constant 0 : i32
      %dma_wait3A_326 = arith.constant 1 : i32
      %dma_wait3A_327 = arith.constant 1 : i32
      %dma_wait3A_328 = arith.constant 0 : i32
      %dma_wait3A_329 = arith.constant 0 : i32
      %dma_wait3A_330 = tpu.memref_slice %arg7[%dma_wait3A_326, %dma_wait3A_328, %dma_wait3A_329] : memref<2x128x128xf32, #tpu.memory_space<vmem>> -> memref<1x128x128xf32, #tpu.memory_space<vmem>>
      %dma_wait3A_331 = tpu.memref_squeeze %dma_wait3A_330 : memref<1x128x128xf32, #tpu.memory_space<vmem>> -> memref<128x128xf32, #tpu.memory_space<vmem>>
      %dma_wait3A_332 = arith.constant 0 : i32
      %dma_wait3A_333 = tpu.memref_slice %arg6[%dma_wait3A_324, %dma_wait3A_325, %dma_wait3A_332] : memref<4x2x128xi32, #tpu.memory_space<vmem>> -> memref<1x1x128xi32, #tpu.memory_space<vmem>>
      %dma_wait3A_334 = tpu.memref_squeeze %dma_wait3A_333 : memref<1x1x128xi32, #tpu.memory_space<vmem>> -> memref<128xi32, #tpu.memory_space<vmem>>
      %dma_wait3A_335 = arith.constant 0 : i32
      %dma_wait3A_336 = arith.constant 0 : i32
      %dma_wait3A_337 = tpu.memref_slice %arg2[%dma_wait3A_335, %dma_wait3A_336] : memref<10000x128xf32, #tpu.memory_space<hbm>> -> memref<10000x128xf32, #tpu.memory_space<hbm>>
      %dma_wait3A_338 = tpu.memref_slice %arg9[%dma_wait3A_327] : memref<2x!tpu.dma_semaphore, #tpu.memory_space<semaphore_mem>> -> memref<1x!tpu.dma_semaphore, #tpu.memory_space<semaphore_mem>>
      %dma_wait3A_339 = tpu.memref_squeeze %dma_wait3A_338 : memref<1x!tpu.dma_semaphore, #tpu.memory_space<semaphore_mem>> -> memref<!tpu.dma_semaphore, #tpu.memory_space<semaphore_mem>>
      tpu.wait_indirect_dma semaphore(%dma_wait3A_339 : memref<!tpu.dma_semaphore, #tpu.memory_space<semaphore_mem>>) src(%dma_wait3A_337 : memref<10000x128xf32, #tpu.memory_space<hbm>>) dst(%dma_wait3A_331 : memref<128x128xf32, #tpu.memory_space<vmem>>)
      %dma_start3A_340 = arith.constant 1 : i32
      %dma_start3A_341 = arith.constant 3 : i32
      %dma_start3A_342 = arith.constant 1 : i32
      %dma_start3A_343 = arith.constant 1 : i32
      %dma_start3A_344 = arith.constant 0 : i32
      %dma_start3A_345 = arith.constant 0 : i32
      %dma_start3A_346 = tpu.memref_slice %arg7[%dma_start3A_340, %dma_start3A_344, %dma_start3A_345] : memref<2x128x128xf32, #tpu.memory_space<vmem>> -> memref<1x128x128xf32, #tpu.memory_space<vmem>>
      %dma_start3A_347 = tpu.memref_squeeze %dma_start3A_346 : memref<1x128x128xf32, #tpu.memory_space<vmem>> -> memref<128x128xf32, #tpu.memory_space<vmem>>
      %dma_start3A_348 = arith.constant 0 : i32
      %dma_start3A_349 = tpu.memref_slice %arg6[%dma_start3A_341, %dma_start3A_342, %dma_start3A_348] : memref<4x2x128xi32, #tpu.memory_space<vmem>> -> memref<1x1x128xi32, #tpu.memory_space<vmem>>
      %dma_start3A_350 = tpu.memref_squeeze %dma_start3A_349 : memref<1x1x128xi32, #tpu.memory_space<vmem>> -> memref<128xi32, #tpu.memory_space<vmem>>
      %dma_start3A_351 = arith.constant 0 : i32
      %dma_start3A_352 = arith.constant 0 : i32
      %dma_start3A_353 = tpu.memref_slice %arg8[%dma_start3A_351, %dma_start3A_352] : memref<10112x128xf32, #tpu.memory_space<vmem_shared>> -> memref<10112x128xf32, #tpu.memory_space<vmem_shared>>
      %dma_start3A_354 = tpu.memref_slice %arg10[%dma_start3A_343] : memref<2x!tpu.dma_semaphore, #tpu.memory_space<semaphore_mem>> -> memref<1x!tpu.dma_semaphore, #tpu.memory_space<semaphore_mem>>
      %dma_start3A_355 = tpu.memref_squeeze %dma_start3A_354 : memref<1x!tpu.dma_semaphore, #tpu.memory_space<semaphore_mem>> -> memref<!tpu.dma_semaphore, #tpu.memory_space<semaphore_mem>>
      tpu.enqueue_indirect_dma source(%dma_start3A_347 : memref<128x128xf32, #tpu.memory_space<vmem>>) target(%dma_start3A_353 : memref<10112x128xf32, #tpu.memory_space<vmem_shared>>) offsets(%dma_start3A_350 : memref<128xi32, #tpu.memory_space<vmem>>) semaphore(%dma_start3A_355 : memref<!tpu.dma_semaphore, #tpu.memory_space<semaphore_mem>>) {add = true}
      %ge3A_356 = arith.constant 1 : i32
      %ge3A_357 = arith.cmpi sge, %add3A_323, %ge3A_356 : i32
      %convert_element_type3A_358 = arith.extui %ge3A_357 : i1 to i32
      %cond3A_359 = arith.constant 0 : i32
      %cond3A_360 = arith.cmpi ne, %convert_element_type3A_358, %cond3A_359 : i32
      scf.if %cond3A_360 {
        %dma_wait3A_379 = arith.constant 0 : i32
        %dma_wait3A_380 = arith.constant 2 : i32
        %dma_wait3A_381 = arith.constant 1 : i32
        %dma_wait3A_382 = arith.constant 0 : i32
        %dma_wait3A_383 = arith.constant 0 : i32
        %dma_wait3A_384 = arith.constant 0 : i32
        %dma_wait3A_385 = tpu.memref_slice %arg7[%dma_wait3A_379, %dma_wait3A_383, %dma_wait3A_384] : memref<2x128x128xf32, #tpu.memory_space<vmem>> -> memref<1x128x128xf32, #tpu.memory_space<vmem>>
        %dma_wait3A_386 = tpu.memref_squeeze %dma_wait3A_385 : memref<1x128x128xf32, #tpu.memory_space<vmem>> -> memref<128x128xf32, #tpu.memory_space<vmem>>
        %dma_wait3A_387 = arith.constant 0 : i32
        %dma_wait3A_388 = tpu.memref_slice %arg6[%dma_wait3A_380, %dma_wait3A_381, %dma_wait3A_387] : memref<4x2x128xi32, #tpu.memory_space<vmem>> -> memref<1x1x128xi32, #tpu.memory_space<vmem>>
        %dma_wait3A_389 = tpu.memref_squeeze %dma_wait3A_388 : memref<1x1x128xi32, #tpu.memory_space<vmem>> -> memref<128xi32, #tpu.memory_space<vmem>>
        %dma_wait3A_390 = arith.constant 0 : i32
        %dma_wait3A_391 = arith.constant 0 : i32
        %dma_wait3A_392 = tpu.memref_slice %arg8[%dma_wait3A_390, %dma_wait3A_391] : memref<10112x128xf32, #tpu.memory_space<vmem_shared>> -> memref<10112x128xf32, #tpu.memory_space<vmem_shared>>
        %dma_wait3A_393 = tpu.memref_slice %arg10[%dma_wait3A_382] : memref<2x!tpu.dma_semaphore, #tpu.memory_space<semaphore_mem>> -> memref<1x!tpu.dma_semaphore, #tpu.memory_space<semaphore_mem>>
        %dma_wait3A_394 = tpu.memref_squeeze %dma_wait3A_393 : memref<1x!tpu.dma_semaphore, #tpu.memory_space<semaphore_mem>> -> memref<!tpu.dma_semaphore, #tpu.memory_space<semaphore_mem>>
        tpu.wait_indirect_dma semaphore(%dma_wait3A_394 : memref<!tpu.dma_semaphore, #tpu.memory_space<semaphore_mem>>) src(%dma_wait3A_386 : memref<128x128xf32, #tpu.memory_space<vmem>>) dst(%dma_wait3A_392 : memref<10112x128xf32, #tpu.memory_space<vmem_shared>>)
      } else {
      }
      %ge3A_361 = arith.constant 1 : i32
      %ge3A_362 = arith.cmpi sge, %add3A_323, %ge3A_361 : i32
      %add3A_363 = arith.constant 3 : i32
      %add3A_364 = arith.addi %add3A_323, %add3A_363 : i32
      %lt3A_365 = arith.constant 80 : i32
      %lt3A_366 = arith.cmpi slt, %add3A_364, %lt3A_365 : i32
      %and3A_367 = arith.andi %ge3A_362, %lt3A_366 : i1
      %convert_element_type3A_368 = arith.extui %and3A_367 : i1 to i32
      %cond3A_369 = arith.constant 0 : i32
      %cond3A_370 = arith.cmpi ne, %convert_element_type3A_368, %cond3A_369 : i32
      scf.if %cond3A_370 {
        %add3A_379 = arith.constant 3 : i32
        %add3A_380 = arith.addi %add3A_323, %add3A_379 : i32
        %dma_start3A_381 = arith.constant 2 : i32
        %dma_start3A_382 = arith.constant 2 : i32
        %dma_start3A_383 = arith.constant 0 : i32
        %dma_start3A_384 = arith.constant 0 : i32
        %dma_start3A_385 = tpu.memref_slice %arg6[%dma_start3A_381, %dma_start3A_383, %dma_start3A_384] : memref<4x2x128xi32, #tpu.memory_space<vmem>> -> memref<1x2x128xi32, #tpu.memory_space<vmem>>
        %dma_start3A_386 = tpu.memref_squeeze %dma_start3A_385 : memref<1x2x128xi32, #tpu.memory_space<vmem>> -> memref<2x128xi32, #tpu.memory_space<vmem>>
        %dma_start3A_387 = arith.constant 0 : i32
        %dma_start3A_388 = arith.constant 0 : i32
        %dma_start3A_389 = tpu.memref_slice %arg3[%add3A, %add3A_380, %dma_start3A_387, %dma_start3A_388] : memref<32x80x2x128xi32, #tpu.memory_space<hbm>> -> memref<1x1x2x128xi32, #tpu.memory_space<hbm>>
        %dma_start3A_390 = tpu.memref_squeeze %dma_start3A_389 : memref<1x1x2x128xi32, #tpu.memory_space<hbm>> -> memref<2x128xi32, #tpu.memory_space<hbm>>
        %dma_start3A_391 = tpu.memref_slice %arg11[%dma_start3A_382] : memref<4x!tpu.dma_semaphore, #tpu.memory_space<semaphore_mem>> -> memref<1x!tpu.dma_semaphore, #tpu.memory_space<semaphore_mem>>
        %dma_start3A_392 = tpu.memref_squeeze %dma_start3A_391 : memref<1x!tpu.dma_semaphore, #tpu.memory_space<semaphore_mem>> -> memref<!tpu.dma_semaphore, #tpu.memory_space<semaphore_mem>>
        %dma_start3A_393 = arith.constant 0 : i32
        %dma_start3A_394 = arith.constant 0 : i32
        %dma_start3A_395 = tpu.memref_slice %arg6[%dma_start3A_381, %dma_start3A_393, %dma_start3A_394] : memref<4x2x128xi32, #tpu.memory_space<vmem>> -> memref<1x2x128xi32, #tpu.memory_space<vmem>>
        %dma_start3A_396 = tpu.memref_squeeze %dma_start3A_395 : memref<1x2x128xi32, #tpu.memory_space<vmem>> -> memref<2x128xi32, #tpu.memory_space<vmem>>
        %dma_start3A_397 = arith.constant 0 : i32
        %dma_start3A_398 = arith.constant 0 : i32
        %dma_start3A_399 = tpu.memref_slice %arg3[%add3A, %add3A_380, %dma_start3A_397, %dma_start3A_398] : memref<32x80x2x128xi32, #tpu.memory_space<hbm>> -> memref<1x1x2x128xi32, #tpu.memory_space<hbm>>
        %dma_start3A_400 = tpu.memref_squeeze %dma_start3A_399 : memref<1x1x2x128xi32, #tpu.memory_space<hbm>> -> memref<2x128xi32, #tpu.memory_space<hbm>>
        tpu.enqueue_dma source(%dma_start3A_400 : memref<2x128xi32, #tpu.memory_space<hbm>>) target(%dma_start3A_396 : memref<2x128xi32, #tpu.memory_space<vmem>>) target_semaphore(%dma_start3A_392 : memref<!tpu.dma_semaphore, #tpu.memory_space<semaphore_mem>>)
      } else {
      }
      %add3A_371 = arith.constant 1 : i32
      %add3A_372 = arith.addi %add3A_323, %add3A_371 : i32
      %lt3A_373 = arith.constant 80 : i32
      %lt3A_374 = arith.cmpi slt, %add3A_372, %lt3A_373 : i32
      %convert_element_type3A_375 = arith.extui %lt3A_374 : i1 to i32
      %cond3A_376 = arith.constant 0 : i32
      %cond3A_377 = arith.cmpi ne, %convert_element_type3A_375, %cond3A_376 : i32
      scf.if %cond3A_377 {
        %add3A_379 = arith.constant 1 : i32
        %add3A_380 = arith.addi %add3A_323, %add3A_379 : i32
        %dma_wait3A_381 = arith.constant 0 : i32
        %dma_wait3A_382 = arith.constant 0 : i32
        %dma_wait3A_383 = arith.constant 0 : i32
        %dma_wait3A_384 = arith.constant 0 : i32
        %dma_wait3A_385 = tpu.memref_slice %arg6[%dma_wait3A_381, %dma_wait3A_383, %dma_wait3A_384] : memref<4x2x128xi32, #tpu.memory_space<vmem>> -> memref<1x2x128xi32, #tpu.memory_space<vmem>>
        %dma_wait3A_386 = tpu.memref_squeeze %dma_wait3A_385 : memref<1x2x128xi32, #tpu.memory_space<vmem>> -> memref<2x128xi32, #tpu.memory_space<vmem>>
        %dma_wait3A_387 = arith.constant 0 : i32
        %dma_wait3A_388 = arith.constant 0 : i32
        %dma_wait3A_389 = tpu.memref_slice %arg3[%add3A, %add3A_380, %dma_wait3A_387, %dma_wait3A_388] : memref<32x80x2x128xi32, #tpu.memory_space<hbm>> -> memref<1x1x2x128xi32, #tpu.memory_space<hbm>>
        %dma_wait3A_390 = tpu.memref_squeeze %dma_wait3A_389 : memref<1x1x2x128xi32, #tpu.memory_space<hbm>> -> memref<2x128xi32, #tpu.memory_space<hbm>>
        %dma_wait3A_391 = tpu.memref_slice %arg11[%dma_wait3A_382] : memref<4x!tpu.dma_semaphore, #tpu.memory_space<semaphore_mem>> -> memref<1x!tpu.dma_semaphore, #tpu.memory_space<semaphore_mem>>
        %dma_wait3A_392 = tpu.memref_squeeze %dma_wait3A_391 : memref<1x!tpu.dma_semaphore, #tpu.memory_space<semaphore_mem>> -> memref<!tpu.dma_semaphore, #tpu.memory_space<semaphore_mem>>
        %dma_wait3A_393 = arith.constant 0 : i32
        %dma_wait3A_394 = arith.constant 0 : i32
        %dma_wait3A_395 = tpu.memref_slice %arg6[%dma_wait3A_381, %dma_wait3A_393, %dma_wait3A_394] : memref<4x2x128xi32, #tpu.memory_space<vmem>> -> memref<1x2x128xi32, #tpu.memory_space<vmem>>
        %dma_wait3A_396 = tpu.memref_squeeze %dma_wait3A_395 : memref<1x2x128xi32, #tpu.memory_space<vmem>> -> memref<2x128xi32, #tpu.memory_space<vmem>>
        %dma_wait3A_397 = arith.constant 0 : i32
        %dma_wait3A_398 = arith.constant 0 : i32
        %dma_wait3A_399 = tpu.memref_slice %arg3[%add3A, %add3A_380, %dma_wait3A_397, %dma_wait3A_398] : memref<32x80x2x128xi32, #tpu.memory_space<hbm>> -> memref<1x1x2x128xi32, #tpu.memory_space<hbm>>
        %dma_wait3A_400 = tpu.memref_squeeze %dma_wait3A_399 : memref<1x1x2x128xi32, #tpu.memory_space<hbm>> -> memref<2x128xi32, #tpu.memory_space<hbm>>
        tpu.wait_dma2 semaphore(%dma_wait3A_392 : memref<!tpu.dma_semaphore, #tpu.memory_space<semaphore_mem>>) src(%dma_wait3A_400 : memref<2x128xi32, #tpu.memory_space<hbm>>) dst(%dma_wait3A_396 : memref<2x128xi32, #tpu.memory_space<vmem>>)
        %add3A_401 = arith.constant 1 : i32
        %add3A_402 = arith.addi %add3A_323, %add3A_401 : i32
        %dma_start3A_403 = arith.constant 0 : i32
        %dma_start3A_404 = arith.constant 0 : i32
        %dma_start3A_405 = arith.constant 0 : i32
        %dma_start3A_406 = arith.constant 0 : i32
        %dma_start3A_407 = arith.constant 0 : i32
        %dma_start3A_408 = arith.constant 0 : i32
        %dma_start3A_409 = tpu.memref_slice %arg7[%dma_start3A_405, %dma_start3A_407, %dma_start3A_408] : memref<2x128x128xf32, #tpu.memory_space<vmem>> -> memref<1x128x128xf32, #tpu.memory_space<vmem>>
        %dma_start3A_410 = tpu.memref_squeeze %dma_start3A_409 : memref<1x128x128xf32, #tpu.memory_space<vmem>> -> memref<128x128xf32, #tpu.memory_space<vmem>>
        %dma_start3A_411 = arith.constant 0 : i32
        %dma_start3A_412 = tpu.memref_slice %arg6[%dma_start3A_403, %dma_start3A_404, %dma_start3A_411] : memref<4x2x128xi32, #tpu.memory_space<vmem>> -> memref<1x1x128xi32, #tpu.memory_space<vmem>>
        %dma_start3A_413 = tpu.memref_squeeze %dma_start3A_412 : memref<1x1x128xi32, #tpu.memory_space<vmem>> -> memref<128xi32, #tpu.memory_space<vmem>>
        %dma_start3A_414 = arith.constant 0 : i32
        %dma_start3A_415 = arith.constant 0 : i32
        %dma_start3A_416 = tpu.memref_slice %arg2[%dma_start3A_414, %dma_start3A_415] : memref<10000x128xf32, #tpu.memory_space<hbm>> -> memref<10000x128xf32, #tpu.memory_space<hbm>>
        %dma_start3A_417 = tpu.memref_slice %arg9[%dma_start3A_406] : memref<2x!tpu.dma_semaphore, #tpu.memory_space<semaphore_mem>> -> memref<1x!tpu.dma_semaphore, #tpu.memory_space<semaphore_mem>>
        %dma_start3A_418 = tpu.memref_squeeze %dma_start3A_417 : memref<1x!tpu.dma_semaphore, #tpu.memory_space<semaphore_mem>> -> memref<!tpu.dma_semaphore, #tpu.memory_space<semaphore_mem>>
        tpu.enqueue_indirect_dma source(%dma_start3A_416 : memref<10000x128xf32, #tpu.memory_space<hbm>>) target(%dma_start3A_410 : memref<128x128xf32, #tpu.memory_space<vmem>>) offsets(%dma_start3A_413 : memref<128xi32, #tpu.memory_space<vmem>>) semaphore(%dma_start3A_418 : memref<!tpu.dma_semaphore, #tpu.memory_space<semaphore_mem>>)
      } else {
      }
      %scan3A_378 = arith.constant 0 : i32
      scf.yield %scan3A_378 : i32
    }
    %scan3A_127 = arith.constant 20 : i32
    %dma_wait3A_128 = arith.constant 1 : i32
    %dma_wait3A_129 = arith.constant 3 : i32
    %dma_wait3A_130 = arith.constant 1 : i32
    %dma_wait3A_131 = arith.constant 1 : i32
    %dma_wait3A_132 = arith.constant 0 : i32
    %dma_wait3A_133 = arith.constant 0 : i32
    %dma_wait3A_134 = tpu.memref_slice %arg7[%dma_wait3A_128, %dma_wait3A_132, %dma_wait3A_133] : memref<2x128x128xf32, #tpu.memory_space<vmem>> -> memref<1x128x128xf32, #tpu.memory_space<vmem>>
    %dma_wait3A_135 = tpu.memref_squeeze %dma_wait3A_134 : memref<1x128x128xf32, #tpu.memory_space<vmem>> -> memref<128x128xf32, #tpu.memory_space<vmem>>
    %dma_wait3A_136 = arith.constant 0 : i32
    %dma_wait3A_137 = tpu.memref_slice %arg6[%dma_wait3A_129, %dma_wait3A_130, %dma_wait3A_136] : memref<4x2x128xi32, #tpu.memory_space<vmem>> -> memref<1x1x128xi32, #tpu.memory_space<vmem>>
    %dma_wait3A_138 = tpu.memref_squeeze %dma_wait3A_137 : memref<1x1x128xi32, #tpu.memory_space<vmem>> -> memref<128xi32, #tpu.memory_space<vmem>>
    %dma_wait3A_139 = arith.constant 0 : i32
    %dma_wait3A_140 = arith.constant 0 : i32
    %dma_wait3A_141 = tpu.memref_slice %arg8[%dma_wait3A_139, %dma_wait3A_140] : memref<10112x128xf32, #tpu.memory_space<vmem_shared>> -> memref<10112x128xf32, #tpu.memory_space<vmem_shared>>
    %dma_wait3A_142 = tpu.memref_slice %arg10[%dma_wait3A_131] : memref<2x!tpu.dma_semaphore, #tpu.memory_space<semaphore_mem>> -> memref<1x!tpu.dma_semaphore, #tpu.memory_space<semaphore_mem>>
    %dma_wait3A_143 = tpu.memref_squeeze %dma_wait3A_142 : memref<1x!tpu.dma_semaphore, #tpu.memory_space<semaphore_mem>> -> memref<!tpu.dma_semaphore, #tpu.memory_space<semaphore_mem>>
    tpu.wait_indirect_dma semaphore(%dma_wait3A_143 : memref<!tpu.dma_semaphore, #tpu.memory_space<semaphore_mem>>) src(%dma_wait3A_135 : memref<128x128xf32, #tpu.memory_space<vmem>>) dst(%dma_wait3A_141 : memref<10112x128xf32, #tpu.memory_space<vmem_shared>>)
    %barrier3A_144 = arith.constant 0 : index
    tpu.barrier barrier_id(%barrier3A_144)
    %mul3A_145 = arith.constant 632 : i32
    %mul3A_146 = arith.muli %arg1, %mul3A_145 : i32
    %mul3A_147 = arith.constant 632 : i32
    %mul3A_148 = arith.muli %arg1, %mul3A_147 : i32
    "tpu.region"() ({
      %run_scoped3A = tpu.sem_alloc : memref<!tpu.dma_semaphore, #tpu.memory_space<semaphore_mem>>
      %dma_start3A_149 = arith.constant 0 : i32
      %dma_start3A_150 = tpu.memref_slice %arg5[%arg0, %mul3A_148, %dma_start3A_149] : memref<2x10112x128xf32, #tpu.memory_space<hbm>> -> memref<1x632x128xf32, #tpu.memory_space<hbm>>
      %dma_start3A_151 = tpu.memref_squeeze %dma_start3A_150 : memref<1x632x128xf32, #tpu.memory_space<hbm>> -> memref<632x128xf32, #tpu.memory_space<hbm>>
      %dma_start3A_152 = arith.constant 0 : i32
      %dma_start3A_153 = tpu.memref_slice %arg8[%mul3A_146, %dma_start3A_152] : memref<10112x128xf32, #tpu.memory_space<vmem_shared>> -> memref<632x128xf32, #tpu.memory_space<vmem_shared>>
      tpu.enqueue_dma source(%dma_start3A_153 : memref<632x128xf32, #tpu.memory_space<vmem_shared>>) target(%dma_start3A_151 : memref<632x128xf32, #tpu.memory_space<hbm>>) target_semaphore(%run_scoped3A : memref<!tpu.dma_semaphore, #tpu.memory_space<semaphore_mem>>)
      %dma_wait3A_154 = arith.constant 0 : i32
      %dma_wait3A_155 = tpu.memref_slice %arg5[%arg0, %mul3A_148, %dma_wait3A_154] : memref<2x10112x128xf32, #tpu.memory_space<hbm>> -> memref<1x632x128xf32, #tpu.memory_space<hbm>>
      %dma_wait3A_156 = tpu.memref_squeeze %dma_wait3A_155 : memref<1x632x128xf32, #tpu.memory_space<hbm>> -> memref<632x128xf32, #tpu.memory_space<hbm>>
      %dma_wait3A_157 = arith.constant 0 : i32
      %dma_wait3A_158 = tpu.memref_slice %arg8[%mul3A_146, %dma_wait3A_157] : memref<10112x128xf32, #tpu.memory_space<vmem_shared>> -> memref<632x128xf32, #tpu.memory_space<vmem_shared>>
      tpu.wait_dma2 semaphore(%run_scoped3A : memref<!tpu.dma_semaphore, #tpu.memory_space<semaphore_mem>>) src(%dma_wait3A_158 : memref<632x128xf32, #tpu.memory_space<vmem_shared>>) dst(%dma_wait3A_156 : memref<632x128xf32, #tpu.memory_space<hbm>>)
      tpu.yield
    }) : () -> ()
    return
  }
}

module attributes {stable_mosaic.version = 14 : i64} {
  func.func @_mm_scale_body(%arg0: i32, %arg1: memref<200x128xf32, #tpu.memory_space<vmem>>, %arg2: memref<128x128xf32, #tpu.memory_space<vmem>>, %arg3: memref<32x200x1xf32, #tpu.memory_space<vmem>>, %arg4: memref<200x128xf32, #tpu.memory_space<vmem>>) attributes {dimension_semantics = [#tpu.dimension_semantics<arbitrary>], iteration_bounds = array<i64: 50>, scalar_prefetch = 0 : i64, scratch_operands = 0 : i64, tpu.core_type = #tpu.core_type<tc>, window_params = [{transform_indices = @transform_0, window_bounds = array<i64: 200, 128>}, {pipeline_mode = #tpu.pipeline_mode<synchronous>, transform_indices = @transform_1, window_bounds = array<i64: 128, 128>}, {transform_indices = @transform_2, window_bounds = array<i64: 32, 200, 1>}, {transform_indices = @transform_3, window_bounds = array<i64: 200, 128>}]} {
    %get3A = arith.constant 0 : index
    %get3A_0 = arith.constant 0 : index
    %get3A_1 = vector.load %arg1[%get3A, %get3A_0] : memref<200x128xf32, #tpu.memory_space<vmem>>, vector<200x128xf32>
    %get3A_2 = arith.constant 0 : index
    %get3A_3 = arith.constant 0 : index
    %get3A_4 = vector.load %arg2[%get3A_2, %get3A_3] : memref<128x128xf32, #tpu.memory_space<vmem>>, vector<128x128xf32>
    %dot_general3A = arith.constant dense<0.000000e+00> : vector<200x128xf32>
    %dot_general3A_5 = tpu.matmul %get3A_1, %get3A_4, %dot_general3A {dimension_numbers = #tpu.dot_dimension_numbers<[1], [0], [0], [1], [0, 0, 1, 1], [], []>, transpose_lhs_hint = false} : vector<200x128xf32>, vector<128x128xf32>, vector<200x128xf32> -> vector<200x128xf32>
    %get3A_6 = arith.constant 0 : index
    %get3A_7 = arith.constant 0 : index
    %get3A_8 = arith.constant 0 : index
    %get3A_9 = vector.load %arg3[%get3A_6, %get3A_7, %get3A_8] : memref<32x200x1xf32, #tpu.memory_space<vmem>>, vector<32x200x1xf32>
    %reduce_sum3A = arith.constant dense<0.000000e+00> : vector<200x1xf32>
    %reduce_sum3A_10 = vector.multi_reduction <add>, %get3A_9, %reduce_sum3A [0] : vector<32x200x1xf32> to vector<200x1xf32>
    %add3A = arith.constant 1.000000e+00 : f32
    %add3A_11 = vector.broadcast %add3A : f32 to vector<200x1xf32>
    %add3A_12 = arith.addf %reduce_sum3A_10, %add3A_11 : vector<200x1xf32>
    %rsqrt3A = math.rsqrt %add3A_12 : vector<200x1xf32>
    %mul3A = vector.broadcast %rsqrt3A : vector<200x1xf32> to vector<200x128xf32>
    %mul3A_13 = arith.mulf %dot_general3A_5, %mul3A : vector<200x128xf32>
    %swap3A = arith.constant 0 : index
    %swap3A_14 = arith.constant 0 : index
    %swap3A_15 = vector.load %arg4[%swap3A, %swap3A_14] : memref<200x128xf32, #tpu.memory_space<vmem>>, vector<200x128xf32>
    tpu.vector_store %arg4[%swap3A, %swap3A_14], %mul3A_13 {strides = array<i32>} : memref<200x128xf32, #tpu.memory_space<vmem>>, vector<200x128xf32>,
    return
  }
  func.func @transform_0(%arg0: i32) -> (i32, i32) {
    %c0_i32 = arith.constant 0 : i32
    %c0_i32_0 = arith.constant 0 : i32
    return %arg0, %c0_i32 : i32, i32
  }
  func.func @transform_1(%arg0: i32) -> (i32, i32) {
    %c0_i32 = arith.constant 0 : i32
    %c0_i32_0 = arith.constant 0 : i32
    %c0_i32_1 = arith.constant 0 : i32
    return %c0_i32, %c0_i32_0 : i32, i32
  }
  func.func @transform_2(%arg0: i32) -> (i32, i32, i32) {
    %c0_i32 = arith.constant 0 : i32
    %c0_i32_0 = arith.constant 0 : i32
    %c0_i32_1 = arith.constant 0 : i32
    return %c0_i32, %arg0, %c0_i32_0 : i32, i32, i32
  }
  func.func @transform_3(%arg0: i32) -> (i32, i32) {
    %c0_i32 = arith.constant 0 : i32
    %c0_i32_0 = arith.constant 0 : i32
    return %arg0, %c0_i32 : i32, i32
  }
}

module attributes {stable_mosaic.version = 14 : i64} {
  func.func @_mid_body(%arg0: i32, %arg1: memref<200x128xf32, #tpu.memory_space<vmem>>, %arg2: memref<200x128xf32, #tpu.memory_space<vmem>>, %arg3: memref<200x128xf32, #tpu.memory_space<vmem>>, %arg4: memref<32x200x1xf32, #tpu.memory_space<vmem>>, %arg5: memref<1x128xf32, #tpu.memory_space<vmem>>, %arg6: memref<128x128xf32, #tpu.memory_space<vmem>>, %arg7: memref<200x128xf32, #tpu.memory_space<vmem>>) attributes {dimension_semantics = [#tpu.dimension_semantics<arbitrary>], iteration_bounds = array<i64: 50>, scalar_prefetch = 0 : i64, scratch_operands = 0 : i64, tpu.core_type = #tpu.core_type<tc>, window_params = [{transform_indices = @transform_0, window_bounds = array<i64: 200, 128>}, {transform_indices = @transform_1, window_bounds = array<i64: 200, 128>}, {transform_indices = @transform_2, window_bounds = array<i64: 200, 128>}, {transform_indices = @transform_3, window_bounds = array<i64: 32, 200, 1>}, {pipeline_mode = #tpu.pipeline_mode<synchronous>, transform_indices = @transform_4, window_bounds = array<i64: 1, 128>}, {pipeline_mode = #tpu.pipeline_mode<synchronous>, transform_indices = @transform_5, window_bounds = array<i64: 128, 128>}, {transform_indices = @transform_6, window_bounds = array<i64: 200, 128>}]} {
    %get3A = arith.constant 0 : index
    %get3A_0 = arith.constant 0 : index
    %get3A_1 = arith.constant 0 : index
    %get3A_2 = vector.load %arg4[%get3A, %get3A_0, %get3A_1] : memref<32x200x1xf32, #tpu.memory_space<vmem>>, vector<32x200x1xf32>
    %reduce_sum3A = arith.constant dense<0.000000e+00> : vector<200x1xf32>
    %reduce_sum3A_3 = vector.multi_reduction <add>, %get3A_2, %reduce_sum3A [0] : vector<32x200x1xf32> to vector<200x1xf32>
    %add3A = arith.constant 1.000000e+00 : f32
    %add3A_4 = vector.broadcast %add3A : f32 to vector<200x1xf32>
    %add3A_5 = arith.addf %reduce_sum3A_3, %add3A_4 : vector<200x1xf32>
    %rsqrt3A = math.rsqrt %add3A_5 : vector<200x1xf32>
    %get3A_6 = arith.constant 0 : index
    %get3A_7 = arith.constant 0 : index
    %get3A_8 = vector.load %arg1[%get3A_6, %get3A_7] : memref<200x128xf32, #tpu.memory_space<vmem>>, vector<200x128xf32>
    %get3A_9 = arith.constant 0 : index
    %get3A_10 = arith.constant 0 : index
    %get3A_11 = vector.load %arg2[%get3A_9, %get3A_10] : memref<200x128xf32, #tpu.memory_space<vmem>>, vector<200x128xf32>
    %add3A_12 = arith.addf %get3A_8, %get3A_11 : vector<200x128xf32>
    %get3A_13 = arith.constant 0 : index
    %get3A_14 = arith.constant 0 : index
    %get3A_15 = vector.load %arg3[%get3A_13, %get3A_14] : memref<200x128xf32, #tpu.memory_space<vmem>>, vector<200x128xf32>
    %add3A_16 = arith.addf %add3A_12, %get3A_15 : vector<200x128xf32>
    %mul3A = vector.broadcast %rsqrt3A : vector<200x1xf32> to vector<200x128xf32>
    %mul3A_17 = arith.mulf %add3A_16, %mul3A : vector<200x128xf32>
    %get3A_18 = arith.constant 0 : index
    %get3A_19 = arith.constant 0 : index
    %get3A_20 = vector.load %arg5[%get3A_18, %get3A_19] : memref<1x128xf32, #tpu.memory_space<vmem>>, vector<1x128xf32>
    %add3A_21 = vector.broadcast %get3A_20 : vector<1x128xf32> to vector<200x128xf32>
    %add3A_22 = arith.addf %mul3A_17, %add3A_21 : vector<200x128xf32>
    %max3A = arith.constant 0.000000e+00 : f32
    %max3A_23 = vector.broadcast %max3A : f32 to vector<200x128xf32>
    %max3A_24 = arith.maximumf %add3A_22, %max3A_23 : vector<200x128xf32>
    %get3A_25 = arith.constant 0 : index
    %get3A_26 = arith.constant 0 : index
    %get3A_27 = vector.load %arg6[%get3A_25, %get3A_26] : memref<128x128xf32, #tpu.memory_space<vmem>>, vector<128x128xf32>
    %dot_general3A = arith.constant dense<0.000000e+00> : vector<200x128xf32>
    %dot_general3A_28 = tpu.matmul %max3A_24, %get3A_27, %dot_general3A {dimension_numbers = #tpu.dot_dimension_numbers<[1], [0], [0], [1], [0, 0, 1, 1], [], []>, transpose_lhs_hint = false} : vector<200x128xf32>, vector<128x128xf32>, vector<200x128xf32> -> vector<200x128xf32>
    %mul3A_29 = vector.broadcast %rsqrt3A : vector<200x1xf32> to vector<200x128xf32>
    %mul3A_30 = arith.mulf %dot_general3A_28, %mul3A_29 : vector<200x128xf32>
    %swap3A = arith.constant 0 : index
    %swap3A_31 = arith.constant 0 : index
    %swap3A_32 = vector.load %arg7[%swap3A, %swap3A_31] : memref<200x128xf32, #tpu.memory_space<vmem>>, vector<200x128xf32>
    tpu.vector_store %arg7[%swap3A, %swap3A_31], %mul3A_30 {strides = array<i32>} : memref<200x128xf32, #tpu.memory_space<vmem>>, vector<200x128xf32>,
    return
  }
  func.func @transform_0(%arg0: i32) -> (i32, i32) {
    %c0_i32 = arith.constant 0 : i32
    %c0_i32_0 = arith.constant 0 : i32
    return %arg0, %c0_i32 : i32, i32
  }
  func.func @transform_1(%arg0: i32) -> (i32, i32) {
    %c0_i32 = arith.constant 0 : i32
    %c0_i32_0 = arith.constant 0 : i32
    return %arg0, %c0_i32 : i32, i32
  }
  func.func @transform_2(%arg0: i32) -> (i32, i32) {
    %c0_i32 = arith.constant 0 : i32
    %c0_i32_0 = arith.constant 0 : i32
    return %arg0, %c0_i32 : i32, i32
  }
  func.func @transform_3(%arg0: i32) -> (i32, i32, i32) {
    %c0_i32 = arith.constant 0 : i32
    %c0_i32_0 = arith.constant 0 : i32
    %c0_i32_1 = arith.constant 0 : i32
    return %c0_i32, %arg0, %c0_i32_0 : i32, i32, i32
  }
  func.func @transform_4(%arg0: i32) -> (i32, i32) {
    %c0_i32 = arith.constant 0 : i32
    %c0_i32_0 = arith.constant 0 : i32
    %c0_i32_1 = arith.constant 0 : i32
    return %c0_i32, %c0_i32_0 : i32, i32
  }
  func.func @transform_5(%arg0: i32) -> (i32, i32) {
    %c0_i32 = arith.constant 0 : i32
    %c0_i32_0 = arith.constant 0 : i32
    %c0_i32_1 = arith.constant 0 : i32
    return %c0_i32, %c0_i32_0 : i32, i32
  }
  func.func @transform_6(%arg0: i32) -> (i32, i32) {
    %c0_i32 = arith.constant 0 : i32
    %c0_i32_0 = arith.constant 0 : i32
    return %arg0, %c0_i32 : i32, i32
  }
}

module attributes {stable_mosaic.version = 14 : i64} {
  func.func @_final_body(%arg0: i32, %arg1: memref<200x128xf32, #tpu.memory_space<vmem>>, %arg2: memref<200x128xf32, #tpu.memory_space<vmem>>, %arg3: memref<200x128xf32, #tpu.memory_space<vmem>>, %arg4: memref<32x200x1xf32, #tpu.memory_space<vmem>>, %arg5: memref<1x128xf32, #tpu.memory_space<vmem>>, %arg6: memref<200x128xf32, #tpu.memory_space<vmem>>) attributes {dimension_semantics = [#tpu.dimension_semantics<arbitrary>], iteration_bounds = array<i64: 50>, scalar_prefetch = 0 : i64, scratch_operands = 0 : i64, tpu.core_type = #tpu.core_type<tc>, window_params = [{transform_indices = @transform_0, window_bounds = array<i64: 200, 128>}, {transform_indices = @transform_1, window_bounds = array<i64: 200, 128>}, {transform_indices = @transform_2, window_bounds = array<i64: 200, 128>}, {transform_indices = @transform_3, window_bounds = array<i64: 32, 200, 1>}, {pipeline_mode = #tpu.pipeline_mode<synchronous>, transform_indices = @transform_4, window_bounds = array<i64: 1, 128>}, {transform_indices = @transform_5, window_bounds = array<i64: 200, 128>}]} {
    %get3A = arith.constant 0 : index
    %get3A_0 = arith.constant 0 : index
    %get3A_1 = arith.constant 0 : index
    %get3A_2 = vector.load %arg4[%get3A, %get3A_0, %get3A_1] : memref<32x200x1xf32, #tpu.memory_space<vmem>>, vector<32x200x1xf32>
    %reduce_sum3A = arith.constant dense<0.000000e+00> : vector<200x1xf32>
    %reduce_sum3A_3 = vector.multi_reduction <add>, %get3A_2, %reduce_sum3A [0] : vector<32x200x1xf32> to vector<200x1xf32>
    %add3A = arith.constant 1.000000e+00 : f32
    %add3A_4 = vector.broadcast %add3A : f32 to vector<200x1xf32>
    %add3A_5 = arith.addf %reduce_sum3A_3, %add3A_4 : vector<200x1xf32>
    %rsqrt3A = math.rsqrt %add3A_5 : vector<200x1xf32>
    %get3A_6 = arith.constant 0 : index
    %get3A_7 = arith.constant 0 : index
    %get3A_8 = vector.load %arg1[%get3A_6, %get3A_7] : memref<200x128xf32, #tpu.memory_space<vmem>>, vector<200x128xf32>
    %get3A_9 = arith.constant 0 : index
    %get3A_10 = arith.constant 0 : index
    %get3A_11 = vector.load %arg2[%get3A_9, %get3A_10] : memref<200x128xf32, #tpu.memory_space<vmem>>, vector<200x128xf32>
    %add3A_12 = arith.addf %get3A_8, %get3A_11 : vector<200x128xf32>
    %get3A_13 = arith.constant 0 : index
    %get3A_14 = arith.constant 0 : index
    %get3A_15 = vector.load %arg3[%get3A_13, %get3A_14] : memref<200x128xf32, #tpu.memory_space<vmem>>, vector<200x128xf32>
    %add3A_16 = arith.addf %add3A_12, %get3A_15 : vector<200x128xf32>
    %mul3A = vector.broadcast %rsqrt3A : vector<200x1xf32> to vector<200x128xf32>
    %mul3A_17 = arith.mulf %add3A_16, %mul3A : vector<200x128xf32>
    %get3A_18 = arith.constant 0 : index
    %get3A_19 = arith.constant 0 : index
    %get3A_20 = vector.load %arg5[%get3A_18, %get3A_19] : memref<1x128xf32, #tpu.memory_space<vmem>>, vector<1x128xf32>
    %add3A_21 = vector.broadcast %get3A_20 : vector<1x128xf32> to vector<200x128xf32>
    %add3A_22 = arith.addf %mul3A_17, %add3A_21 : vector<200x128xf32>
    %swap3A = arith.constant 0 : index
    %swap3A_23 = arith.constant 0 : index
    %swap3A_24 = vector.load %arg6[%swap3A, %swap3A_23] : memref<200x128xf32, #tpu.memory_space<vmem>>, vector<200x128xf32>
    tpu.vector_store %arg6[%swap3A, %swap3A_23], %add3A_22 {strides = array<i32>} : memref<200x128xf32, #tpu.memory_space<vmem>>, vector<200x128xf32>,
    return
  }
  func.func @transform_0(%arg0: i32) -> (i32, i32) {
    %c0_i32 = arith.constant 0 : i32
    %c0_i32_0 = arith.constant 0 : i32
    return %arg0, %c0_i32 : i32, i32
  }
  func.func @transform_1(%arg0: i32) -> (i32, i32) {
    %c0_i32 = arith.constant 0 : i32
    %c0_i32_0 = arith.constant 0 : i32
    return %arg0, %c0_i32 : i32, i32
  }
  func.func @transform_2(%arg0: i32) -> (i32, i32) {
    %c0_i32 = arith.constant 0 : i32
    %c0_i32_0 = arith.constant 0 : i32
    return %arg0, %c0_i32 : i32, i32
  }
  func.func @transform_3(%arg0: i32) -> (i32, i32, i32) {
    %c0_i32 = arith.constant 0 : i32
    %c0_i32_0 = arith.constant 0 : i32
    %c0_i32_1 = arith.constant 0 : i32
    return %c0_i32, %arg0, %c0_i32_0 : i32, i32, i32
  }
  func.func @transform_4(%arg0: i32) -> (i32, i32) {
    %c0_i32 = arith.constant 0 : i32
    %c0_i32_0 = arith.constant 0 : i32
    %c0_i32_1 = arith.constant 0 : i32
    return %c0_i32, %c0_i32_0 : i32, i32
  }
  func.func @transform_5(%arg0: i32) -> (i32, i32) {
    %c0_i32 = arith.constant 0 : i32
    %c0_i32_0 = arith.constant 0 : i32
    return %arg0, %c0_i32 : i32, i32
  }
}

</mosaic_0001>

<sc_bundles>
// kernel: kernel.11.cloned.1.call-start
scs
__scs_entry_jumppad:
0x0: {  	(pc) =	sbr.rel $0x88, $3  }
0x1: {  	(tag) =	ssettag $0x0;
	lr =	simm.s32 $0x1  }
0x2: {  	[smem:$0x3F9B] =	sst lr;
	_ =	strace $0xD0000000  }
0x3: {  	_ = 	snop  }
0x4: {  	_ = 	snop  }
0x5: {  	_ = 	snop  }
0x6: {  	_ = 	snop  }
0x7: {  	_ = 	snop  }
__scs_overlays_trampoline_lowered:
0x8: {  	[smem:$0x3FAA] =	sst s0  }
0x9: {  	[smem:$0x3FAB] =	sst s1  }
0xa: {  	[smem:$0x3FAC] =	sst s2  }
0xb: {  	[smem:$0x3FAD] =	sst s3  }
0xc: {  	[smem:$0x3FAE] =	sst s4  }
0xd: {  	[smem:$0x3FAF] =	sst s5  }
0xe: {  	[smem:$0x3FB0] =	sst s6  }
0xf: {  	[smem:$0x3FB1] =	sst s7  }
0x10: {  	[smem:$0x3FB2] =	sst s8  }
0x11: {  	[smem:$0x3FB3] =	sst s9;
	s0 =	simm.s32 @!p0 $0x0  }
0x12: {  	s1 =	sld [smem:$0x3F99];
	s0 =	simm.s32 @p0 $0x1  }
0x13: {  	[smem:$0x3FB4] =	sst s0;
	s0 =	simm.s32 @!p1 $0x0  }
0x14: {  	s2 =	sld [smem:$0x3F98];
	s0 =	simm.s32 @p1 $0x1  }
0x15: {  	[smem:$0x3FB5] =	sst s0;
	s0 =	simm.s32 @!p2 $0x0  }
0x16: {  	s3 =	sld [smem:$0x3FDB];
	s0 =	simm.s32 @p2 $0x1  }
0x17: {  	s4 =	simm.s32 $0x1BF5;
	[smem:$0x3FB7] =	sst s0  }
0x18: {  	s0 =	sld [smem:$0x3F9A];
	_ =	swait.ge [sflag:s4], $0x0  }
0x19: {  	s7 =	sld [smem:$0x3F9B]  }
0x1a: {  	s8 =	sadd.s32 $0xFFFFE003, lr  }
0x1b: {  	s9 =	sadd.s32 $0xFFFFFEF7, lr;
	s5 =	simm.s32 $0xFFFFFFFF;
	p2 =	slt.u32 s8, $0xFFFFF086  }
0x1c: {  	p1 =	slt.u32 s9, $0xF7A;
	s5 =	simm.s32 @!p2 $0x0  }
0x1d: {  	s5 =	simm.s32 @p1 $0x1;
	p0 =	seq.s32 s7, s2  }
0x1e: {  	s7 =	smul.u32 @!p0 $0xF7A, s2;
	p2 =	seq.s32 @!p0 s5, $0x0  }
0x1f: {  	s9 =	smul.u32 $0xF7A, s1;
	s8 =	simm.s32 @!p0 $0x1BF5;
	p2 =	por !p2, p0  }
0x20: {  	[sflag:s8] =	ssyncset.s32 @!p0 $0xFFFFF086;
	s6 =	sadd.s32 @!p0 s3, s7;
	s7 =	simm.s32 @!p0 $0x108  }
0x21: {  	s3 =	sadd.s32 s3, s9;
	s6 =	sadd.s32 @!p0 $0x88, s6;
	s7 =	simm.s32 @p2 $0x1082  }
0x22: {  	[simem:s7], [sflag:s8] =	dma.local @!p0 [hbm:s6], $0xF7A  }
0x23: {  	s9 =	sor.u32 $0xD0000000, s2;
	s6 =	simm.s32 $0x108;
	_ =	swait.ge @!p0 [sflag:s8], $0x0  }
0x24: {  	s3 =	sadd.s32 $0x88, s3;
	s6 =	simm.s32 @!p1 $0x1082;
	[sflag:s4] =	ssyncset.s32 $0xFFFFF086  }
0x25: {  	[simem:s6], [sflag:s4] =	dma.local [hbm:s3], $0xF7A  }
0x26: {  	[smem:$0x3F9B] =	sst s1;
	(tag) =	ssettag s2;
	_ =	strace s9  }
0x27: {  	s1 =	sld [smem:$0x3FAB]  }
0x28: {  	s2 =	sld [smem:$0x3FAC]  }
0x29: {  	s4 =	sld [smem:$0x3FAE]  }
0x2a: {  	p0 =	seq.s32 s5, $0x0;
	s5 =	sld [smem:$0x3FAF]  }
0x2b: {  	s6 =	sld [smem:$0x3FB0]  }
0x2c: {  	s7 =	sld [smem:$0x3FB1]  }
0x2d: {  	s3 =	simm.s32 $0x108;
	s8 =	sld [smem:$0x3FB2]  }
0x2e: {  	s3 =	simm.s32 @!p0 $0x1082;
	s9 =	sld [smem:$0x3FB3]  }
0x2f: {  	lr =	sadd.s32 s0, s3;
	s0 =	sld [smem:$0x3FAA]  }
0x30: {  	s3 =	sld [smem:$0x3FAD]  }
0x31: {  	[smem:$0x3FB6] =	sst s10  }
0x32: {  	s10 =	sld [smem:$0x3FB4];
	_ =	sdelay $0x3  }
0x33: {  	p0 =	seq.s32 s10, $0x1;
	s10 =	sld [smem:$0x3FB6];
	_ =	sdelay $0x3  }
0x34: {  	[smem:$0x3FB6] =	sst s10  }
0x35: {  	s10 =	sld [smem:$0x3FB5];
	_ =	sdelay $0x3  }
0x36: {  	p1 =	seq.s32 s10, $0x1;
	s10 =	sld [smem:$0x3FB6];
	_ =	sdelay $0x3  }
0x37: {  	[smem:$0x3FB6] =	sst s10  }
0x38: {  	s10 =	sld [smem:$0x3FB7]  }
0x39: {  	_ = 	snop;
	(pc) =	sbr.ind lr, $3  }
0x3a: {  	_ = 	snop  }
0x3b: {  	_ = 	snop  }
0x3c: {  	p2 =	seq.s32 s10, $0x1;
	s10 =	sld [smem:$0x3FB6]  }
0x3d: {  	_ =	shalt  }
0x3e: {  	_ =	shalt  }
0x3f: {  	_ =	shalt  }
0x40: {  	_ =	shalt  }
0x41: {  	_ =	shalt  }
0x42: {  	_ =	shalt  }
0x43: {  	_ =	shalt  }
0x44: {  	_ =	shalt  }
0x45: {  	_ =	shalt  }
0x46: {  	_ =	shalt  }
0x47: {  	_ =	shalt  }
0x48: {  	_ =	shalt  }
0x49: {  	_ =	shalt  }
0x4a: {  	_ =	shalt  }
0x4b: {  	_ =	shalt  }
0x4c: {  	_ =	shalt  }
0x4d: {  	_ =	shalt  }
0x4e: {  	_ =	shalt  }
0x4f: {  	_ =	shalt  }
0x50: {  	_ =	shalt  }
0x51: {  	_ =	shalt  }
0x52: {  	_ =	shalt  }
0x53: {  	_ =	shalt  }
0x54: {  	_ =	shalt  }
0x55: {  	_ =	shalt  }
0x56: {  	_ =	shalt  }
0x57: {  	_ =	shalt  }
0x58: {  	_ =	shalt  }
0x59: {  	_ =	shalt  }
0x5a: {  	_ =	shalt  }
0x5b: {  	_ =	shalt  }
0x5c: {  	_ =	shalt  }
0x5d: {  	_ =	shalt  }
0x5e: {  	_ =	shalt  }
0x5f: {  	_ =	shalt  }
0x60: {  	_ =	shalt  }
0x61: {  	_ =	shalt  }
0x62: {  	_ =	shalt  }
0x63: {  	_ =	shalt  }
0x64: {  	_ =	shalt  }
0x65: {  	_ =	shalt  }
0x66: {  	_ =	shalt  }
0x67: {  	_ =	shalt  }
0x68: {  	_ =	shalt  }
0x69: {  	_ =	shalt  }
0x6a: {  	_ =	shalt  }
0x6b: {  	_ =	shalt  }
0x6c: {  	_ =	shalt  }
0x6d: {  	_ =	shalt  }
0x6e: {  	_ =	shalt  }
0x6f: {  	_ =	shalt  }
0x70: {  	_ =	shalt  }
0x71: {  	_ =	shalt  }
0x72: {  	_ =	shalt  }
0x73: {  	_ =	shalt  }
0x74: {  	_ =	shalt  }
0x75: {  	_ =	shalt  }
0x76: {  	_ =	shalt  }
0x77: {  	_ =	shalt  }
0x78: {  	_ =	shalt  }
0x79: {  	_ =	shalt  }
0x7a: {  	_ =	shalt  }
0x7b: {  	_ =	shalt  }
0x7c: {  	_ =	shalt  }
0x7d: {  	_ =	shalt  }
0x7e: {  	_ =	shalt  }
0x7f: {  	_ =	shalt  }
0x80: {  	_ =	shalt  }
0x81: {  	_ =	shalt  }
0x82: {  	_ =	shalt  }
0x83: {  	_ =	shalt  }
0x84: {  	_ =	shalt  }
0x85: {  	_ =	shalt  }
0x86: {  	_ =	shalt  }
0x87: {  	_ =	shalt  }
.Lfunc_end0:
.L_simem_size_0:
called_computation.1_lowered:
.L_overlay_start_0:
0x88: {  	s2 =	sld [smem:$0x3FD9]  }
0x89: {  	s3 =	sld [smem:$0x3FFE];
	_ =	sdelay $0x1  }
0x8a: {  	s1 =	srdreg.scid  }
0x8b: {  	s0 =	sand.u32 $0x1, s1  }
0x8c: {  	s17 =	sshll.u32 s0, $0xA;
	s2 =	sadd.s32 s3, s2  }
0x8d: {  	s2 =	sadd.s32 s2, s17  }
0x8e: {  	[smem:$0x3FC2] =	sst s2  }
0x8f: {  	_ = 	snop  }
0x90: {  	s2 =	sld [smem:$0x3FD0];
	(tm) =	ssettm $0x1  }
0x91: {  	s18 =	sld [smem:$0x3FFB];
	_ =	sdelay $0x3  }
0x92: {  	_ =	strace s18  }
0x93: {  	s3 =	sld [smem:$0x3FFC];
	_ =	sdelay $0x3  }
0x94: {  	_ =	strace s3  }
0x95: {  	s3 =	sld [smem:$0x3FFD];
	_ =	sdelay $0x3  }
0x96: {  	_ =	strace s3  }
0x97: {  	_ =	strace $0x8FFFFFFF  }
0x98: {  	s19 =	sld [smem:$0x3FDB];
	_ =	sdelay $0x1  }
0x99: {  	s4 =	simm.s32 $_scs_section_size  }
0x9a: {  	s5 =	simm.s32 $_size__tile_overlayer_lowered;
	s6 =	simm.s32 $_tile_overlayer_lowered  }
0x9b: {  	s22 =	simm.s32 $0x1BFF;
	s21 =	sshll.u32 s6, $0x1;
	s3 =	sadd.s32 s4, s19  }
0x9c: {  	s7 =	simm.s32 $0x0;
	s20 =	sshll.u32 s5, $0x1;
	s5 =	sadd.s32 s21, s3  }
0x9d: {  	[timem:s7], [sflag:s22] =	dma.local [hbm:s5], s20  }
0x9e: {  	_ =	swait.ge [sflag:s22], s20  }
0x9f: {  	s4 =	ssub.s32 $0x0, s20;
	[sflag:s22] =	ssyncset.done $0x0  }
0xa0: {  	[sflag:s22] =	ssyncadd.s32 s4;
	_ =	sdelay $0x1  }
0xa1: {  	s23 =	simm.s32 $0x1B8B  }
0xa2: {  	_ =	swait.ge [sflag:s23], $0x1  }
0xa3: {  	[sflag:s23] =	ssyncset.done $0x0  }
0xa4: {  	s25 =	simm.s32 $0x1B8E;
	s24 =	sld [smem:$0x3FFE];
	[sflag:s23] =	ssyncadd.s32 $0xFFFFFFFF  }
0xa5: {  	s26 =	simm.s32 $execute0_lowered;
	[smem:$0x3FD2] =	sst s25  }
0xa6: {  	s5 =	sshll.u32 s26, $0x1;
	_ =	strace $0x80000049;
	[dreg:$0x1] =	wrdreg $0xFFFFFFFF  }
0xa7: {  	s28 =	simm.s32 $_size_execute0_lowered;
	s3 =	sadd.s32 s3, s5;
	[dreg:$0x0] =	wrdreg $0x0  }
0xa8: {  	s5 =	sshll.u32 s28, $0x1;
	[dreg:$0x2] =	wrdreg s3  }
0xa9: {  	[dreg:$0x3] =	wrdreg s5  }
0xaa: {  	[dreg:$0x4] =	wrdreg $0xC0  }
0xab: {  	_ =	task [dreg:s7], $0x5FFFF  }
0xac: {  	[dreg:$0x1] =	wrdreg $0xFFFFFFFF  }
0xad: {  	[dreg:$0x0] =	wrdreg $0x60  }
0xae: {  	[dreg:$0x2] =	wrdreg s2  }
0xaf: {  	[dreg:$0x3] =	wrdreg s24  }
0xb0: {  	[dreg:$0x4] =	wrdreg $0x84000  }
0xb1: {  	[dreg:$0x5] =	wrdreg $0x9  }
0xb2: {  	_ =	task.clear_ibuf [dreg:s7], $0x6FFFF;
	_ =	strace $0x90000049  }
0xb3: {  	s29 =	simm.s32 $0x9;
	_ =	strace $0x8000004B  }
0xb4: {  	_ =	swait.ge [sflag:s29], $0x1  }
0xb5: {  	[sflag:s29] =	ssyncadd.s32 $0xFFFFFFFF  }
0xb6: {  	_ =	strace $0x9000004B  }
0xb7: {  	_ =	sfence  }
0xb8: {  	s30 =	sld [smem:$0x0];
	_ =	sdelay $0x2  }
0xb9: {  	s31 =	sshll.u32 s1, $0xD;
	s1 =	sshrl.u32 s1, $0x2  }
0xba: {  	s3 =	sand.u32 $0x4000, s31;
	s1 =	sadd.s32 s1, s30  }
0xbb: {  	s0 =	sor.u32 s3, s0;
	s1 =	sshll.u32 s1, $0x11  }
0xbc: {  	s0 =	sor.u32 s1, s0  }
0xbd: {  	s0 =	sadd.s32 $0x8F2B, s0  }
0xbe: {  	[sflag:s0] =	ssyncadd.remote.s32 $0x1  }
0xbf: {  	_ =	sfence.sel $0xFFFF  }
0xc0: {  	[dreg:$0x0] =	wrdreg $0xFFFFFFFF;
	(pc) =	sbr.abs _section_cstart, $3  }
0xc1: {  	[dreg:$0x1] =	wrdreg $0xFFFFFFFF  }
0xc2: {  	_ =	task.clear_ibuf [dreg:s7], $0x2FFFF;
	_ =	strace $0x9FFFFFFF  }
0xc3: {  	(tm) =	ssettm $0x7FFFFFFF  }
tec
execute0_lowered:
.L_overlay_start_1:
0x0: {  	(tag) =	ssettag $0x1  }
0x1: {  	s1 =	rddreg [dreg:$0x0]  }
0x2: {  	s0 =	rddreg [dreg:$0x1]  }
0x3: {  	s2 =	rddreg [dreg:$0x2]  }
0x4: {  	s3 =	srdreg.scid;
	s4 =	simm.s32 $0x0;
	s11 =	stileid.u32  }
0x5: {  	s28 =	simm.s32 $0x4400;
	s29 =	simm.s32 $0x2;
	s30 =	simm.s32 $0x180  }
0x6: {  	s31 =	simm.s32 $0x3;
	s3 =	sand.u32 $0x1, s3;
	s6 =	smul.u32 $0x13C00, s11  }
0x7: {  	[smem:$0x7FF] =	sst s4;
	s8 =	sadd.s32 $0xC600, s0;
	s9 =	smul.u32 $0x4F000, s11  }
0x8: {  	s7 =	sadd.s32 $0x2800, s0;
	s13 =	sshll.u32 s11, $0x1;
	s16 =	smul.u32 $0xA000, s11  }
0x9: {  	s18 =	sshll.u32 s11, $0x6;
	s5 =	smul.u32 $0x13C000, s3;
	_ =	strace $0x8000004A  }
0xa: {  	[dreg:$0x4] =	wrdreg s7;
	s14 =	ssub.s32 $0x2, s3;
	s7 =	sor.u32 $0x1C09, s18  }
0xb: {  	s18 =	simm.s32 $0x9;
	s10 =	sshrl.u32 s14, $0x1;
	s17 =	sshrl.u32 s9, $0x2  }
0xc: {  	s5 =	sadd.s32 s6, s5;
	s6 =	sor.u32 s3, s13;
	s15 =	ssub.s32 s14, s10  }
0xd: {  	s3 =	smul.u32 $0x5000, s3;
	s9 =	sadd.s32 s17, s2;
	s10 =	simm.s32 $0x0  }
0xe: {  	s5 =	sshrl.u32 s5, $0x3;
	s6 =	smul.u32 $0x5000, s6;
	s22 =	smax.u32 s15, $0x1  }
0xf: {  	s11 =	sshrl.u32 s9, $0x3;
	s9 =	simm.s32 $0x380;
	s0 =	sadd.s32 s5, s0  }
0x10: {  	s3 =	sadd.s32 s3, s16;
	[dreg:$0xa] =	wrdreg s22;
	s22 =	simm.s32 $0x5  }
0x11: {  	[dreg:$0xb] =	wrdreg s11;
	s6 =	sshrl.u32 s6, $0x3;
	s21 =	sor.u32 $0x600, s3  }
0x12: {  	s0 =	sadd.s32 $0x502600, s0;
	s24 =	sor.u32 $0x500, s3;
	s25 =	sor.u32 $0x400, s3  }
0x13: {  	s3 =	sor.u32 $0x300, s3;
	s6 =	sadd.s32 s8, s6;
	[dreg:$0x9] =	wrdreg s0  }
0x14: {  	s23 =	sshrl.u32 s21, $0x3;
	s0 =	sshrl.u32 s24, $0x3;
	s5 =	sshrl.u32 s25, $0x3  }
0x15: {  	s26 =	sshrl.u32 s3, $0x3;
	s21 =	simm.s32 $0x300;
	s24 =	simm.s32 $0x400  }
0x16: {  	s25 =	simm.s32 $0x1;
	s3 =	simm.s32 $0x280;
	s19 =	sadd.s32 $0x20, s6  }
0x17: {  	s20 =	sadd.s32 $0x40, s6;
	[dreg:$0x5] =	wrdreg s6;
	s6 =	sadd.s32 $0x60, s6  }
.Ltmp0:
0x18: {  	s13 =	sadd.s32 s23, s8;
	s14 =	sadd.s32 s0, s8;
	(pc) =	sbr.rel .LBB2_1-.Ltmp0, $4  }
0x19: {  	s15 =	sadd.s32 s5, s8;
	s16 =	sadd.s32 s26, s8;
	s23 =	simm.s32 $0x80  }
0x1a: {  	s26 =	simm.s32 $0x6;
	s0 =	simm.s32 $0x7;
	[dreg:$0x6] =	wrdreg s19  }
0x1b: {  	s5 =	simm.s32 $0x4;
	s8 =	simm.s32 $0x8;
	[dreg:$0x7] =	wrdreg s20  }
0x1c: {  	[dreg:$0x8] =	wrdreg s6;
	s19 =	simm.s32 $0x100;
	s20 =	simm.s32 $0x200  }
.LBB2_4:
0x1d: {  	_ =	swait.ge [sflag:s5], $0x4000  }
0x1e: {  	[sflag:s5] =	ssyncset.done $0x0  }
0x1f: {  	[sflag:s5] =	ssyncadd.s32 $0xFFFFC000  }
0x20: {  	[bflag:$0x0] =	sbarrier.arrive $0xFFFF  }
0x21: {  	s6 =	rddreg [dreg:$0x9]  }
0x22: {  	s11 =	rddreg [dreg:$0xb]  }
0x23: {  	[hbm:s6], [sflag:s17] =	dma.local [spmem:s11], $0x2780  }
0x24: {  	_ =	swait.ge [sflag:s18], $0x2780  }
0x25: {  	s7 =	smov.u32 s17;
	s10 =	sadd.s32 $0x1, s10;
	s17 =	rddreg [dreg:$0xa]  }
0x26: {  	p0 =	sne.s32 s10, s17  }
.Ltmp1:
0x27: {  	_ = 	snop;
	(pc) =	sbr.rel @!p0 .LBB2_5-.Ltmp1, $3  }
0x28: {  	_ =	sdelay $0x1  }
0x29: {  	[sflag:s18] =	ssyncset.done $0x0  }
0x2a: {  	[sflag:s18] =	ssyncadd.s32 $0xFFFFD880  }
.LBB2_1:
0x2b: {  	s6 =	rddreg [dreg:$0x4]  }
0x2c: {  	[spmem:s11], [sflag:s7] =	dma.local [hbm:s6], $0x2780  }
0x2d: {  	_ =	swait.ge [sflag:s18], $0x2780  }
0x2e: {  	[sflag:s18] =	ssyncset.done $0x0  }
0x2f: {  	[sflag:s18] =	ssyncadd.s32 $0xFFFFD880  }
0x30: {  	[bflag:$0x0] =	sbarrier.arrive $0xFFFF  }
0x31: {  	s12 =	rddreg [dreg:$0x5]  }
0x32: {  	[tilespmem:s4], [sflag:$0x5] =	stream.linear.gather [hbm4b:s12+s4], $0x100, $0x38;
	[tilespmem:$0x1C000] =	vst v63  }
0x33: {  	s17 =	smov.u32 s7;
	s7 =	rddreg [dreg:$0x6]  }
0x34: {  	[tilespmem:s19], [sflag:$0x6] =	stream.linear.gather [hbm4b:s7+s4], $0x100, $0x38;
	[tilespmem:$0x1C000] =	vst v63  }
0x35: {  	s11 =	rddreg [dreg:$0x7]  }
0x36: {  	[tilespmem:s20], [sflag:$0x7] =	stream.linear.gather [hbm4b:s11+s4], $0x100, $0x38;
	[tilespmem:$0x1C000] =	vst v63  }
0x37: {  	s12 =	rddreg [dreg:$0x8]  }
0x38: {  	[tilespmem:s21], [sflag:$0x8] =	stream.linear.gather [hbm4b:s12+s4], $0x100, $0x38;
	[tilespmem:$0x1C000] =	vst v63  }
0x39: {  	_ =	swait.ge [sflag:s22], $0x100  }
0x3a: {  	[sflag:s22] =	ssyncset.done $0x0  }
0x3b: {  	s11 =	simm.s32 $0x0;
	[sflag:s22] =	ssyncadd.s32 $0xFFFFFF00  }
0x3c: {  	[tilespmem:s24], [sflag:$0x1] =	stream.indirect.gather [hbm4b:s1+s23], $0x80, s4, s23, $0xb8;
	[tilespmem:$0x1C000] =	vst v63  }
.LBB2_2:
0x3d: {  	_ =	swait.ge [sflag:s25], $0x4000  }
0x3e: {  	p0 =	seq.s32 s11, $0x0;
	[sflag:s25] =	ssyncset.done $0x0  }
0x3f: {  	s12 =	simm.s32 @!p0 $0x4;
	[sflag:s25] =	ssyncadd.s32 $0xFFFFC000  }
0x40: {  	[spmem:s2] =	stream.indirect.scatter.add.f32 [tilespmem:s24], [sflag:$0x3], $0x80, s23, s23, $0xb8;
	[tilespmem:$0x1C000] =	vst v63  }
0x41: {  	_ =	swait.ge @!p0 [sflag:s12], $0x4000  }
0x42: {  	s6 =	simm.s32 @!p0 $0x0;
	[sflag:s12] =	ssyncset.done @!p0 $0x0  }
0x43: {  	s7 =	simm.s32 @!p0 $0x300;
	[sflag:s12] =	ssyncadd.s32 @!p0 $0xFFFFC000;
	s12 =	sadd.s32 @!p0 s11, s16  }
0x44: {  	[tilespmem:s7], [sflag:$0x8] =	stream.linear.gather @!p0 [hbm4b:s12+s6], $0x100, $0x38;
	[tilespmem:$0x1C000] =	vst v63  }
0x45: {  	_ =	swait.ge [sflag:s26], $0x100  }
0x46: {  	[sflag:s26] =	ssyncset.done $0x0  }
0x47: {  	[sflag:s26] =	ssyncadd.s32 $0xFFFFFF00  }
0x48: {  	[tilespmem:s28], [sflag:$0x2] =	stream.indirect.gather [hbm4b:s1+s23], $0x80, s19, s23, $0xb8;
	[tilespmem:$0x1C000] =	vst v63  }
0x49: {  	_ =	swait.ge [sflag:s29], $0x4000  }
0x4a: {  	[sflag:s29] =	ssyncset.done $0x0  }
0x4b: {  	[sflag:s29] =	ssyncadd.s32 $0xFFFFC000  }
0x4c: {  	[spmem:s2] =	stream.indirect.scatter.add.f32 [tilespmem:s28], [sflag:$0x4], $0x80, s30, s23, $0xb8;
	[tilespmem:$0x1C000] =	vst v63  }
0x4d: {  	_ =	swait.ge [sflag:s31], $0x4000  }
0x4e: {  	p0 =	seq.s32 s11, $0x980;
	[sflag:s31] =	ssyncset.done $0x0  }
0x4f: {  	s6 =	sadd.s32 @!p0 s11, s15;
	s7 =	simm.s32 @!p0 $0x0;
	[sflag:s31] =	ssyncadd.s32 $0xFFFFC000  }
0x50: {  	[tilespmem:s7], [sflag:$0x5] =	stream.linear.gather @!p0 [hbm4b:s6+s7], $0x100, $0x38;
	[tilespmem:$0x1C000] =	vst v63  }
0x51: {  	_ =	swait.ge [sflag:s0], $0x100  }
0x52: {  	[sflag:s0] =	ssyncset.done $0x0  }
0x53: {  	[sflag:s0] =	ssyncadd.s32 $0xFFFFFF00  }
0x54: {  	[tilespmem:s24], [sflag:$0x1] =	stream.indirect.gather [hbm4b:s1+s23], $0x80, s20, s23, $0xb8;
	[tilespmem:$0x1C000] =	vst v63  }
0x55: {  	_ =	swait.ge [sflag:s25], $0x4000  }
0x56: {  	[sflag:s25] =	ssyncset.done $0x0  }
0x57: {  	[sflag:s25] =	ssyncadd.s32 $0xFFFFC000  }
0x58: {  	[spmem:s2] =	stream.indirect.scatter.add.f32 [tilespmem:s24], [sflag:$0x3], $0x80, s3, s23, $0xb8;
	[tilespmem:$0x1C000] =	vst v63  }
0x59: {  	_ =	swait.ge [sflag:s5], $0x4000  }
0x5a: {  	[sflag:s5] =	ssyncset.done $0x0  }
0x5b: {  	s12 =	simm.s32 @!p0 $0x100;
	s6 =	sadd.s32 @!p0 s11, s14;
	[sflag:s5] =	ssyncadd.s32 $0xFFFFC000  }
0x5c: {  	[tilespmem:s12], [sflag:$0x6] =	stream.linear.gather @!p0 [hbm4b:s6+s7], $0x100, $0x38;
	[tilespmem:$0x1C000] =	vst v63  }
0x5d: {  	_ =	swait.ge [sflag:s8], $0x100  }
0x5e: {  	[sflag:s8] =	ssyncset.done $0x0  }
0x5f: {  	[sflag:s8] =	ssyncadd.s32 $0xFFFFFF00  }
0x60: {  	[tilespmem:s28], [sflag:$0x2] =	stream.indirect.gather [hbm4b:s1+s23], $0x80, s21, s23, $0xb8;
	[tilespmem:$0x1C000] =	vst v63  }
0x61: {  	_ =	swait.ge [sflag:s29], $0x4000  }
0x62: {  	[sflag:s29] =	ssyncset.done $0x0  }
.Ltmp2:
0x63: {  	[sflag:s29] =	ssyncadd.s32 $0xFFFFC000;
	(pc) =	sbr.rel @p0 .LBB2_4-.Ltmp2, $4  }
0x64: {  	[spmem:s2] =	stream.indirect.scatter.add.f32 [tilespmem:s28], [sflag:$0x4], $0x80, s9, s23, $0xb8;
	[tilespmem:$0x1C000] =	vst v63  }
0x65: {  	_ =	swait.ge [sflag:s31], $0x4000  }
0x66: {  	[sflag:s31] =	ssyncset.done $0x0  }
0x67: {  	[sflag:s31] =	ssyncadd.s32 $0xFFFFC000  }
0x68: {  	s6 =	sadd.s32 s11, s13  }
0x69: {  	[tilespmem:s20], [sflag:$0x7] =	stream.linear.gather [hbm4b:s6+s4], $0x100, $0x38;
	[tilespmem:$0x1C000] =	vst v63  }
.Ltmp3:
0x6a: {  	_ = 	snop;
	(pc) =	sbr.rel .LBB2_2-.Ltmp3, $4  }
0x6b: {  	_ =	swait.ge [sflag:s22], $0x100  }
0x6c: {  	[sflag:s22] =	ssyncset.done $0x0  }
0x6d: {  	s11 =	sadd.s32 $0x80, s11;
	[sflag:s22] =	ssyncadd.s32 $0xFFFFFF00  }
0x6e: {  	[tilespmem:s24], [sflag:$0x1] =	stream.indirect.gather [hbm4b:s1+s23], $0x80, s4, s23, $0xb8;
	[tilespmem:$0x1C000] =	vst v63  }
.LBB2_5:
0x6f: {  	_ =	sfence.sel $0x180000  }
0x70: {  	[bflag:$0x0] =	sbarrier.arrive $0xFFFF  }
0x71: {  	_ =	strace $0x9000004A  }
0x72: {  	s0 =	stileid.u32;
	[bflag:$0x2] =	sbarrier.arrive $0xFFFF  }
0x73: {  	p0 =	sne.s32 s0, $0x0;
	s0 =	rddreg [dreg:$0x3]  }
0x74: {  	s0 =	sadd.s32 @!p0 $0x100000, s0  }
0x75: {  	[sflag:s0] =	ssyncadd.tile.s32 @!p0 $0x1;
	_ =	shalt  }
.Lfunc_end2:
_tile_overlayer_lowered:
.L_overlay_start_2:
0x76: {  	(tag) =	ssettag $0x2  }
0x77: {  	s0 =	rddreg [dreg:$0x0];
	s2 =	stileid.u32  }
0x78: {  	s1 =	rddreg [dreg:$0x1];
	p0 =	sne.s32 s2, $0x0  }
0x79: {  	s3 =	rddreg [dreg:$0x2];
	[bflag:$0x3] =	sbarrier.arrive $0xFFFF;
	s2 =	simm.s32 @!p0 $0x1C09  }
0x7a: {  	[timem:s3], [sflag:s2] =	dma.local @!p0 [hbm:s0], s1  }
0x7b: {  	s0 =	simm.s32 @!p0 $0x9  }
0x7c: {  	_ =	swait.ge @!p0 [sflag:s0], s1  }
0x7d: {  	s1 =	ssub.s32 @!p0 $0x0, s1;
	[sflag:s0] =	ssyncset.done @!p0 $0x0  }
0x7e: {  	[sflag:s0] =	ssyncadd.s32 @!p0 s1  }
0x7f: {  	[bflag:$0x3] =	sbarrier.arrive $0xFFFF  }
0x80: {  	_ =	shalt  }

// kernel: kernel.14.cloned.1.call-start
scs
__scs_entry_jumppad:
0x0: {  	(pc) =	sbr.rel $0x88, $3  }
0x1: {  	(tag) =	ssettag $0x0;
	lr =	simm.s32 $0x1  }
0x2: {  	[smem:$0x3F9B] =	sst lr;
	_ =	strace $0xD0000000  }
0x3: {  	_ = 	snop  }
0x4: {  	_ = 	snop  }
0x5: {  	_ = 	snop  }
0x6: {  	_ = 	snop  }
0x7: {  	_ = 	snop  }
__scs_overlays_trampoline_lowered:
0x8: {  	[smem:$0x3FAA] =	sst s0  }
0x9: {  	[smem:$0x3FAB] =	sst s1  }
0xa: {  	[smem:$0x3FAC] =	sst s2  }
0xb: {  	[smem:$0x3FAD] =	sst s3  }
0xc: {  	[smem:$0x3FAE] =	sst s4  }
0xd: {  	[smem:$0x3FAF] =	sst s5  }
0xe: {  	[smem:$0x3FB0] =	sst s6  }
0xf: {  	[smem:$0x3FB1] =	sst s7  }
0x10: {  	[smem:$0x3FB2] =	sst s8  }
0x11: {  	[smem:$0x3FB3] =	sst s9;
	s0 =	simm.s32 @!p0 $0x0  }
0x12: {  	s1 =	sld [smem:$0x3F99];
	s0 =	simm.s32 @p0 $0x1  }
0x13: {  	[smem:$0x3FB4] =	sst s0;
	s0 =	simm.s32 @!p1 $0x0  }
0x14: {  	s2 =	sld [smem:$0x3F98];
	s0 =	simm.s32 @p1 $0x1  }
0x15: {  	[smem:$0x3FB5] =	sst s0;
	s0 =	simm.s32 @!p2 $0x0  }
0x16: {  	s3 =	sld [smem:$0x3FDB];
	s0 =	simm.s32 @p2 $0x1  }
0x17: {  	s4 =	simm.s32 $0x1BF5;
	[smem:$0x3FB7] =	sst s0  }
0x18: {  	s0 =	sld [smem:$0x3F9A];
	_ =	swait.ge [sflag:s4], $0x0  }
0x19: {  	s7 =	sld [smem:$0x3F9B]  }
0x1a: {  	s8 =	sadd.s32 $0xFFFFE003, lr  }
0x1b: {  	s9 =	sadd.s32 $0xFFFFFEF7, lr;
	s5 =	simm.s32 $0xFFFFFFFF;
	p2 =	slt.u32 s8, $0xFFFFF086  }
0x1c: {  	p1 =	slt.u32 s9, $0xF7A;
	s5 =	simm.s32 @!p2 $0x0  }
0x1d: {  	s5 =	simm.s32 @p1 $0x1;
	p0 =	seq.s32 s7, s2  }
0x1e: {  	s7 =	smul.u32 @!p0 $0xF7A, s2;
	p2 =	seq.s32 @!p0 s5, $0x0  }
0x1f: {  	s9 =	smul.u32 $0xF7A, s1;
	s8 =	simm.s32 @!p0 $0x1BF5;
	p2 =	por !p2, p0  }
0x20: {  	[sflag:s8] =	ssyncset.s32 @!p0 $0xFFFFF086;
	s6 =	sadd.s32 @!p0 s3, s7;
	s7 =	simm.s32 @!p0 $0x108  }
0x21: {  	s3 =	sadd.s32 s3, s9;
	s6 =	sadd.s32 @!p0 $0x88, s6;
	s7 =	simm.s32 @p2 $0x1082  }
0x22: {  	[simem:s7], [sflag:s8] =	dma.local @!p0 [hbm:s6], $0xF7A  }
0x23: {  	s9 =	sor.u32 $0xD0000000, s2;
	s6 =	simm.s32 $0x108;
	_ =	swait.ge @!p0 [sflag:s8], $0x0  }
0x24: {  	s3 =	sadd.s32 $0x88, s3;
	s6 =	simm.s32 @!p1 $0x1082;
	[sflag:s4] =	ssyncset.s32 $0xFFFFF086  }
0x25: {  	[simem:s6], [sflag:s4] =	dma.local [hbm:s3], $0xF7A  }
0x26: {  	[smem:$0x3F9B] =	sst s1;
	(tag) =	ssettag s2;
	_ =	strace s9  }
0x27: {  	s1 =	sld [smem:$0x3FAB]  }
0x28: {  	s2 =	sld [smem:$0x3FAC]  }
0x29: {  	s4 =	sld [smem:$0x3FAE]  }
0x2a: {  	p0 =	seq.s32 s5, $0x0;
	s5 =	sld [smem:$0x3FAF]  }
0x2b: {  	s6 =	sld [smem:$0x3FB0]  }
0x2c: {  	s7 =	sld [smem:$0x3FB1]  }
0x2d: {  	s3 =	simm.s32 $0x108;
	s8 =	sld [smem:$0x3FB2]  }
0x2e: {  	s3 =	simm.s32 @!p0 $0x1082;
	s9 =	sld [smem:$0x3FB3]  }
0x2f: {  	lr =	sadd.s32 s0, s3;
	s0 =	sld [smem:$0x3FAA]  }
0x30: {  	s3 =	sld [smem:$0x3FAD]  }
0x31: {  	[smem:$0x3FB6] =	sst s10  }
0x32: {  	s10 =	sld [smem:$0x3FB4];
	_ =	sdelay $0x3  }
0x33: {  	p0 =	seq.s32 s10, $0x1;
	s10 =	sld [smem:$0x3FB6];
	_ =	sdelay $0x3  }
0x34: {  	[smem:$0x3FB6] =	sst s10  }
0x35: {  	s10 =	sld [smem:$0x3FB5];
	_ =	sdelay $0x3  }
0x36: {  	p1 =	seq.s32 s10, $0x1;
	s10 =	sld [smem:$0x3FB6];
	_ =	sdelay $0x3  }
0x37: {  	[smem:$0x3FB6] =	sst s10  }
0x38: {  	s10 =	sld [smem:$0x3FB7]  }
0x39: {  	_ = 	snop;
	(pc) =	sbr.ind lr, $3  }
0x3a: {  	_ = 	snop  }
0x3b: {  	_ = 	snop  }
0x3c: {  	p2 =	seq.s32 s10, $0x1;
	s10 =	sld [smem:$0x3FB6]  }
0x3d: {  	_ =	shalt  }
0x3e: {  	_ =	shalt  }
0x3f: {  	_ =	shalt  }
0x40: {  	_ =	shalt  }
0x41: {  	_ =	shalt  }
0x42: {  	_ =	shalt  }
0x43: {  	_ =	shalt  }
0x44: {  	_ =	shalt  }
0x45: {  	_ =	shalt  }
0x46: {  	_ =	shalt  }
0x47: {  	_ =	shalt  }
0x48: {  	_ =	shalt  }
0x49: {  	_ =	shalt  }
0x4a: {  	_ =	shalt  }
0x4b: {  	_ =	shalt  }
0x4c: {  	_ =	shalt  }
0x4d: {  	_ =	shalt  }
0x4e: {  	_ =	shalt  }
0x4f: {  	_ =	shalt  }
0x50: {  	_ =	shalt  }
0x51: {  	_ =	shalt  }
0x52: {  	_ =	shalt  }
0x53: {  	_ =	shalt  }
0x54: {  	_ =	shalt  }
0x55: {  	_ =	shalt  }
0x56: {  	_ =	shalt  }
0x57: {  	_ =	shalt  }
0x58: {  	_ =	shalt  }
0x59: {  	_ =	shalt  }
0x5a: {  	_ =	shalt  }
0x5b: {  	_ =	shalt  }
0x5c: {  	_ =	shalt  }
0x5d: {  	_ =	shalt  }
0x5e: {  	_ =	shalt  }
0x5f: {  	_ =	shalt  }
0x60: {  	_ =	shalt  }
0x61: {  	_ =	shalt  }
0x62: {  	_ =	shalt  }
0x63: {  	_ =	shalt  }
0x64: {  	_ =	shalt  }
0x65: {  	_ =	shalt  }
0x66: {  	_ =	shalt  }
0x67: {  	_ =	shalt  }
0x68: {  	_ =	shalt  }
0x69: {  	_ =	shalt  }
0x6a: {  	_ =	shalt  }
0x6b: {  	_ =	shalt  }
0x6c: {  	_ =	shalt  }
0x6d: {  	_ =	shalt  }
0x6e: {  	_ =	shalt  }
0x6f: {  	_ =	shalt  }
0x70: {  	_ =	shalt  }
0x71: {  	_ =	shalt  }
0x72: {  	_ =	shalt  }
0x73: {  	_ =	shalt  }
0x74: {  	_ =	shalt  }
0x75: {  	_ =	shalt  }
0x76: {  	_ =	shalt  }
0x77: {  	_ =	shalt  }
0x78: {  	_ =	shalt  }
0x79: {  	_ =	shalt  }
0x7a: {  	_ =	shalt  }
0x7b: {  	_ =	shalt  }
0x7c: {  	_ =	shalt  }
0x7d: {  	_ =	shalt  }
0x7e: {  	_ =	shalt  }
0x7f: {  	_ =	shalt  }
0x80: {  	_ =	shalt  }
0x81: {  	_ =	shalt  }
0x82: {  	_ =	shalt  }
0x83: {  	_ =	shalt  }
0x84: {  	_ =	shalt  }
0x85: {  	_ =	shalt  }
0x86: {  	_ =	shalt  }
0x87: {  	_ =	shalt  }
.Lfunc_end0:
.L_simem_size_0:
called_computation.2_lowered:
.L_overlay_start_0:
0x88: {  	s2 =	sld [smem:$0x3FD9]  }
0x89: {  	s3 =	sld [smem:$0x3FFE];
	_ =	sdelay $0x1  }
0x8a: {  	s1 =	srdreg.scid  }
0x8b: {  	s0 =	sand.u32 $0x1, s1  }
0x8c: {  	s17 =	sshll.u32 s0, $0xA;
	s2 =	sadd.s32 s3, s2  }
0x8d: {  	s2 =	sadd.s32 s2, s17  }
0x8e: {  	[smem:$0x3FC2] =	sst s2  }
0x8f: {  	_ = 	snop  }
0x90: {  	s2 =	sld [smem:$0x3FD0];
	(tm) =	ssettm $0x1  }
0x91: {  	s18 =	sld [smem:$0x3FFB];
	_ =	sdelay $0x3  }
0x92: {  	_ =	strace s18  }
0x93: {  	s3 =	sld [smem:$0x3FFC];
	_ =	sdelay $0x3  }
0x94: {  	_ =	strace s3  }
0x95: {  	s3 =	sld [smem:$0x3FFD];
	_ =	sdelay $0x3  }
0x96: {  	_ =	strace s3  }
0x97: {  	_ =	strace $0x8FFFFFFF  }
0x98: {  	s19 =	sld [smem:$0x3FDB];
	_ =	sdelay $0x1  }
0x99: {  	s4 =	simm.s32 $_scs_section_size  }
0x9a: {  	s5 =	simm.s32 $_size__tile_overlayer_lowered;
	s6 =	simm.s32 $_tile_overlayer_lowered  }
0x9b: {  	s22 =	simm.s32 $0x1BFF;
	s21 =	sshll.u32 s6, $0x1;
	s3 =	sadd.s32 s4, s19  }
0x9c: {  	s7 =	simm.s32 $0x0;
	s20 =	sshll.u32 s5, $0x1;
	s5 =	sadd.s32 s21, s3  }
0x9d: {  	[timem:s7], [sflag:s22] =	dma.local [hbm:s5], s20  }
0x9e: {  	_ =	swait.ge [sflag:s22], s20  }
0x9f: {  	s4 =	ssub.s32 $0x0, s20;
	[sflag:s22] =	ssyncset.done $0x0  }
0xa0: {  	[sflag:s22] =	ssyncadd.s32 s4;
	_ =	sdelay $0x1  }
0xa1: {  	s23 =	simm.s32 $0x1B8B  }
0xa2: {  	_ =	swait.ge [sflag:s23], $0x1  }
0xa3: {  	[sflag:s23] =	ssyncset.done $0x0  }
0xa4: {  	s25 =	simm.s32 $0x1B8E;
	s24 =	sld [smem:$0x3FFE];
	[sflag:s23] =	ssyncadd.s32 $0xFFFFFFFF  }
0xa5: {  	s26 =	simm.s32 $execute0_lowered;
	[smem:$0x3FD2] =	sst s25  }
0xa6: {  	s5 =	sshll.u32 s26, $0x1;
	_ =	strace $0x8000004C;
	[dreg:$0x1] =	wrdreg $0xFFFFFFFF  }
0xa7: {  	s28 =	simm.s32 $_size_execute0_lowered;
	s3 =	sadd.s32 s3, s5;
	[dreg:$0x0] =	wrdreg $0x0  }
0xa8: {  	s5 =	sshll.u32 s28, $0x1;
	[dreg:$0x2] =	wrdreg s3  }
0xa9: {  	[dreg:$0x3] =	wrdreg s5  }
0xaa: {  	[dreg:$0x4] =	wrdreg $0xC0  }
0xab: {  	_ =	task [dreg:s7], $0x5FFFF  }
0xac: {  	[dreg:$0x1] =	wrdreg $0xFFFFFFFF  }
0xad: {  	[dreg:$0x0] =	wrdreg $0x60  }
0xae: {  	[dreg:$0x2] =	wrdreg s2  }
0xaf: {  	[dreg:$0x3] =	wrdreg s24  }
0xb0: {  	[dreg:$0x4] =	wrdreg $0x84000  }
0xb1: {  	[dreg:$0x5] =	wrdreg $0x9  }
0xb2: {  	_ =	task.clear_ibuf [dreg:s7], $0x6FFFF;
	_ =	strace $0x9000004C  }
0xb3: {  	s29 =	simm.s32 $0x9;
	_ =	strace $0x8000004E  }
0xb4: {  	_ =	swait.ge [sflag:s29], $0x1  }
0xb5: {  	[sflag:s29] =	ssyncadd.s32 $0xFFFFFFFF  }
0xb6: {  	_ =	strace $0x9000004E  }
0xb7: {  	_ =	sfence  }
0xb8: {  	s30 =	sld [smem:$0x0];
	_ =	sdelay $0x2  }
0xb9: {  	s31 =	sshll.u32 s1, $0xD;
	s1 =	sshrl.u32 s1, $0x2  }
0xba: {  	s3 =	sand.u32 $0x4000, s31;
	s1 =	sadd.s32 s1, s30  }
0xbb: {  	s0 =	sor.u32 s3, s0;
	s1 =	sshll.u32 s1, $0x11  }
0xbc: {  	s0 =	sor.u32 s1, s0  }
0xbd: {  	s0 =	sadd.s32 $0x8F2B, s0  }
0xbe: {  	[sflag:s0] =	ssyncadd.remote.s32 $0x1  }
0xbf: {  	_ =	sfence.sel $0xFFFF  }
0xc0: {  	[dreg:$0x0] =	wrdreg $0xFFFFFFFF;
	(pc) =	sbr.abs _section_cstart, $3  }
0xc1: {  	[dreg:$0x1] =	wrdreg $0xFFFFFFFF  }
0xc2: {  	_ =	task.clear_ibuf [dreg:s7], $0x2FFFF;
	_ =	strace $0x9FFFFFFF  }
0xc3: {  	(tm) =	ssettm $0x7FFFFFFF  }
tec
execute0_lowered:
.L_overlay_start_1:
0x0: {  	(tag) =	ssettag $0x1  }
0x1: {  	s1 =	rddreg [dreg:$0x0]  }
0x2: {  	s0 =	rddreg [dreg:$0x1]  }
0x3: {  	s2 =	rddreg [dreg:$0x2]  }
0x4: {  	s3 =	srdreg.scid;
	s4 =	simm.s32 $0x0;
	s11 =	stileid.u32  }
0x5: {  	s28 =	simm.s32 $0x4400;
	s29 =	simm.s32 $0x2;
	s30 =	simm.s32 $0x180  }
0x6: {  	s31 =	simm.s32 $0x3;
	s3 =	sand.u32 $0x1, s3;
	s6 =	smul.u32 $0x13C00, s11  }
0x7: {  	[smem:$0x7FF] =	sst s4;
	s8 =	sadd.s32 $0xC600, s0;
	s9 =	smul.u32 $0x4F000, s11  }
0x8: {  	s7 =	sadd.s32 $0x2800, s0;
	s13 =	sshll.u32 s11, $0x1;
	s16 =	smul.u32 $0xA000, s11  }
0x9: {  	s18 =	sshll.u32 s11, $0x6;
	s5 =	smul.u32 $0x13C000, s3;
	_ =	strace $0x8000004D  }
0xa: {  	[dreg:$0x4] =	wrdreg s7;
	s14 =	ssub.s32 $0x2, s3;
	s7 =	sor.u32 $0x1C09, s18  }
0xb: {  	s18 =	simm.s32 $0x9;
	s10 =	sshrl.u32 s14, $0x1;
	s17 =	sshrl.u32 s9, $0x2  }
0xc: {  	s5 =	sadd.s32 s6, s5;
	s6 =	sor.u32 s3, s13;
	s15 =	ssub.s32 s14, s10  }
0xd: {  	s3 =	smul.u32 $0x5000, s3;
	s9 =	sadd.s32 s17, s2;
	s10 =	simm.s32 $0x0  }
0xe: {  	s5 =	sshrl.u32 s5, $0x3;
	s6 =	smul.u32 $0x5000, s6;
	s22 =	smax.u32 s15, $0x1  }
0xf: {  	s11 =	sshrl.u32 s9, $0x3;
	s9 =	simm.s32 $0x380;
	s0 =	sadd.s32 s5, s0  }
0x10: {  	s3 =	sadd.s32 s3, s16;
	[dreg:$0xa] =	wrdreg s22;
	s22 =	simm.s32 $0x5  }
0x11: {  	[dreg:$0xb] =	wrdreg s11;
	s6 =	sshrl.u32 s6, $0x3;
	s21 =	sor.u32 $0x600, s3  }
0x12: {  	s0 =	sadd.s32 $0x502600, s0;
	s24 =	sor.u32 $0x500, s3;
	s25 =	sor.u32 $0x400, s3  }
0x13: {  	s3 =	sor.u32 $0x300, s3;
	s6 =	sadd.s32 s8, s6;
	[dreg:$0x9] =	wrdreg s0  }
0x14: {  	s23 =	sshrl.u32 s21, $0x3;
	s0 =	sshrl.u32 s24, $0x3;
	s5 =	sshrl.u32 s25, $0x3  }
0x15: {  	s26 =	sshrl.u32 s3, $0x3;
	s21 =	simm.s32 $0x300;
	s24 =	simm.s32 $0x400  }
0x16: {  	s25 =	simm.s32 $0x1;
	s3 =	simm.s32 $0x280;
	s19 =	sadd.s32 $0x20, s6  }
0x17: {  	s20 =	sadd.s32 $0x40, s6;
	[dreg:$0x5] =	wrdreg s6;
	s6 =	sadd.s32 $0x60, s6  }
.Ltmp0:
0x18: {  	s13 =	sadd.s32 s23, s8;
	s14 =	sadd.s32 s0, s8;
	(pc) =	sbr.rel .LBB2_1-.Ltmp0, $4  }
0x19: {  	s15 =	sadd.s32 s5, s8;
	s16 =	sadd.s32 s26, s8;
	s23 =	simm.s32 $0x80  }
0x1a: {  	s26 =	simm.s32 $0x6;
	s0 =	simm.s32 $0x7;
	[dreg:$0x6] =	wrdreg s19  }
0x1b: {  	s5 =	simm.s32 $0x4;
	s8 =	simm.s32 $0x8;
	[dreg:$0x7] =	wrdreg s20  }
0x1c: {  	[dreg:$0x8] =	wrdreg s6;
	s19 =	simm.s32 $0x100;
	s20 =	simm.s32 $0x200  }
.LBB2_4:
0x1d: {  	_ =	swait.ge [sflag:s5], $0x4000  }
0x1e: {  	[sflag:s5] =	ssyncset.done $0x0  }
0x1f: {  	[sflag:s5] =	ssyncadd.s32 $0xFFFFC000  }
0x20: {  	[bflag:$0x0] =	sbarrier.arrive $0xFFFF  }
0x21: {  	s6 =	rddreg [dreg:$0x9]  }
0x22: {  	s11 =	rddreg [dreg:$0xb]  }
0x23: {  	[hbm:s6], [sflag:s17] =	dma.local [spmem:s11], $0x2780  }
0x24: {  	_ =	swait.ge [sflag:s18], $0x2780  }
0x25: {  	s7 =	smov.u32 s17;
	s10 =	sadd.s32 $0x1, s10;
	s17 =	rddreg [dreg:$0xa]  }
0x26: {  	p0 =	sne.s32 s10, s17  }
.Ltmp1:
0x27: {  	_ = 	snop;
	(pc) =	sbr.rel @!p0 .LBB2_5-.Ltmp1, $3  }
0x28: {  	_ =	sdelay $0x1  }
0x29: {  	[sflag:s18] =	ssyncset.done $0x0  }
0x2a: {  	[sflag:s18] =	ssyncadd.s32 $0xFFFFD880  }
.LBB2_1:
0x2b: {  	s6 =	rddreg [dreg:$0x4]  }
0x2c: {  	[spmem:s11], [sflag:s7] =	dma.local [hbm:s6], $0x2780  }
0x2d: {  	_ =	swait.ge [sflag:s18], $0x2780  }
0x2e: {  	[sflag:s18] =	ssyncset.done $0x0  }
0x2f: {  	[sflag:s18] =	ssyncadd.s32 $0xFFFFD880  }
0x30: {  	[bflag:$0x0] =	sbarrier.arrive $0xFFFF  }
0x31: {  	s12 =	rddreg [dreg:$0x5]  }
0x32: {  	[tilespmem:s4], [sflag:$0x5] =	stream.linear.gather [hbm4b:s12+s4], $0x100, $0x38;
	[tilespmem:$0x1C000] =	vst v63  }
0x33: {  	s17 =	smov.u32 s7;
	s7 =	rddreg [dreg:$0x6]  }
0x34: {  	[tilespmem:s19], [sflag:$0x6] =	stream.linear.gather [hbm4b:s7+s4], $0x100, $0x38;
	[tilespmem:$0x1C000] =	vst v63  }
0x35: {  	s11 =	rddreg [dreg:$0x7]  }
0x36: {  	[tilespmem:s20], [sflag:$0x7] =	stream.linear.gather [hbm4b:s11+s4], $0x100, $0x38;
	[tilespmem:$0x1C000] =	vst v63  }
0x37: {  	s12 =	rddreg [dreg:$0x8]  }
0x38: {  	[tilespmem:s21], [sflag:$0x8] =	stream.linear.gather [hbm4b:s12+s4], $0x100, $0x38;
	[tilespmem:$0x1C000] =	vst v63  }
0x39: {  	_ =	swait.ge [sflag:s22], $0x100  }
0x3a: {  	[sflag:s22] =	ssyncset.done $0x0  }
0x3b: {  	s11 =	simm.s32 $0x0;
	[sflag:s22] =	ssyncadd.s32 $0xFFFFFF00  }
0x3c: {  	[tilespmem:s24], [sflag:$0x1] =	stream.indirect.gather [hbm4b:s1+s23], $0x80, s4, s23, $0xb8;
	[tilespmem:$0x1C000] =	vst v63  }
.LBB2_2:
0x3d: {  	_ =	swait.ge [sflag:s25], $0x4000  }
0x3e: {  	p0 =	seq.s32 s11, $0x0;
	[sflag:s25] =	ssyncset.done $0x0  }
0x3f: {  	s12 =	simm.s32 @!p0 $0x4;
	[sflag:s25] =	ssyncadd.s32 $0xFFFFC000  }
0x40: {  	[spmem:s2] =	stream.indirect.scatter.add.f32 [tilespmem:s24], [sflag:$0x3], $0x80, s23, s23, $0xb8;
	[tilespmem:$0x1C000] =	vst v63  }
0x41: {  	_ =	swait.ge @!p0 [sflag:s12], $0x4000  }
0x42: {  	s6 =	simm.s32 @!p0 $0x0;
	[sflag:s12] =	ssyncset.done @!p0 $0x0  }
0x43: {  	s7 =	simm.s32 @!p0 $0x300;
	[sflag:s12] =	ssyncadd.s32 @!p0 $0xFFFFC000;
	s12 =	sadd.s32 @!p0 s11, s16  }
0x44: {  	[tilespmem:s7], [sflag:$0x8] =	stream.linear.gather @!p0 [hbm4b:s12+s6], $0x100, $0x38;
	[tilespmem:$0x1C000] =	vst v63  }
0x45: {  	_ =	swait.ge [sflag:s26], $0x100  }
0x46: {  	[sflag:s26] =	ssyncset.done $0x0  }
0x47: {  	[sflag:s26] =	ssyncadd.s32 $0xFFFFFF00  }
0x48: {  	[tilespmem:s28], [sflag:$0x2] =	stream.indirect.gather [hbm4b:s1+s23], $0x80, s19, s23, $0xb8;
	[tilespmem:$0x1C000] =	vst v63  }
0x49: {  	_ =	swait.ge [sflag:s29], $0x4000  }
0x4a: {  	[sflag:s29] =	ssyncset.done $0x0  }
0x4b: {  	[sflag:s29] =	ssyncadd.s32 $0xFFFFC000  }
0x4c: {  	[spmem:s2] =	stream.indirect.scatter.add.f32 [tilespmem:s28], [sflag:$0x4], $0x80, s30, s23, $0xb8;
	[tilespmem:$0x1C000] =	vst v63  }
0x4d: {  	_ =	swait.ge [sflag:s31], $0x4000  }
0x4e: {  	p0 =	seq.s32 s11, $0x980;
	[sflag:s31] =	ssyncset.done $0x0  }
0x4f: {  	s6 =	sadd.s32 @!p0 s11, s15;
	s7 =	simm.s32 @!p0 $0x0;
	[sflag:s31] =	ssyncadd.s32 $0xFFFFC000  }
0x50: {  	[tilespmem:s7], [sflag:$0x5] =	stream.linear.gather @!p0 [hbm4b:s6+s7], $0x100, $0x38;
	[tilespmem:$0x1C000] =	vst v63  }
0x51: {  	_ =	swait.ge [sflag:s0], $0x100  }
0x52: {  	[sflag:s0] =	ssyncset.done $0x0  }
0x53: {  	[sflag:s0] =	ssyncadd.s32 $0xFFFFFF00  }
0x54: {  	[tilespmem:s24], [sflag:$0x1] =	stream.indirect.gather [hbm4b:s1+s23], $0x80, s20, s23, $0xb8;
	[tilespmem:$0x1C000] =	vst v63  }
0x55: {  	_ =	swait.ge [sflag:s25], $0x4000  }
0x56: {  	[sflag:s25] =	ssyncset.done $0x0  }
0x57: {  	[sflag:s25] =	ssyncadd.s32 $0xFFFFC000  }
0x58: {  	[spmem:s2] =	stream.indirect.scatter.add.f32 [tilespmem:s24], [sflag:$0x3], $0x80, s3, s23, $0xb8;
	[tilespmem:$0x1C000] =	vst v63  }
0x59: {  	_ =	swait.ge [sflag:s5], $0x4000  }
0x5a: {  	[sflag:s5] =	ssyncset.done $0x0  }
0x5b: {  	s12 =	simm.s32 @!p0 $0x100;
	s6 =	sadd.s32 @!p0 s11, s14;
	[sflag:s5] =	ssyncadd.s32 $0xFFFFC000  }
0x5c: {  	[tilespmem:s12], [sflag:$0x6] =	stream.linear.gather @!p0 [hbm4b:s6+s7], $0x100, $0x38;
	[tilespmem:$0x1C000] =	vst v63  }
0x5d: {  	_ =	swait.ge [sflag:s8], $0x100  }
0x5e: {  	[sflag:s8] =	ssyncset.done $0x0  }
0x5f: {  	[sflag:s8] =	ssyncadd.s32 $0xFFFFFF00  }
0x60: {  	[tilespmem:s28], [sflag:$0x2] =	stream.indirect.gather [hbm4b:s1+s23], $0x80, s21, s23, $0xb8;
	[tilespmem:$0x1C000] =	vst v63  }
0x61: {  	_ =	swait.ge [sflag:s29], $0x4000  }
0x62: {  	[sflag:s29] =	ssyncset.done $0x0  }
.Ltmp2:
0x63: {  	[sflag:s29] =	ssyncadd.s32 $0xFFFFC000;
	(pc) =	sbr.rel @p0 .LBB2_4-.Ltmp2, $4  }
0x64: {  	[spmem:s2] =	stream.indirect.scatter.add.f32 [tilespmem:s28], [sflag:$0x4], $0x80, s9, s23, $0xb8;
	[tilespmem:$0x1C000] =	vst v63  }
0x65: {  	_ =	swait.ge [sflag:s31], $0x4000  }
0x66: {  	[sflag:s31] =	ssyncset.done $0x0  }
0x67: {  	[sflag:s31] =	ssyncadd.s32 $0xFFFFC000  }
0x68: {  	s6 =	sadd.s32 s11, s13  }
0x69: {  	[tilespmem:s20], [sflag:$0x7] =	stream.linear.gather [hbm4b:s6+s4], $0x100, $0x38;
	[tilespmem:$0x1C000] =	vst v63  }
.Ltmp3:
0x6a: {  	_ = 	snop;
	(pc) =	sbr.rel .LBB2_2-.Ltmp3, $4  }
0x6b: {  	_ =	swait.ge [sflag:s22], $0x100  }
0x6c: {  	[sflag:s22] =	ssyncset.done $0x0  }
0x6d: {  	s11 =	sadd.s32 $0x80, s11;
	[sflag:s22] =	ssyncadd.s32 $0xFFFFFF00  }
0x6e: {  	[tilespmem:s24], [sflag:$0x1] =	stream.indirect.gather [hbm4b:s1+s23], $0x80, s4, s23, $0xb8;
	[tilespmem:$0x1C000] =	vst v63  }
.LBB2_5:
0x6f: {  	_ =	sfence.sel $0x180000  }
0x70: {  	[bflag:$0x0] =	sbarrier.arrive $0xFFFF  }
0x71: {  	_ =	strace $0x9000004D  }
0x72: {  	s0 =	stileid.u32;
	[bflag:$0x2] =	sbarrier.arrive $0xFFFF  }
0x73: {  	p0 =	sne.s32 s0, $0x0;
	s0 =	rddreg [dreg:$0x3]  }
0x74: {  	s0 =	sadd.s32 @!p0 $0x100000, s0  }
0x75: {  	[sflag:s0] =	ssyncadd.tile.s32 @!p0 $0x1;
	_ =	shalt  }
.Lfunc_end2:
_tile_overlayer_lowered:
.L_overlay_start_2:
0x76: {  	(tag) =	ssettag $0x2  }
0x77: {  	s0 =	rddreg [dreg:$0x0];
	s2 =	stileid.u32  }
0x78: {  	s1 =	rddreg [dreg:$0x1];
	p0 =	sne.s32 s2, $0x0  }
0x79: {  	s3 =	rddreg [dreg:$0x2];
	[bflag:$0x3] =	sbarrier.arrive $0xFFFF;
	s2 =	simm.s32 @!p0 $0x1C09  }
0x7a: {  	[timem:s3], [sflag:s2] =	dma.local @!p0 [hbm:s0], s1  }
0x7b: {  	s0 =	simm.s32 @!p0 $0x9  }
0x7c: {  	_ =	swait.ge @!p0 [sflag:s0], s1  }
0x7d: {  	s1 =	ssub.s32 @!p0 $0x0, s1;
	[sflag:s0] =	ssyncset.done @!p0 $0x0  }
0x7e: {  	[sflag:s0] =	ssyncadd.s32 @!p0 s1  }
0x7f: {  	[bflag:$0x3] =	sbarrier.arrive $0xFFFF  }
0x80: {  	_ =	shalt  }

// kernel: kernel.8.cloned.1.call-start
scs
__scs_entry_jumppad:
0x0: {  	(pc) =	sbr.rel $0x88, $3  }
0x1: {  	(tag) =	ssettag $0x0;
	lr =	simm.s32 $0x1  }
0x2: {  	[smem:$0x3F9B] =	sst lr;
	_ =	strace $0xD0000000  }
0x3: {  	_ = 	snop  }
0x4: {  	_ = 	snop  }
0x5: {  	_ = 	snop  }
0x6: {  	_ = 	snop  }
0x7: {  	_ = 	snop  }
__scs_overlays_trampoline_lowered:
0x8: {  	[smem:$0x3FAA] =	sst s0  }
0x9: {  	[smem:$0x3FAB] =	sst s1  }
0xa: {  	[smem:$0x3FAC] =	sst s2  }
0xb: {  	[smem:$0x3FAD] =	sst s3  }
0xc: {  	[smem:$0x3FAE] =	sst s4  }
0xd: {  	[smem:$0x3FAF] =	sst s5  }
0xe: {  	[smem:$0x3FB0] =	sst s6  }
0xf: {  	[smem:$0x3FB1] =	sst s7  }
0x10: {  	[smem:$0x3FB2] =	sst s8  }
0x11: {  	[smem:$0x3FB3] =	sst s9;
	s0 =	simm.s32 @!p0 $0x0  }
0x12: {  	s1 =	sld [smem:$0x3F99];
	s0 =	simm.s32 @p0 $0x1  }
0x13: {  	[smem:$0x3FB4] =	sst s0;
	s0 =	simm.s32 @!p1 $0x0  }
0x14: {  	s2 =	sld [smem:$0x3F98];
	s0 =	simm.s32 @p1 $0x1  }
0x15: {  	[smem:$0x3FB5] =	sst s0;
	s0 =	simm.s32 @!p2 $0x0  }
0x16: {  	s3 =	sld [smem:$0x3FDB];
	s0 =	simm.s32 @p2 $0x1  }
0x17: {  	s4 =	simm.s32 $0x1BF5;
	[smem:$0x3FB7] =	sst s0  }
0x18: {  	s0 =	sld [smem:$0x3F9A];
	_ =	swait.ge [sflag:s4], $0x0  }
0x19: {  	s7 =	sld [smem:$0x3F9B]  }
0x1a: {  	s8 =	sadd.s32 $0xFFFFE003, lr  }
0x1b: {  	s9 =	sadd.s32 $0xFFFFFEF7, lr;
	s5 =	simm.s32 $0xFFFFFFFF;
	p2 =	slt.u32 s8, $0xFFFFF086  }
0x1c: {  	p1 =	slt.u32 s9, $0xF7A;
	s5 =	simm.s32 @!p2 $0x0  }
0x1d: {  	s5 =	simm.s32 @p1 $0x1;
	p0 =	seq.s32 s7, s2  }
0x1e: {  	s7 =	smul.u32 @!p0 $0xF7A, s2;
	p2 =	seq.s32 @!p0 s5, $0x0  }
0x1f: {  	s9 =	smul.u32 $0xF7A, s1;
	s8 =	simm.s32 @!p0 $0x1BF5;
	p2 =	por !p2, p0  }
0x20: {  	[sflag:s8] =	ssyncset.s32 @!p0 $0xFFFFF086;
	s6 =	sadd.s32 @!p0 s3, s7;
	s7 =	simm.s32 @!p0 $0x108  }
0x21: {  	s3 =	sadd.s32 s3, s9;
	s6 =	sadd.s32 @!p0 $0x88, s6;
	s7 =	simm.s32 @p2 $0x1082  }
0x22: {  	[simem:s7], [sflag:s8] =	dma.local @!p0 [hbm:s6], $0xF7A  }
0x23: {  	s9 =	sor.u32 $0xD0000000, s2;
	s6 =	simm.s32 $0x108;
	_ =	swait.ge @!p0 [sflag:s8], $0x0  }
0x24: {  	s3 =	sadd.s32 $0x88, s3;
	s6 =	simm.s32 @!p1 $0x1082;
	[sflag:s4] =	ssyncset.s32 $0xFFFFF086  }
0x25: {  	[simem:s6], [sflag:s4] =	dma.local [hbm:s3], $0xF7A  }
0x26: {  	[smem:$0x3F9B] =	sst s1;
	(tag) =	ssettag s2;
	_ =	strace s9  }
0x27: {  	s1 =	sld [smem:$0x3FAB]  }
0x28: {  	s2 =	sld [smem:$0x3FAC]  }
0x29: {  	s4 =	sld [smem:$0x3FAE]  }
0x2a: {  	p0 =	seq.s32 s5, $0x0;
	s5 =	sld [smem:$0x3FAF]  }
0x2b: {  	s6 =	sld [smem:$0x3FB0]  }
0x2c: {  	s7 =	sld [smem:$0x3FB1]  }
0x2d: {  	s3 =	simm.s32 $0x108;
	s8 =	sld [smem:$0x3FB2]  }
0x2e: {  	s3 =	simm.s32 @!p0 $0x1082;
	s9 =	sld [smem:$0x3FB3]  }
0x2f: {  	lr =	sadd.s32 s0, s3;
	s0 =	sld [smem:$0x3FAA]  }
0x30: {  	s3 =	sld [smem:$0x3FAD]  }
0x31: {  	[smem:$0x3FB6] =	sst s10  }
0x32: {  	s10 =	sld [smem:$0x3FB4];
	_ =	sdelay $0x3  }
0x33: {  	p0 =	seq.s32 s10, $0x1;
	s10 =	sld [smem:$0x3FB6];
	_ =	sdelay $0x3  }
0x34: {  	[smem:$0x3FB6] =	sst s10  }
0x35: {  	s10 =	sld [smem:$0x3FB5];
	_ =	sdelay $0x3  }
0x36: {  	p1 =	seq.s32 s10, $0x1;
	s10 =	sld [smem:$0x3FB6];
	_ =	sdelay $0x3  }
0x37: {  	[smem:$0x3FB6] =	sst s10  }
0x38: {  	s10 =	sld [smem:$0x3FB7]  }
0x39: {  	_ = 	snop;
	(pc) =	sbr.ind lr, $3  }
0x3a: {  	_ = 	snop  }
0x3b: {  	_ = 	snop  }
0x3c: {  	p2 =	seq.s32 s10, $0x1;
	s10 =	sld [smem:$0x3FB6]  }
0x3d: {  	_ =	shalt  }
0x3e: {  	_ =	shalt  }
0x3f: {  	_ =	shalt  }
0x40: {  	_ =	shalt  }
0x41: {  	_ =	shalt  }
0x42: {  	_ =	shalt  }
0x43: {  	_ =	shalt  }
0x44: {  	_ =	shalt  }
0x45: {  	_ =	shalt  }
0x46: {  	_ =	shalt  }
0x47: {  	_ =	shalt  }
0x48: {  	_ =	shalt  }
0x49: {  	_ =	shalt  }
0x4a: {  	_ =	shalt  }
0x4b: {  	_ =	shalt  }
0x4c: {  	_ =	shalt  }
0x4d: {  	_ =	shalt  }
0x4e: {  	_ =	shalt  }
0x4f: {  	_ =	shalt  }
0x50: {  	_ =	shalt  }
0x51: {  	_ =	shalt  }
0x52: {  	_ =	shalt  }
0x53: {  	_ =	shalt  }
0x54: {  	_ =	shalt  }
0x55: {  	_ =	shalt  }
0x56: {  	_ =	shalt  }
0x57: {  	_ =	shalt  }
0x58: {  	_ =	shalt  }
0x59: {  	_ =	shalt  }
0x5a: {  	_ =	shalt  }
0x5b: {  	_ =	shalt  }
0x5c: {  	_ =	shalt  }
0x5d: {  	_ =	shalt  }
0x5e: {  	_ =	shalt  }
0x5f: {  	_ =	shalt  }
0x60: {  	_ =	shalt  }
0x61: {  	_ =	shalt  }
0x62: {  	_ =	shalt  }
0x63: {  	_ =	shalt  }
0x64: {  	_ =	shalt  }
0x65: {  	_ =	shalt  }
0x66: {  	_ =	shalt  }
0x67: {  	_ =	shalt  }
0x68: {  	_ =	shalt  }
0x69: {  	_ =	shalt  }
0x6a: {  	_ =	shalt  }
0x6b: {  	_ =	shalt  }
0x6c: {  	_ =	shalt  }
0x6d: {  	_ =	shalt  }
0x6e: {  	_ =	shalt  }
0x6f: {  	_ =	shalt  }
0x70: {  	_ =	shalt  }
0x71: {  	_ =	shalt  }
0x72: {  	_ =	shalt  }
0x73: {  	_ =	shalt  }
0x74: {  	_ =	shalt  }
0x75: {  	_ =	shalt  }
0x76: {  	_ =	shalt  }
0x77: {  	_ =	shalt  }
0x78: {  	_ =	shalt  }
0x79: {  	_ =	shalt  }
0x7a: {  	_ =	shalt  }
0x7b: {  	_ =	shalt  }
0x7c: {  	_ =	shalt  }
0x7d: {  	_ =	shalt  }
0x7e: {  	_ =	shalt  }
0x7f: {  	_ =	shalt  }
0x80: {  	_ =	shalt  }
0x81: {  	_ =	shalt  }
0x82: {  	_ =	shalt  }
0x83: {  	_ =	shalt  }
0x84: {  	_ =	shalt  }
0x85: {  	_ =	shalt  }
0x86: {  	_ =	shalt  }
0x87: {  	_ =	shalt  }
.Lfunc_end0:
.L_simem_size_0:
called_computation_lowered:
.L_overlay_start_0:
0x88: {  	s2 =	sld [smem:$0x3FD9]  }
0x89: {  	s3 =	sld [smem:$0x3FFE];
	_ =	sdelay $0x1  }
0x8a: {  	s1 =	srdreg.scid  }
0x8b: {  	s0 =	sand.u32 $0x1, s1  }
0x8c: {  	s17 =	sshll.u32 s0, $0xA;
	s2 =	sadd.s32 s3, s2  }
0x8d: {  	s2 =	sadd.s32 s2, s17  }
0x8e: {  	[smem:$0x3FC2] =	sst s2  }
0x8f: {  	_ = 	snop  }
0x90: {  	s2 =	sld [smem:$0x3FD0];
	(tm) =	ssettm $0x1  }
0x91: {  	s18 =	sld [smem:$0x3FFB];
	_ =	sdelay $0x3  }
0x92: {  	_ =	strace s18  }
0x93: {  	s3 =	sld [smem:$0x3FFC];
	_ =	sdelay $0x3  }
0x94: {  	_ =	strace s3  }
0x95: {  	s3 =	sld [smem:$0x3FFD];
	_ =	sdelay $0x3  }
0x96: {  	_ =	strace s3  }
0x97: {  	_ =	strace $0x8FFFFFFF  }
0x98: {  	s19 =	sld [smem:$0x3FDB];
	_ =	sdelay $0x1  }
0x99: {  	s4 =	simm.s32 $_scs_section_size  }
0x9a: {  	s5 =	simm.s32 $_size__tile_overlayer_lowered;
	s6 =	simm.s32 $_tile_overlayer_lowered  }
0x9b: {  	s22 =	simm.s32 $0x1BFF;
	s21 =	sshll.u32 s6, $0x1;
	s3 =	sadd.s32 s4, s19  }
0x9c: {  	s7 =	simm.s32 $0x0;
	s20 =	sshll.u32 s5, $0x1;
	s5 =	sadd.s32 s21, s3  }
0x9d: {  	[timem:s7], [sflag:s22] =	dma.local [hbm:s5], s20  }
0x9e: {  	_ =	swait.ge [sflag:s22], s20  }
0x9f: {  	s4 =	ssub.s32 $0x0, s20;
	[sflag:s22] =	ssyncset.done $0x0  }
0xa0: {  	[sflag:s22] =	ssyncadd.s32 s4;
	_ =	sdelay $0x1  }
0xa1: {  	s23 =	simm.s32 $0x1B8B  }
0xa2: {  	_ =	swait.ge [sflag:s23], $0x1  }
0xa3: {  	[sflag:s23] =	ssyncset.done $0x0  }
0xa4: {  	s25 =	simm.s32 $0x1B8E;
	s24 =	sld [smem:$0x3FFE];
	[sflag:s23] =	ssyncadd.s32 $0xFFFFFFFF  }
0xa5: {  	s26 =	simm.s32 $execute0_lowered;
	[smem:$0x3FD2] =	sst s25  }
0xa6: {  	s5 =	sshll.u32 s26, $0x1;
	_ =	strace $0x80000046;
	[dreg:$0x1] =	wrdreg $0xFFFFFFFF  }
0xa7: {  	s28 =	simm.s32 $_size_execute0_lowered;
	s3 =	sadd.s32 s3, s5;
	[dreg:$0x0] =	wrdreg $0x0  }
0xa8: {  	s5 =	sshll.u32 s28, $0x1;
	[dreg:$0x2] =	wrdreg s3  }
0xa9: {  	[dreg:$0x3] =	wrdreg s5  }
0xaa: {  	[dreg:$0x4] =	wrdreg $0xC0  }
0xab: {  	_ =	task [dreg:s7], $0x5FFFF  }
0xac: {  	[dreg:$0x1] =	wrdreg $0xFFFFFFFF  }
0xad: {  	[dreg:$0x0] =	wrdreg $0x60  }
0xae: {  	[dreg:$0x2] =	wrdreg s2  }
0xaf: {  	[dreg:$0x3] =	wrdreg s24  }
0xb0: {  	[dreg:$0x4] =	wrdreg $0x9  }
0xb1: {  	_ =	task.clear_ibuf [dreg:s7], $0x5FFFF;
	_ =	strace $0x90000046  }
0xb2: {  	s29 =	simm.s32 $0x9;
	_ =	strace $0x80000048  }
0xb3: {  	_ =	swait.ge [sflag:s29], $0x1  }
0xb4: {  	[sflag:s29] =	ssyncadd.s32 $0xFFFFFFFF  }
0xb5: {  	_ =	strace $0x90000048  }
0xb6: {  	_ =	sfence  }
0xb7: {  	s30 =	sld [smem:$0x0];
	_ =	sdelay $0x2  }
0xb8: {  	s31 =	sshll.u32 s1, $0xD;
	s1 =	sshrl.u32 s1, $0x2  }
0xb9: {  	s3 =	sand.u32 $0x4000, s31;
	s1 =	sadd.s32 s1, s30  }
0xba: {  	s0 =	sor.u32 s3, s0;
	s1 =	sshll.u32 s1, $0x11  }
0xbb: {  	s0 =	sor.u32 s1, s0  }
0xbc: {  	s0 =	sadd.s32 $0x8F2B, s0  }
0xbd: {  	[sflag:s0] =	ssyncadd.remote.s32 $0x1  }
0xbe: {  	_ =	sfence.sel $0xFFFF  }
0xbf: {  	[dreg:$0x0] =	wrdreg $0xFFFFFFFF;
	(pc) =	sbr.abs _section_cstart, $3  }
0xc0: {  	[dreg:$0x1] =	wrdreg $0xFFFFFFFF  }
0xc1: {  	_ =	task.clear_ibuf [dreg:s7], $0x2FFFF;
	_ =	strace $0x9FFFFFFF  }
0xc2: {  	(tm) =	ssettm $0x7FFFFFFF  }
0xc3: {  	_ =	shalt  }
tec
execute0_lowered:
.L_overlay_start_1:
0x0: {  	(tag) =	ssettag $0x1  }
0x1: {  	s3 =	rddreg [dreg:$0x0]  }
0x2: {  	s4 =	rddreg [dreg:$0x1]  }
0x3: {  	s0 =	rddreg [dreg:$0x2];
	s2 =	simm.s32 $0x0;
	s1 =	stileid.u32  }
0x4: {  	s5 =	srdreg.scid;
	[smem:$0x7FF] =	sst s2  }
0x5: {  	s6 =	sshrl.u32 s1, $0x2;
	s5 =	sand.u32 $0x1, s5;
	s7 =	sshll.u32 s1, $0x8  }
0x6: {  	s8 =	smul.u32 $0x13C00, s6;
	s9 =	sshll.u32 s5, $0x7;
	s7 =	sand.u32 $0x300, s7  }
0x7: {  	s6 =	smul.u32 $0x14000, s6;
	_ =	strace $0x80000047;
	s5 =	ssub.s32 $0x2, s5  }
0x8: {  	s7 =	sor.u32 s9, s7;
	s31 =	sshrl.u32 s5, $0x1;
	s9 =	simm.s32 $0x2800  }
0x9: {  	s8 =	sor.u32 s8, s7;
	s6 =	sor.u32 s6, s7;
	s5 =	ssub.s32 s5, s31  }
0xa: {  	s7 =	simm.s32 $0x400;
	s30 =	sshrl.u32 s8, $0x3;
	s6 =	sshrl.u32 s6, $0x3  }
0xb: {  	s5 =	smax.u32 s5, $0x1;
	s8 =	simm.s32 $0x1;
	s4 =	sadd.s32 s30, s4  }
0xc: {  	v0 =	vimm.f32 $0.0e+00;
	v1 =	vimm.f32 $1.000000000e+00;
	s3 =	sadd.s32 s3, s6;
	s6 =	simm.s32 $0x80;
	s4 =	sadd.s32 $0x2800, s4  }
.LBB2_1:
0xd: {  	s10 =	simm.s32 $0x40;
	s11 =	simm.s32 $0x0  }
.LBB2_2:
0xe: {  	p0 =	sne.s32 s10, $0x9DC0;
	[tilespmem:s11+$0x2800] =	vst v0;
	s11 =	smov.u32 s10;
	s10 =	sadd.s32 $0x40, s10  }
.Ltmp0:
0xf: {  	(pc) =	sbr.rel @p0 .LBB2_2-.Ltmp0, $2  }
0x10: {  	_ =	sdelay $0x2  }
0x11: {  	s11 =	sshra.s32 s11, $0x2  }
0x12: {  	[tilespmem:s11+$0x2800] =	vst v0;
	s10 =	simm.s32 $0x0  }
0x13: {  	[tilespmem:s10], [sflag:$0x1] =	stream.strided.gather [hbm4b:s3+s6], $0x2800, s7, s6, $0x38;
	[tilespmem:$0x4F80] =	vst v63  }
0x14: {  	_ =	swait.ge [sflag:s8], $0x2800  }
0x15: {  	[sflag:s8] =	ssyncset.done $0x0  }
0x16: {  	s11 =	simm.s32 $0x0;
	s10 =	simm.s32 $0x40;
	[sflag:s8] =	ssyncadd.s32 $0xFFFFD800  }
.LBB2_4:
0x17: {  	p0 =	sne.s32 s10, $0x9FC0;
	v2 =	vld [tilespmem:s11+$0x0];
	_ =	sdelay $0x3  }
.Ltmp1:
0x18: {  	(pc) =	sbr.rel @p0 .LBB2_4-.Ltmp1, $2  }
0x19: {  	_ =	sdelay $0x2  }
0x1a: {  	s11 =	sshra.s32 s10, $0x2;
	s10 =	sadd.s32 $0x40, s10;
	[tilespmem:v2+s9+$0x0] =	vst.idx.add.f32.msk $0xffff, v1  }
0x1b: {  	v2 =	vld [tilespmem:s11+$0x0];
	_ =	sdelay $0x5  }
0x1c: {  	s2 =	sadd.s32 $0x1, s2  }
0x1d: {  	p0 =	sne.s32 s2, s5  }
.Ltmp2:
0x1e: {  	[tilespmem:v2+s9+$0x0] =	vst.idx.add.f32.msk $0xffff, v1;
	(pc) =	sbr.rel @p0 .LBB2_1-.Ltmp2, $4  }
0x1f: {  	[hbm4b:s4+s6] =	stream.strided.scatter [tilespmem:s9], [sflag:$0x1], $0x2780, s7, s6, $0x38;
	[tilespmem:$0x4F80] =	vst v63  }
0x20: {  	_ =	swait.ge [sflag:s8], $0x2780  }
0x21: {  	[sflag:s8] =	ssyncset.done $0x0  }
0x22: {  	[sflag:s8] =	ssyncadd.s32 $0xFFFFD880  }
0x23: {  	_ =	sfence.sel $0x180000  }
0x24: {  	[bflag:$0x0] =	sbarrier.arrive $0xFFFF  }
0x25: {  	p0 =	sne.s32 s1, $0x0;
	_ =	strace $0x90000047  }
0x26: {  	s0 =	sadd.s32 @!p0 $0x100000, s0;
	[bflag:$0x2] =	sbarrier.arrive $0xFFFF  }
0x27: {  	[sflag:s0] =	ssyncadd.tile.s32 @!p0 $0x1;
	_ =	shalt  }
.Lfunc_end2:
_tile_overlayer_lowered:
.L_overlay_start_2:
0x28: {  	(tag) =	ssettag $0x2  }
0x29: {  	s0 =	rddreg [dreg:$0x0];
	s2 =	stileid.u32  }
0x2a: {  	s1 =	rddreg [dreg:$0x1];
	p0 =	sne.s32 s2, $0x0  }
0x2b: {  	s3 =	rddreg [dreg:$0x2];
	[bflag:$0x3] =	sbarrier.arrive $0xFFFF;
	s2 =	simm.s32 @!p0 $0x1C01  }
0x2c: {  	[timem:s3], [sflag:s2] =	dma.local @!p0 [hbm:s0], s1  }
0x2d: {  	s0 =	simm.s32 @!p0 $0x1  }
0x2e: {  	_ =	swait.ge @!p0 [sflag:s0], s1  }
0x2f: {  	s1 =	ssub.s32 @!p0 $0x0, s1;
	[sflag:s0] =	ssyncset.done @!p0 $0x0  }
0x30: {  	[sflag:s0] =	ssyncadd.s32 @!p0 s1  }
0x31: {  	[bflag:$0x3] =	sbarrier.arrive $0xFFFF  }
0x32: {  	_ =	shalt  }

</sc_bundles>
